<compile_context>
chip_gen: v7x
topology: tpu7x:2x2x1
jax: 0.10.2.dev20260603
libtpu: 0.0.44.dev20260713+nightly
codegen_flags: <defaults>
</compile_context>

<pallas_src>
import functools

import jax
import jax.numpy as jnp
from jax import lax
from jax.experimental import pallas as pl
from jax.experimental.pallas import tpu as pltpu
from jax.experimental.pallas import tpu_sc as plsc

N = 10000
NP = 10240
E = 320000
EP = 327680
F = 128
N_CLS = 64

NC = 2
NS = 16
NW = NC * NS
EPW = EP // NW
CHUNK = 128
NCHUNK = EPW // CHUNK
IB = 16
ROWS_PT = NP // NS

_sc_mesh = plsc.VectorSubcoreMesh(core_axis_name="c", subcore_axis_name="s")



@functools.partial(
    pl.kernel,
    out_type=jax.ShapeDtypeStruct((NC, NP, F), jnp.float32),
    mesh=_sc_mesh,
    scratch_types=[
        pltpu.VMEM((NCHUNK, CHUNK), jnp.int32),
        pltpu.VMEM((IB, CHUNK), jnp.int32),
        pltpu.VMEM((CHUNK, F), jnp.float32),
        pltpu.VMEM((CHUNK, F), jnp.float32),
        pltpu.VMEM_SHARED((NP, F), jnp.float32),
        pltpu.SemaphoreType.DMA,
        pltpu.SemaphoreType.DMA,
    ],
)
def _hop_kernel(g_hbm, src_hbm, dst_hbm, zeros_hbm, out_hbm,
                src_v, dst_v, rows0, rows1, acc, sem0, sem1):
    cid = lax.axis_index("c")
    sid = lax.axis_index("s")
    wid = sid * NC + cid
    r0 = sid * ROWS_PT
    pltpu.sync_copy(zeros_hbm.at[pl.ds(r0, ROWS_PT)], acc.at[pl.ds(r0, ROWS_PT)])
    pltpu.sync_copy(src_hbm.at[wid], src_v)
    pltpu.sync_copy(dst_hbm.at[wid, pl.ds(0, IB)], dst_v)
    plsc.subcore_barrier()

    pltpu.async_copy(g_hbm.at[src_v.at[0]], rows0, sem0)

    def step(k, rows_cur, sem_cur, rows_nxt, sem_nxt):
        pltpu.make_async_copy(g_hbm.at[src_v.at[k]], rows_cur, sem_cur).wait()

        @pl.when(k + 1 < NCHUNK)
        def _():
            pltpu.async_copy(g_hbm.at[src_v.at[k + 1]], rows_nxt, sem_nxt)
        pltpu.sync_copy(rows_cur, acc.at[dst_v.at[k % IB]], add=True)

    def body(k, carry):
        @pl.when(jnp.logical_and(k % IB == 0, k > 0))
        def _():
            pltpu.sync_copy(dst_hbm.at[wid, pl.ds(pl.multiple_of((k // IB) * IB, IB), IB)],
                            dst_v)

        @pl.when(k % 2 == 0)
        def _():
            step(k, rows0, sem0, rows1, sem1)

        @pl.when(k % 2 == 1)
        def _():
            step(k, rows1, sem1, rows0, sem0)
        return carry

    lax.fori_loop(0, NCHUNK, body, 0)
    plsc.subcore_barrier()
    pltpu.sync_copy(acc.at[pl.ds(r0, ROWS_PT)], out_hbm.at[cid, pl.ds(r0, ROWS_PT)])



_BN = 2048
_GRID = NP // _BN


def _prep_body(degp_ref, x_ref, norm_ref, g_ref):
    deg = degp_ref[0, :, 0:1] + degp_ref[1, :, 0:1]
    nrm = lax.rsqrt(jnp.maximum(deg, 1.0))
    nb = jnp.broadcast_to(nrm, x_ref.shape)
    norm_ref[...] = nb
    g_ref[...] = x_ref[...] * nb


_prep = pl.pallas_call(
    _prep_body,
    grid=(_GRID,),
    in_specs=[
        pl.BlockSpec((NC, _BN, F), lambda i: (0, i, 0)),
        pl.BlockSpec((_BN, F), lambda i: (i, 0)),
    ],
    out_specs=[
        pl.BlockSpec((_BN, F), lambda i: (i, 0)),
        pl.BlockSpec((_BN, F), lambda i: (i, 0)),
    ],
    out_shape=[
        jax.ShapeDtypeStruct((NP, F), jnp.float32),
        jax.ShapeDtypeStruct((NP, F), jnp.float32),
    ],
)


def _mid_body(p_ref, n_ref, g_ref):
    n = n_ref[...]
    g_ref[...] = (p_ref[0] + p_ref[1]) * n * n


_mid = pl.pallas_call(
    _mid_body,
    grid=(_GRID,),
    in_specs=[
        pl.BlockSpec((NC, _BN, F), lambda i: (0, i, 0)),
        pl.BlockSpec((_BN, F), lambda i: (i, 0)),
    ],
    out_specs=pl.BlockSpec((_BN, F), lambda i: (i, 0)),
    out_shape=jax.ShapeDtypeStruct((NP, F), jnp.float32),
)


def _mm0_body(p_ref, n_ref, w_ref, o_ref):
    n = n_ref[...]
    h = (p_ref[0] + p_ref[1]) * n
    h = jnp.dot(h, w_ref[...], preferred_element_type=jnp.float32)
    o_ref[...] = jnp.maximum(h, 0.0) * n


_mm0 = pl.pallas_call(
    _mm0_body,
    grid=(_GRID,),
    in_specs=[
        pl.BlockSpec((NC, _BN, F), lambda i: (0, i, 0)),
        pl.BlockSpec((_BN, F), lambda i: (i, 0)),
        pl.BlockSpec((F, F), lambda i: (0, 0)),
    ],
    out_specs=pl.BlockSpec((_BN, F), lambda i: (i, 0)),
    out_shape=jax.ShapeDtypeStruct((NP, F), jnp.float32),
)


def _mm1_body(p_ref, n_ref, w_ref, o_ref):
    h = (p_ref[0] + p_ref[1]) * n_ref[...]
    o_ref[...] = jnp.dot(h, w_ref[...], preferred_element_type=jnp.float32)


_mm1 = pl.pallas_call(
    _mm1_body,
    grid=(_GRID,),
    in_specs=[
        pl.BlockSpec((NC, _BN, F), lambda i: (0, i, 0)),
        pl.BlockSpec((_BN, F), lambda i: (i, 0)),
        pl.BlockSpec((F, N_CLS), lambda i: (0, 0)),
    ],
    out_specs=pl.BlockSpec((_BN, N_CLS), lambda i: (i, 0)),
    out_shape=jax.ShapeDtypeStruct((NP, N_CLS), jnp.float32),
)



def kernel(x, edge_index, W0, W1):
    pad = EP - E
    src = jnp.concatenate([edge_index[0], jnp.zeros((pad,), jnp.int32)])
    dst = jnp.concatenate([edge_index[1], jnp.full((pad,), N, jnp.int32)])
    src = src.reshape(NW, NCHUNK, CHUNK)
    dst = dst.reshape(NW, NCHUNK, CHUNK)
    zeros_f = jnp.zeros((NP, F), jnp.float32)
    ones_f = jnp.ones((NP, F), jnp.float32)

    x_p = jnp.concatenate([x, jnp.zeros((NP - N, F), jnp.float32)])
    degp = _hop_kernel(ones_f, src, dst, zeros_f)
    norm_b, g = _prep(degp, x_p)

    p = _hop_kernel(g, src, dst, zeros_f)
    g = _mid(p, norm_b)
    p = _hop_kernel(g, src, dst, zeros_f)
    g = _mm0(p, norm_b, W0)

    p = _hop_kernel(g, src, dst, zeros_f)
    g = _mid(p, norm_b)
    p = _hop_kernel(g, src, dst, zeros_f)
    return _mm1(p, norm_b, W1)[:N]

# --- scband reference (transcript-rebuilt; emitter-appended) ---
"""Pipeline reference for scband-msgc-17128329576577 (READ-ONLY COPY).

The authoritative reference and input builder live on the scoring server;
editing this copy changes nothing except your own understanding.
"""

import jax, jax.numpy as jnp
import numpy as np

N_NODES = 10000
N_EDGES = 320000
IN_FEATS = 128
N_HIDDEN = 128
N_CLASSES = 64
K_HOPS = 2


def setup_inputs(seed: int = 0) -> dict:
    key = jax.random.key(seed)
    k1, k2, k3, k4 = jax.random.split(key, 4)
    x = jax.random.normal(k1, (N_NODES, IN_FEATS), dtype=jnp.float32)
    edge_index = jax.random.randint(k2, (2, N_EDGES), 0, N_NODES, dtype=jnp.int32)
    # Learned parameters: one weight matrix per SGConv layer (bias=False).
    W0 = jax.random.normal(k3, (IN_FEATS, N_HIDDEN), dtype=jnp.float32) * (1.0 / np.sqrt(IN_FEATS))
    W1 = jax.random.normal(k4, (N_HIDDEN, N_CLASSES), dtype=jnp.float32) * (1.0 / np.sqrt(N_HIDDEN))
    return {"x": x, "edge_index": edge_index, "W0": W0, "W1": W1}


def _sgconv(h, src, dst, W, k, n):
    # DGL SGConv: k rounds of symmetric-normalized propagation, then linear.
    deg = jnp.zeros((n,), h.dtype).at[dst].add(1.0)
    norm = jnp.clip(deg, 1.0, None) ** -0.5
    for _ in range(k):
        h = h * norm[:, None]
        msg = h[src]  # gather from source nodes
        h = jnp.zeros((n, h.shape[1]), h.dtype).at[dst].add(msg)  # scatter-add to dst
        h = h * norm[:, None]
    return h @ W


def reference(x, edge_index, W0, W1):
    src = edge_index[0]
    dst = edge_index[1]
    n = x.shape[0]
    # layer 0: SGConv(in_feats -> n_hidden), then activation (dropout p=0.0 is identity)
    h = _sgconv(x, src, dst, W0, K_HOPS, n)
    h = jax.nn.relu(h)
    # layer 1 (final): SGConv(n_hidden -> n_classes), no activation
    h = _sgconv(h, src, dst, W1, K_HOPS, n)
    return h

if __name__ == "__main__":
    import jax
    _d = setup_inputs()
    print(jax.jit(kernel)(*tuple(_d.values())))

</pallas_src>

<mosaic_0001>
#map = affine_map<(d0, d1) -> (0, 0)>
#map1 = affine_map<(d0, d1) -> (0, 0, 0)>
module attributes {stable_mosaic.version = 14 : i64} {
  func.func @_hop_kernel(%arg0: i32, %arg1: i32, %arg2: memref<10240x128xf32, #tpu.memory_space<hbm>>, %arg3: memref<32x80x128xi32, #tpu.memory_space<hbm>>, %arg4: memref<32x80x128xi32, #tpu.memory_space<hbm>>, %arg5: memref<10240x128xf32, #tpu.memory_space<hbm>>, %arg6: memref<2x10240x128xf32, #tpu.memory_space<hbm>>, %arg7: memref<80x128xi32, #tpu.memory_space<vmem>>, %arg8: memref<16x128xi32, #tpu.memory_space<vmem>>, %arg9: memref<128x128xf32, #tpu.memory_space<vmem>>, %arg10: memref<128x128xf32, #tpu.memory_space<vmem>>, %arg11: memref<10240x128xf32, #tpu.memory_space<vmem_shared>>, %arg12: memref<!tpu.dma_semaphore, #tpu.memory_space<semaphore_mem>>, %arg13: memref<!tpu.dma_semaphore, #tpu.memory_space<semaphore_mem>>) attributes {dimension_semantics = [#tpu.dimension_semantics<core_parallel>, #tpu.dimension_semantics<subcore_parallel>], iteration_bounds = array<i64: 2, 16>, scalar_prefetch = 0 : i64, scratch_operands = 7 : i64, tpu.core_type = #tpu.core_type<sc_vector_subcore>, window_params = [{transform_indices = #map}, {transform_indices = #map1}, {transform_indices = #map1}, {transform_indices = #map}, {transform_indices = #map1}]} {
    %mul3A = arith.constant 2 : i32
    %mul3A_0 = arith.muli %arg1, %mul3A : i32
    %add3A = arith.addi %mul3A_0, %arg0 : i32
    %mul3A_1 = arith.constant 640 : i32
    %mul3A_2 = arith.muli %arg1, %mul3A_1 : i32
    "tpu.region"() ({
      %run_scoped3A = tpu.sem_alloc : memref<!tpu.dma_semaphore, #tpu.memory_space<semaphore_mem>>
      %dma_start3A_15 = arith.constant 0 : i32
      %dma_start3A_16 = tpu.memref_slice %arg11[%mul3A_2, %dma_start3A_15] : memref<10240x128xf32, #tpu.memory_space<vmem_shared>> -> memref<640x128xf32, #tpu.memory_space<vmem_shared>>
      %dma_start3A_17 = arith.constant 0 : i32
      %dma_start3A_18 = tpu.memref_slice %arg5[%mul3A_2, %dma_start3A_17] : memref<10240x128xf32, #tpu.memory_space<hbm>> -> memref<640x128xf32, #tpu.memory_space<hbm>>
      tpu.enqueue_dma source(%dma_start3A_18 : memref<640x128xf32, #tpu.memory_space<hbm>>) target(%dma_start3A_16 : memref<640x128xf32, #tpu.memory_space<vmem_shared>>) target_semaphore(%run_scoped3A : memref<!tpu.dma_semaphore, #tpu.memory_space<semaphore_mem>>)
      %dma_wait3A = arith.constant 0 : i32
      %dma_wait3A_19 = tpu.memref_slice %arg11[%mul3A_2, %dma_wait3A] : memref<10240x128xf32, #tpu.memory_space<vmem_shared>> -> memref<640x128xf32, #tpu.memory_space<vmem_shared>>
      %dma_wait3A_20 = arith.constant 0 : i32
      %dma_wait3A_21 = tpu.memref_slice %arg5[%mul3A_2, %dma_wait3A_20] : memref<10240x128xf32, #tpu.memory_space<hbm>> -> memref<640x128xf32, #tpu.memory_space<hbm>>
      tpu.wait_dma2 semaphore(%run_scoped3A : memref<!tpu.dma_semaphore, #tpu.memory_space<semaphore_mem>>) src(%dma_wait3A_21 : memref<640x128xf32, #tpu.memory_space<hbm>>) dst(%dma_wait3A_19 : memref<640x128xf32, #tpu.memory_space<vmem_shared>>)
      tpu.yield
    }) : () -> ()
    "tpu.region"() ({
      %run_scoped3A = tpu.sem_alloc : memref<!tpu.dma_semaphore, #tpu.memory_space<semaphore_mem>>
      %dma_start3A_15 = arith.constant 0 : i32
      %dma_start3A_16 = arith.constant 0 : i32
      %dma_start3A_17 = tpu.memref_slice %arg3[%add3A, %dma_start3A_15, %dma_start3A_16] : memref<32x80x128xi32, #tpu.memory_space<hbm>> -> memref<1x80x128xi32, #tpu.memory_space<hbm>>
      %dma_start3A_18 = tpu.memref_squeeze %dma_start3A_17 : memref<1x80x128xi32, #tpu.memory_space<hbm>> -> memref<80x128xi32, #tpu.memory_space<hbm>>
      %dma_start3A_19 = arith.constant 0 : i32
      %dma_start3A_20 = arith.constant 0 : i32
      %dma_start3A_21 = tpu.memref_slice %arg3[%add3A, %dma_start3A_19, %dma_start3A_20] : memref<32x80x128xi32, #tpu.memory_space<hbm>> -> memref<1x80x128xi32, #tpu.memory_space<hbm>>
      %dma_start3A_22 = tpu.memref_squeeze %dma_start3A_21 : memref<1x80x128xi32, #tpu.memory_space<hbm>> -> memref<80x128xi32, #tpu.memory_space<hbm>>
      tpu.enqueue_dma source(%dma_start3A_22 : memref<80x128xi32, #tpu.memory_space<hbm>>) target(%arg7 : memref<80x128xi32, #tpu.memory_space<vmem>>) target_semaphore(%run_scoped3A : memref<!tpu.dma_semaphore, #tpu.memory_space<semaphore_mem>>)
      %dma_wait3A = arith.constant 0 : i32
      %dma_wait3A_23 = arith.constant 0 : i32
      %dma_wait3A_24 = tpu.memref_slice %arg3[%add3A, %dma_wait3A, %dma_wait3A_23] : memref<32x80x128xi32, #tpu.memory_space<hbm>> -> memref<1x80x128xi32, #tpu.memory_space<hbm>>
      %dma_wait3A_25 = tpu.memref_squeeze %dma_wait3A_24 : memref<1x80x128xi32, #tpu.memory_space<hbm>> -> memref<80x128xi32, #tpu.memory_space<hbm>>
      %dma_wait3A_26 = arith.constant 0 : i32
      %dma_wait3A_27 = arith.constant 0 : i32
      %dma_wait3A_28 = tpu.memref_slice %arg3[%add3A, %dma_wait3A_26, %dma_wait3A_27] : memref<32x80x128xi32, #tpu.memory_space<hbm>> -> memref<1x80x128xi32, #tpu.memory_space<hbm>>
      %dma_wait3A_29 = tpu.memref_squeeze %dma_wait3A_28 : memref<1x80x128xi32, #tpu.memory_space<hbm>> -> memref<80x128xi32, #tpu.memory_space<hbm>>
      tpu.wait_dma2 semaphore(%run_scoped3A : memref<!tpu.dma_semaphore, #tpu.memory_space<semaphore_mem>>) src(%dma_wait3A_29 : memref<80x128xi32, #tpu.memory_space<hbm>>) dst(%arg7 : memref<80x128xi32, #tpu.memory_space<vmem>>)
      tpu.yield
    }) : () -> ()
    "tpu.region"() ({
      %run_scoped3A = tpu.sem_alloc : memref<!tpu.dma_semaphore, #tpu.memory_space<semaphore_mem>>
      %dma_start3A_15 = arith.constant 0 : i32
      %dma_start3A_16 = arith.constant 0 : i32
      %dma_start3A_17 = tpu.memref_slice %arg4[%add3A, %dma_start3A_15, %dma_start3A_16] : memref<32x80x128xi32, #tpu.memory_space<hbm>> -> memref<1x16x128xi32, #tpu.memory_space<hbm>>
      %dma_start3A_18 = tpu.memref_squeeze %dma_start3A_17 : memref<1x16x128xi32, #tpu.memory_space<hbm>> -> memref<16x128xi32, #tpu.memory_space<hbm>>
      %dma_start3A_19 = arith.constant 0 : i32
      %dma_start3A_20 = arith.constant 0 : i32
      %dma_start3A_21 = tpu.memref_slice %arg4[%add3A, %dma_start3A_19, %dma_start3A_20] : memref<32x80x128xi32, #tpu.memory_space<hbm>> -> memref<1x16x128xi32, #tpu.memory_space<hbm>>
      %dma_start3A_22 = tpu.memref_squeeze %dma_start3A_21 : memref<1x16x128xi32, #tpu.memory_space<hbm>> -> memref<16x128xi32, #tpu.memory_space<hbm>>
      tpu.enqueue_dma source(%dma_start3A_22 : memref<16x128xi32, #tpu.memory_space<hbm>>) target(%arg8 : memref<16x128xi32, #tpu.memory_space<vmem>>) target_semaphore(%run_scoped3A : memref<!tpu.dma_semaphore, #tpu.memory_space<semaphore_mem>>)
      %dma_wait3A = arith.constant 0 : i32
      %dma_wait3A_23 = arith.constant 0 : i32
      %dma_wait3A_24 = tpu.memref_slice %arg4[%add3A, %dma_wait3A, %dma_wait3A_23] : memref<32x80x128xi32, #tpu.memory_space<hbm>> -> memref<1x16x128xi32, #tpu.memory_space<hbm>>
      %dma_wait3A_25 = tpu.memref_squeeze %dma_wait3A_24 : memref<1x16x128xi32, #tpu.memory_space<hbm>> -> memref<16x128xi32, #tpu.memory_space<hbm>>
      %dma_wait3A_26 = arith.constant 0 : i32
      %dma_wait3A_27 = arith.constant 0 : i32
      %dma_wait3A_28 = tpu.memref_slice %arg4[%add3A, %dma_wait3A_26, %dma_wait3A_27] : memref<32x80x128xi32, #tpu.memory_space<hbm>> -> memref<1x16x128xi32, #tpu.memory_space<hbm>>
      %dma_wait3A_29 = tpu.memref_squeeze %dma_wait3A_28 : memref<1x16x128xi32, #tpu.memory_space<hbm>> -> memref<16x128xi32, #tpu.memory_space<hbm>>
      tpu.wait_dma2 semaphore(%run_scoped3A : memref<!tpu.dma_semaphore, #tpu.memory_space<semaphore_mem>>) src(%dma_wait3A_29 : memref<16x128xi32, #tpu.memory_space<hbm>>) dst(%arg8 : memref<16x128xi32, #tpu.memory_space<vmem>>)
      tpu.yield
    }) : () -> ()
    %barrier3A = arith.constant 0 : index
    tpu.barrier barrier_id(%barrier3A)
    %dma_start3A = arith.constant 0 : i32
    %dma_start3A_3 = arith.constant 0 : i32
    %dma_start3A_4 = tpu.memref_slice %arg7[%dma_start3A, %dma_start3A_3] : memref<80x128xi32, #tpu.memory_space<vmem>> -> memref<1x128xi32, #tpu.memory_space<vmem>>
    %dma_start3A_5 = tpu.memref_squeeze %dma_start3A_4 : memref<1x128xi32, #tpu.memory_space<vmem>> -> memref<128xi32, #tpu.memory_space<vmem>>
    %dma_start3A_6 = arith.constant 0 : i32
    %dma_start3A_7 = arith.constant 0 : i32
    %dma_start3A_8 = tpu.memref_slice %arg2[%dma_start3A_6, %dma_start3A_7] : memref<10240x128xf32, #tpu.memory_space<hbm>> -> memref<10240x128xf32, #tpu.memory_space<hbm>>
    tpu.enqueue_indirect_dma source(%dma_start3A_8 : memref<10240x128xf32, #tpu.memory_space<hbm>>) target(%arg9 : memref<128x128xf32, #tpu.memory_space<vmem>>) offsets(%dma_start3A_5 : memref<128xi32, #tpu.memory_space<vmem>>) semaphore(%arg12 : memref<!tpu.dma_semaphore, #tpu.memory_space<semaphore_mem>>)
    %scan3A = arith.constant 0 : i32
    %scan3A_9 = arith.constant 0 : i32
    %scan3A_10 = arith.constant 80 : i32
    %scan3A_11 = arith.addi %scan3A_9, %scan3A_10 : i32
    %scan3A_12 = arith.constant 1 : i32
    scf.for %scan3A_15 = %scan3A_9 to %scan3A_11 step %scan3A_12  : i32 {
      %jit3A = arith.constant 16 : i32
      %eq3A = arith.constant 0 : i32
      %eq3A_16 = arith.cmpi eq, %jit3A, %eq3A : i32
      %jit3A_17 = arith.constant 1 : i32
      %select_n3A = arith.select %eq3A_16, %jit3A_17, %jit3A : i32
      %rem3A = arith.remsi %scan3A_15, %select_n3A : i32
      %ne3A = arith.constant 0 : i32
      %ne3A_18 = arith.cmpi ne, %rem3A, %ne3A : i32
      %lt3A = arith.constant 0 : i32
      %lt3A_19 = arith.cmpi slt, %rem3A, %lt3A : i32
      %lt3A_20 = arith.constant 0 : i32
      %lt3A_21 = arith.cmpi slt, %select_n3A, %lt3A_20 : i32
      %ne3A_22 = arith.xori %lt3A_19, %lt3A_21 : i1
      %and3A = arith.andi %ne3A_22, %ne3A_18 : i1
      %add3A_23 = arith.addi %rem3A, %select_n3A : i32
      %select_n3A_24 = arith.select %and3A, %add3A_23, %rem3A : i32
      %eq3A_25 = arith.constant 0 : i32
      %eq3A_26 = arith.cmpi eq, %select_n3A_24, %eq3A_25 : i32
      %gt3A = arith.constant 0 : i32
      %gt3A_27 = arith.cmpi sgt, %scan3A_15, %gt3A : i32
      %and3A_28 = arith.andi %eq3A_26, %gt3A_27 : i1
      %convert_element_type3A = arith.extui %and3A_28 : i1 to i32
      %cond3A = arith.constant 0 : i32
      %cond3A_29 = arith.cmpi ne, %convert_element_type3A, %cond3A : i32
      scf.if %cond3A_29 {
        %jit3A_72 = arith.constant 16 : i32
        %div3A = arith.divsi %scan3A_15, %jit3A_72 : i32
        %sign3A = arith.constant 0 : i32
        %sign3A_73 = arith.cmpi sgt, %scan3A_15, %sign3A : i32
        %sign3A_74 = arith.extui %sign3A_73 : i1 to i32
        %sign3A_75 = arith.constant 0 : i32
        %sign3A_76 = arith.cmpi slt, %scan3A_15, %sign3A_75 : i32
        %sign3A_77 = arith.extui %sign3A_76 : i1 to i32
        %sign3A_78 = arith.subi %sign3A_74, %sign3A_77 : i32
        %sign3A_79 = arith.constant 0 : i32
        %sign3A_80 = arith.cmpi sgt, %jit3A_72, %sign3A_79 : i32
        %sign3A_81 = arith.extui %sign3A_80 : i1 to i32
        %sign3A_82 = arith.constant 0 : i32
        %sign3A_83 = arith.cmpi slt, %jit3A_72, %sign3A_82 : i32
        %sign3A_84 = arith.extui %sign3A_83 : i1 to i32
        %sign3A_85 = arith.subi %sign3A_81, %sign3A_84 : i32
        %ne3A_86 = arith.cmpi ne, %sign3A_78, %sign3A_85 : i32
        %rem3A_87 = arith.remsi %scan3A_15, %jit3A_72 : i32
        %ne3A_88 = arith.constant 0 : i32
        %ne3A_89 = arith.cmpi ne, %rem3A_87, %ne3A_88 : i32
        %and3A_90 = arith.andi %ne3A_86, %ne3A_89 : i1
        %sub3A = arith.constant 1 : i32
        %sub3A_91 = arith.subi %div3A, %sub3A : i32
        %select_n3A_92 = arith.select %and3A_90, %sub3A_91, %div3A : i32
        %mul3A_93 = arith.constant 16 : i32
        %mul3A_94 = arith.muli %select_n3A_92, %mul3A_93 : i32
        %multiple_of3A = tpu.assume_multiple %mul3A_94, 16 : i32
        "tpu.region"() ({
          %run_scoped3A = tpu.sem_alloc : memref<!tpu.dma_semaphore, #tpu.memory_space<semaphore_mem>>
          %dma_start3A_95 = arith.constant 0 : i32
          %dma_start3A_96 = tpu.memref_slice %arg4[%add3A, %multiple_of3A, %dma_start3A_95] : memref<32x80x128xi32, #tpu.memory_space<hbm>> -> memref<1x16x128xi32, #tpu.memory_space<hbm>>
          %dma_start3A_97 = tpu.memref_squeeze %dma_start3A_96 : memref<1x16x128xi32, #tpu.memory_space<hbm>> -> memref<16x128xi32, #tpu.memory_space<hbm>>
          %dma_start3A_98 = arith.constant 0 : i32
          %dma_start3A_99 = tpu.memref_slice %arg4[%add3A, %multiple_of3A, %dma_start3A_98] : memref<32x80x128xi32, #tpu.memory_space<hbm>> -> memref<1x16x128xi32, #tpu.memory_space<hbm>>
          %dma_start3A_100 = tpu.memref_squeeze %dma_start3A_99 : memref<1x16x128xi32, #tpu.memory_space<hbm>> -> memref<16x128xi32, #tpu.memory_space<hbm>>
          tpu.enqueue_dma source(%dma_start3A_100 : memref<16x128xi32, #tpu.memory_space<hbm>>) target(%arg8 : memref<16x128xi32, #tpu.memory_space<vmem>>) target_semaphore(%run_scoped3A : memref<!tpu.dma_semaphore, #tpu.memory_space<semaphore_mem>>)
          %dma_wait3A = arith.constant 0 : i32
          %dma_wait3A_101 = tpu.memref_slice %arg4[%add3A, %multiple_of3A, %dma_wait3A] : memref<32x80x128xi32, #tpu.memory_space<hbm>> -> memref<1x16x128xi32, #tpu.memory_space<hbm>>
          %dma_wait3A_102 = tpu.memref_squeeze %dma_wait3A_101 : memref<1x16x128xi32, #tpu.memory_space<hbm>> -> memref<16x128xi32, #tpu.memory_space<hbm>>
          %dma_wait3A_103 = arith.constant 0 : i32
          %dma_wait3A_104 = tpu.memref_slice %arg4[%add3A, %multiple_of3A, %dma_wait3A_103] : memref<32x80x128xi32, #tpu.memory_space<hbm>> -> memref<1x16x128xi32, #tpu.memory_space<hbm>>
          %dma_wait3A_105 = tpu.memref_squeeze %dma_wait3A_104 : memref<1x16x128xi32, #tpu.memory_space<hbm>> -> memref<16x128xi32, #tpu.memory_space<hbm>>
          tpu.wait_dma2 semaphore(%run_scoped3A : memref<!tpu.dma_semaphore, #tpu.memory_space<semaphore_mem>>) src(%dma_wait3A_105 : memref<16x128xi32, #tpu.memory_space<hbm>>) dst(%arg8 : memref<16x128xi32, #tpu.memory_space<vmem>>)
          tpu.yield
        }) : () -> ()
      } else {
      }
      %jit3A_30 = arith.constant 2 : i32
      %eq3A_31 = arith.constant 0 : i32
      %eq3A_32 = arith.cmpi eq, %jit3A_30, %eq3A_31 : i32
      %jit3A_33 = arith.constant 1 : i32
      %select_n3A_34 = arith.select %eq3A_32, %jit3A_33, %jit3A_30 : i32
      %rem3A_35 = arith.remsi %scan3A_15, %select_n3A_34 : i32
      %ne3A_36 = arith.constant 0 : i32
      %ne3A_37 = arith.cmpi ne, %rem3A_35, %ne3A_36 : i32
      %lt3A_38 = arith.constant 0 : i32
      %lt3A_39 = arith.cmpi slt, %rem3A_35, %lt3A_38 : i32
      %lt3A_40 = arith.constant 0 : i32
      %lt3A_41 = arith.cmpi slt, %select_n3A_34, %lt3A_40 : i32
      %ne3A_42 = arith.xori %lt3A_39, %lt3A_41 : i1
      %and3A_43 = arith.andi %ne3A_42, %ne3A_37 : i1
      %add3A_44 = arith.addi %rem3A_35, %select_n3A_34 : i32
      %select_n3A_45 = arith.select %and3A_43, %add3A_44, %rem3A_35 : i32
      %eq3A_46 = arith.constant 0 : i32
      %eq3A_47 = arith.cmpi eq, %select_n3A_45, %eq3A_46 : i32
      %convert_element_type3A_48 = arith.extui %eq3A_47 : i1 to i32
      %cond3A_49 = arith.constant 0 : i32
      %cond3A_50 = arith.cmpi ne, %convert_element_type3A_48, %cond3A_49 : i32
      scf.if %cond3A_50 {
        %dma_wait3A = arith.constant 0 : i32
        %dma_wait3A_72 = tpu.memref_slice %arg7[%scan3A_15, %dma_wait3A] : memref<80x128xi32, #tpu.memory_space<vmem>> -> memref<1x128xi32, #tpu.memory_space<vmem>>
        %dma_wait3A_73 = tpu.memref_squeeze %dma_wait3A_72 : memref<1x128xi32, #tpu.memory_space<vmem>> -> memref<128xi32, #tpu.memory_space<vmem>>
        %dma_wait3A_74 = arith.constant 0 : i32
        %dma_wait3A_75 = arith.constant 0 : i32
        %dma_wait3A_76 = tpu.memref_slice %arg2[%dma_wait3A_74, %dma_wait3A_75] : memref<10240x128xf32, #tpu.memory_space<hbm>> -> memref<10240x128xf32, #tpu.memory_space<hbm>>
        tpu.wait_indirect_dma semaphore(%arg12 : memref<!tpu.dma_semaphore, #tpu.memory_space<semaphore_mem>>) src(%dma_wait3A_76 : memref<10240x128xf32, #tpu.memory_space<hbm>>) dst(%arg9 : memref<128x128xf32, #tpu.memory_space<vmem>>)
        %add3A_77 = arith.constant 1 : i32
        %add3A_78 = arith.addi %scan3A_15, %add3A_77 : i32
        %lt3A_79 = arith.constant 80 : i32
        %lt3A_80 = arith.cmpi slt, %add3A_78, %lt3A_79 : i32
        %convert_element_type3A_81 = arith.extui %lt3A_80 : i1 to i32
        %cond3A_82 = arith.constant 0 : i32
        %cond3A_83 = arith.cmpi ne, %convert_element_type3A_81, %cond3A_82 : i32
        scf.if %cond3A_83 {
          %add3A_100 = arith.constant 1 : i32
          %add3A_101 = arith.addi %scan3A_15, %add3A_100 : i32
          %dma_start3A_102 = arith.constant 0 : i32
          %dma_start3A_103 = tpu.memref_slice %arg7[%add3A_101, %dma_start3A_102] : memref<80x128xi32, #tpu.memory_space<vmem>> -> memref<1x128xi32, #tpu.memory_space<vmem>>
          %dma_start3A_104 = tpu.memref_squeeze %dma_start3A_103 : memref<1x128xi32, #tpu.memory_space<vmem>> -> memref<128xi32, #tpu.memory_space<vmem>>
          %dma_start3A_105 = arith.constant 0 : i32
          %dma_start3A_106 = arith.constant 0 : i32
          %dma_start3A_107 = tpu.memref_slice %arg2[%dma_start3A_105, %dma_start3A_106] : memref<10240x128xf32, #tpu.memory_space<hbm>> -> memref<10240x128xf32, #tpu.memory_space<hbm>>
          tpu.enqueue_indirect_dma source(%dma_start3A_107 : memref<10240x128xf32, #tpu.memory_space<hbm>>) target(%arg10 : memref<128x128xf32, #tpu.memory_space<vmem>>) offsets(%dma_start3A_104 : memref<128xi32, #tpu.memory_space<vmem>>) semaphore(%arg13 : memref<!tpu.dma_semaphore, #tpu.memory_space<semaphore_mem>>)
        } else {
        }
        %jit3A_84 = arith.constant 16 : i32
        %eq3A_85 = arith.constant 0 : i32
        %eq3A_86 = arith.cmpi eq, %jit3A_84, %eq3A_85 : i32
        %jit3A_87 = arith.constant 1 : i32
        %select_n3A_88 = arith.select %eq3A_86, %jit3A_87, %jit3A_84 : i32
        %rem3A_89 = arith.remsi %scan3A_15, %select_n3A_88 : i32
        %ne3A_90 = arith.constant 0 : i32
        %ne3A_91 = arith.cmpi ne, %rem3A_89, %ne3A_90 : i32
        %lt3A_92 = arith.constant 0 : i32
        %lt3A_93 = arith.cmpi slt, %rem3A_89, %lt3A_92 : i32
        %lt3A_94 = arith.constant 0 : i32
        %lt3A_95 = arith.cmpi slt, %select_n3A_88, %lt3A_94 : i32
        %ne3A_96 = arith.xori %lt3A_93, %lt3A_95 : i1
        %and3A_97 = arith.andi %ne3A_96, %ne3A_91 : i1
        %add3A_98 = arith.addi %rem3A_89, %select_n3A_88 : i32
        %select_n3A_99 = arith.select %and3A_97, %add3A_98, %rem3A_89 : i32
        "tpu.region"() ({
          %run_scoped3A = tpu.sem_alloc : memref<!tpu.dma_semaphore, #tpu.memory_space<semaphore_mem>>
          %dma_start3A_100 = arith.constant 0 : i32
          %dma_start3A_101 = tpu.memref_slice %arg8[%select_n3A_99, %dma_start3A_100] : memref<16x128xi32, #tpu.memory_space<vmem>> -> memref<1x128xi32, #tpu.memory_space<vmem>>
          %dma_start3A_102 = tpu.memref_squeeze %dma_start3A_101 : memref<1x128xi32, #tpu.memory_space<vmem>> -> memref<128xi32, #tpu.memory_space<vmem>>
          %dma_start3A_103 = arith.constant 0 : i32
          %dma_start3A_104 = arith.constant 0 : i32
          %dma_start3A_105 = tpu.memref_slice %arg11[%dma_start3A_103, %dma_start3A_104] : memref<10240x128xf32, #tpu.memory_space<vmem_shared>> -> memref<10240x128xf32, #tpu.memory_space<vmem_shared>>
          tpu.enqueue_indirect_dma source(%arg9 : memref<128x128xf32, #tpu.memory_space<vmem>>) target(%dma_start3A_105 : memref<10240x128xf32, #tpu.memory_space<vmem_shared>>) offsets(%dma_start3A_102 : memref<128xi32, #tpu.memory_space<vmem>>) semaphore(%run_scoped3A : memref<!tpu.dma_semaphore, #tpu.memory_space<semaphore_mem>>) {add = true}
          %dma_wait3A_106 = arith.constant 0 : i32
          %dma_wait3A_107 = tpu.memref_slice %arg8[%select_n3A_99, %dma_wait3A_106] : memref<16x128xi32, #tpu.memory_space<vmem>> -> memref<1x128xi32, #tpu.memory_space<vmem>>
          %dma_wait3A_108 = tpu.memref_squeeze %dma_wait3A_107 : memref<1x128xi32, #tpu.memory_space<vmem>> -> memref<128xi32, #tpu.memory_space<vmem>>
          %dma_wait3A_109 = arith.constant 0 : i32
          %dma_wait3A_110 = arith.constant 0 : i32
          %dma_wait3A_111 = tpu.memref_slice %arg11[%dma_wait3A_109, %dma_wait3A_110] : memref<10240x128xf32, #tpu.memory_space<vmem_shared>> -> memref<10240x128xf32, #tpu.memory_space<vmem_shared>>
          tpu.wait_indirect_dma semaphore(%run_scoped3A : memref<!tpu.dma_semaphore, #tpu.memory_space<semaphore_mem>>) src(%arg9 : memref<128x128xf32, #tpu.memory_space<vmem>>) dst(%dma_wait3A_111 : memref<10240x128xf32, #tpu.memory_space<vmem_shared>>)
          tpu.yield
        }) : () -> ()
      } else {
      }
      %jit3A_51 = arith.constant 2 : i32
      %eq3A_52 = arith.constant 0 : i32
      %eq3A_53 = arith.cmpi eq, %jit3A_51, %eq3A_52 : i32
      %jit3A_54 = arith.constant 1 : i32
      %select_n3A_55 = arith.select %eq3A_53, %jit3A_54, %jit3A_51 : i32
      %rem3A_56 = arith.remsi %scan3A_15, %select_n3A_55 : i32
      %ne3A_57 = arith.constant 0 : i32
      %ne3A_58 = arith.cmpi ne, %rem3A_56, %ne3A_57 : i32
      %lt3A_59 = arith.constant 0 : i32
      %lt3A_60 = arith.cmpi slt, %rem3A_56, %lt3A_59 : i32
      %lt3A_61 = arith.constant 0 : i32
      %lt3A_62 = arith.cmpi slt, %select_n3A_55, %lt3A_61 : i32
      %ne3A_63 = arith.xori %lt3A_60, %lt3A_62 : i1
      %and3A_64 = arith.andi %ne3A_63, %ne3A_58 : i1
      %add3A_65 = arith.addi %rem3A_56, %select_n3A_55 : i32
      %select_n3A_66 = arith.select %and3A_64, %add3A_65, %rem3A_56 : i32
      %eq3A_67 = arith.constant 1 : i32
      %eq3A_68 = arith.cmpi eq, %select_n3A_66, %eq3A_67 : i32
      %convert_element_type3A_69 = arith.extui %eq3A_68 : i1 to i32
      %cond3A_70 = arith.constant 0 : i32
      %cond3A_71 = arith.cmpi ne, %convert_element_type3A_69, %cond3A_70 : i32
      scf.if %cond3A_71 {
        %dma_wait3A = arith.constant 0 : i32
        %dma_wait3A_72 = tpu.memref_slice %arg7[%scan3A_15, %dma_wait3A] : memref<80x128xi32, #tpu.memory_space<vmem>> -> memref<1x128xi32, #tpu.memory_space<vmem>>
        %dma_wait3A_73 = tpu.memref_squeeze %dma_wait3A_72 : memref<1x128xi32, #tpu.memory_space<vmem>> -> memref<128xi32, #tpu.memory_space<vmem>>
        %dma_wait3A_74 = arith.constant 0 : i32
        %dma_wait3A_75 = arith.constant 0 : i32
        %dma_wait3A_76 = tpu.memref_slice %arg2[%dma_wait3A_74, %dma_wait3A_75] : memref<10240x128xf32, #tpu.memory_space<hbm>> -> memref<10240x128xf32, #tpu.memory_space<hbm>>
        tpu.wait_indirect_dma semaphore(%arg13 : memref<!tpu.dma_semaphore, #tpu.memory_space<semaphore_mem>>) src(%dma_wait3A_76 : memref<10240x128xf32, #tpu.memory_space<hbm>>) dst(%arg10 : memref<128x128xf32, #tpu.memory_space<vmem>>)
        %add3A_77 = arith.constant 1 : i32
        %add3A_78 = arith.addi %scan3A_15, %add3A_77 : i32
        %lt3A_79 = arith.constant 80 : i32
        %lt3A_80 = arith.cmpi slt, %add3A_78, %lt3A_79 : i32
        %convert_element_type3A_81 = arith.extui %lt3A_80 : i1 to i32
        %cond3A_82 = arith.constant 0 : i32
        %cond3A_83 = arith.cmpi ne, %convert_element_type3A_81, %cond3A_82 : i32
        scf.if %cond3A_83 {
          %add3A_100 = arith.constant 1 : i32
          %add3A_101 = arith.addi %scan3A_15, %add3A_100 : i32
          %dma_start3A_102 = arith.constant 0 : i32
          %dma_start3A_103 = tpu.memref_slice %arg7[%add3A_101, %dma_start3A_102] : memref<80x128xi32, #tpu.memory_space<vmem>> -> memref<1x128xi32, #tpu.memory_space<vmem>>
          %dma_start3A_104 = tpu.memref_squeeze %dma_start3A_103 : memref<1x128xi32, #tpu.memory_space<vmem>> -> memref<128xi32, #tpu.memory_space<vmem>>
          %dma_start3A_105 = arith.constant 0 : i32
          %dma_start3A_106 = arith.constant 0 : i32
          %dma_start3A_107 = tpu.memref_slice %arg2[%dma_start3A_105, %dma_start3A_106] : memref<10240x128xf32, #tpu.memory_space<hbm>> -> memref<10240x128xf32, #tpu.memory_space<hbm>>
          tpu.enqueue_indirect_dma source(%dma_start3A_107 : memref<10240x128xf32, #tpu.memory_space<hbm>>) target(%arg9 : memref<128x128xf32, #tpu.memory_space<vmem>>) offsets(%dma_start3A_104 : memref<128xi32, #tpu.memory_space<vmem>>) semaphore(%arg12 : memref<!tpu.dma_semaphore, #tpu.memory_space<semaphore_mem>>)
        } else {
        }
        %jit3A_84 = arith.constant 16 : i32
        %eq3A_85 = arith.constant 0 : i32
        %eq3A_86 = arith.cmpi eq, %jit3A_84, %eq3A_85 : i32
        %jit3A_87 = arith.constant 1 : i32
        %select_n3A_88 = arith.select %eq3A_86, %jit3A_87, %jit3A_84 : i32
        %rem3A_89 = arith.remsi %scan3A_15, %select_n3A_88 : i32
        %ne3A_90 = arith.constant 0 : i32
        %ne3A_91 = arith.cmpi ne, %rem3A_89, %ne3A_90 : i32
        %lt3A_92 = arith.constant 0 : i32
        %lt3A_93 = arith.cmpi slt, %rem3A_89, %lt3A_92 : i32
        %lt3A_94 = arith.constant 0 : i32
        %lt3A_95 = arith.cmpi slt, %select_n3A_88, %lt3A_94 : i32
        %ne3A_96 = arith.xori %lt3A_93, %lt3A_95 : i1
        %and3A_97 = arith.andi %ne3A_96, %ne3A_91 : i1
        %add3A_98 = arith.addi %rem3A_89, %select_n3A_88 : i32
        %select_n3A_99 = arith.select %and3A_97, %add3A_98, %rem3A_89 : i32
        "tpu.region"() ({
          %run_scoped3A = tpu.sem_alloc : memref<!tpu.dma_semaphore, #tpu.memory_space<semaphore_mem>>
          %dma_start3A_100 = arith.constant 0 : i32
          %dma_start3A_101 = tpu.memref_slice %arg8[%select_n3A_99, %dma_start3A_100] : memref<16x128xi32, #tpu.memory_space<vmem>> -> memref<1x128xi32, #tpu.memory_space<vmem>>
          %dma_start3A_102 = tpu.memref_squeeze %dma_start3A_101 : memref<1x128xi32, #tpu.memory_space<vmem>> -> memref<128xi32, #tpu.memory_space<vmem>>
          %dma_start3A_103 = arith.constant 0 : i32
          %dma_start3A_104 = arith.constant 0 : i32
          %dma_start3A_105 = tpu.memref_slice %arg11[%dma_start3A_103, %dma_start3A_104] : memref<10240x128xf32, #tpu.memory_space<vmem_shared>> -> memref<10240x128xf32, #tpu.memory_space<vmem_shared>>
          tpu.enqueue_indirect_dma source(%arg10 : memref<128x128xf32, #tpu.memory_space<vmem>>) target(%dma_start3A_105 : memref<10240x128xf32, #tpu.memory_space<vmem_shared>>) offsets(%dma_start3A_102 : memref<128xi32, #tpu.memory_space<vmem>>) semaphore(%run_scoped3A : memref<!tpu.dma_semaphore, #tpu.memory_space<semaphore_mem>>) {add = true}
          %dma_wait3A_106 = arith.constant 0 : i32
          %dma_wait3A_107 = tpu.memref_slice %arg8[%select_n3A_99, %dma_wait3A_106] : memref<16x128xi32, #tpu.memory_space<vmem>> -> memref<1x128xi32, #tpu.memory_space<vmem>>
          %dma_wait3A_108 = tpu.memref_squeeze %dma_wait3A_107 : memref<1x128xi32, #tpu.memory_space<vmem>> -> memref<128xi32, #tpu.memory_space<vmem>>
          %dma_wait3A_109 = arith.constant 0 : i32
          %dma_wait3A_110 = arith.constant 0 : i32
          %dma_wait3A_111 = tpu.memref_slice %arg11[%dma_wait3A_109, %dma_wait3A_110] : memref<10240x128xf32, #tpu.memory_space<vmem_shared>> -> memref<10240x128xf32, #tpu.memory_space<vmem_shared>>
          tpu.wait_indirect_dma semaphore(%run_scoped3A : memref<!tpu.dma_semaphore, #tpu.memory_space<semaphore_mem>>) src(%arg10 : memref<128x128xf32, #tpu.memory_space<vmem>>) dst(%dma_wait3A_111 : memref<10240x128xf32, #tpu.memory_space<vmem_shared>>)
          tpu.yield
        }) : () -> ()
      } else {
      }
    }
    %scan3A_13 = arith.constant 80 : i32
    %barrier3A_14 = arith.constant 0 : index
    tpu.barrier barrier_id(%barrier3A_14)
    "tpu.region"() ({
      %run_scoped3A = tpu.sem_alloc : memref<!tpu.dma_semaphore, #tpu.memory_space<semaphore_mem>>
      %dma_start3A_15 = arith.constant 0 : i32
      %dma_start3A_16 = tpu.memref_slice %arg6[%arg0, %mul3A_2, %dma_start3A_15] : memref<2x10240x128xf32, #tpu.memory_space<hbm>> -> memref<1x640x128xf32, #tpu.memory_space<hbm>>
      %dma_start3A_17 = tpu.memref_squeeze %dma_start3A_16 : memref<1x640x128xf32, #tpu.memory_space<hbm>> -> memref<640x128xf32, #tpu.memory_space<hbm>>
      %dma_start3A_18 = arith.constant 0 : i32
      %dma_start3A_19 = tpu.memref_slice %arg11[%mul3A_2, %dma_start3A_18] : memref<10240x128xf32, #tpu.memory_space<vmem_shared>> -> memref<640x128xf32, #tpu.memory_space<vmem_shared>>
      tpu.enqueue_dma source(%dma_start3A_19 : memref<640x128xf32, #tpu.memory_space<vmem_shared>>) target(%dma_start3A_17 : memref<640x128xf32, #tpu.memory_space<hbm>>) target_semaphore(%run_scoped3A : memref<!tpu.dma_semaphore, #tpu.memory_space<semaphore_mem>>)
      %dma_wait3A = arith.constant 0 : i32
      %dma_wait3A_20 = tpu.memref_slice %arg6[%arg0, %mul3A_2, %dma_wait3A] : memref<2x10240x128xf32, #tpu.memory_space<hbm>> -> memref<1x640x128xf32, #tpu.memory_space<hbm>>
      %dma_wait3A_21 = tpu.memref_squeeze %dma_wait3A_20 : memref<1x640x128xf32, #tpu.memory_space<hbm>> -> memref<640x128xf32, #tpu.memory_space<hbm>>
      %dma_wait3A_22 = arith.constant 0 : i32
      %dma_wait3A_23 = tpu.memref_slice %arg11[%mul3A_2, %dma_wait3A_22] : memref<10240x128xf32, #tpu.memory_space<vmem_shared>> -> memref<640x128xf32, #tpu.memory_space<vmem_shared>>
      tpu.wait_dma2 semaphore(%run_scoped3A : memref<!tpu.dma_semaphore, #tpu.memory_space<semaphore_mem>>) src(%dma_wait3A_23 : memref<640x128xf32, #tpu.memory_space<vmem_shared>>) dst(%dma_wait3A_21 : memref<640x128xf32, #tpu.memory_space<hbm>>)
      tpu.yield
    }) : () -> ()
    return
  }
}

#map = affine_map<(d0, d1) -> (0, 0)>
#map1 = affine_map<(d0, d1) -> (0, 0, 0)>
module attributes {stable_mosaic.version = 14 : i64} {
  func.func @_hop_kernel(%arg0: i32, %arg1: i32, %arg2: memref<10240x128xf32, #tpu.memory_space<hbm>>, %arg3: memref<32x80x128xi32, #tpu.memory_space<hbm>>, %arg4: memref<32x80x128xi32, #tpu.memory_space<hbm>>, %arg5: memref<10240x128xf32, #tpu.memory_space<hbm>>, %arg6: memref<2x10240x128xf32, #tpu.memory_space<hbm>>, %arg7: memref<80x128xi32, #tpu.memory_space<vmem>>, %arg8: memref<16x128xi32, #tpu.memory_space<vmem>>, %arg9: memref<128x128xf32, #tpu.memory_space<vmem>>, %arg10: memref<128x128xf32, #tpu.memory_space<vmem>>, %arg11: memref<10240x128xf32, #tpu.memory_space<vmem_shared>>, %arg12: memref<!tpu.dma_semaphore, #tpu.memory_space<semaphore_mem>>, %arg13: memref<!tpu.dma_semaphore, #tpu.memory_space<semaphore_mem>>) attributes {dimension_semantics = [#tpu.dimension_semantics<core_parallel>, #tpu.dimension_semantics<subcore_parallel>], iteration_bounds = array<i64: 2, 16>, scalar_prefetch = 0 : i64, scratch_operands = 7 : i64, tpu.core_type = #tpu.core_type<sc_vector_subcore>, window_params = [{transform_indices = #map}, {transform_indices = #map1}, {transform_indices = #map1}, {transform_indices = #map}, {transform_indices = #map1}]} {
    %mul3A = arith.constant 2 : i32
    %mul3A_0 = arith.muli %arg1, %mul3A : i32
    %add3A = arith.addi %mul3A_0, %arg0 : i32
    %mul3A_1 = arith.constant 640 : i32
    %mul3A_2 = arith.muli %arg1, %mul3A_1 : i32
    "tpu.region"() ({
      %run_scoped3A = tpu.sem_alloc : memref<!tpu.dma_semaphore, #tpu.memory_space<semaphore_mem>>
      %dma_start3A_15 = arith.constant 0 : i32
      %dma_start3A_16 = tpu.memref_slice %arg11[%mul3A_2, %dma_start3A_15] : memref<10240x128xf32, #tpu.memory_space<vmem_shared>> -> memref<640x128xf32, #tpu.memory_space<vmem_shared>>
      %dma_start3A_17 = arith.constant 0 : i32
      %dma_start3A_18 = tpu.memref_slice %arg5[%mul3A_2, %dma_start3A_17] : memref<10240x128xf32, #tpu.memory_space<hbm>> -> memref<640x128xf32, #tpu.memory_space<hbm>>
      tpu.enqueue_dma source(%dma_start3A_18 : memref<640x128xf32, #tpu.memory_space<hbm>>) target(%dma_start3A_16 : memref<640x128xf32, #tpu.memory_space<vmem_shared>>) target_semaphore(%run_scoped3A : memref<!tpu.dma_semaphore, #tpu.memory_space<semaphore_mem>>)
      %dma_wait3A = arith.constant 0 : i32
      %dma_wait3A_19 = tpu.memref_slice %arg11[%mul3A_2, %dma_wait3A] : memref<10240x128xf32, #tpu.memory_space<vmem_shared>> -> memref<640x128xf32, #tpu.memory_space<vmem_shared>>
      %dma_wait3A_20 = arith.constant 0 : i32
      %dma_wait3A_21 = tpu.memref_slice %arg5[%mul3A_2, %dma_wait3A_20] : memref<10240x128xf32, #tpu.memory_space<hbm>> -> memref<640x128xf32, #tpu.memory_space<hbm>>
      tpu.wait_dma2 semaphore(%run_scoped3A : memref<!tpu.dma_semaphore, #tpu.memory_space<semaphore_mem>>) src(%dma_wait3A_21 : memref<640x128xf32, #tpu.memory_space<hbm>>) dst(%dma_wait3A_19 : memref<640x128xf32, #tpu.memory_space<vmem_shared>>)
      tpu.yield
    }) : () -> ()
    "tpu.region"() ({
      %run_scoped3A = tpu.sem_alloc : memref<!tpu.dma_semaphore, #tpu.memory_space<semaphore_mem>>
      %dma_start3A_15 = arith.constant 0 : i32
      %dma_start3A_16 = arith.constant 0 : i32
      %dma_start3A_17 = tpu.memref_slice %arg3[%add3A, %dma_start3A_15, %dma_start3A_16] : memref<32x80x128xi32, #tpu.memory_space<hbm>> -> memref<1x80x128xi32, #tpu.memory_space<hbm>>
      %dma_start3A_18 = tpu.memref_squeeze %dma_start3A_17 : memref<1x80x128xi32, #tpu.memory_space<hbm>> -> memref<80x128xi32, #tpu.memory_space<hbm>>
      %dma_start3A_19 = arith.constant 0 : i32
      %dma_start3A_20 = arith.constant 0 : i32
      %dma_start3A_21 = tpu.memref_slice %arg3[%add3A, %dma_start3A_19, %dma_start3A_20] : memref<32x80x128xi32, #tpu.memory_space<hbm>> -> memref<1x80x128xi32, #tpu.memory_space<hbm>>
      %dma_start3A_22 = tpu.memref_squeeze %dma_start3A_21 : memref<1x80x128xi32, #tpu.memory_space<hbm>> -> memref<80x128xi32, #tpu.memory_space<hbm>>
      tpu.enqueue_dma source(%dma_start3A_22 : memref<80x128xi32, #tpu.memory_space<hbm>>) target(%arg7 : memref<80x128xi32, #tpu.memory_space<vmem>>) target_semaphore(%run_scoped3A : memref<!tpu.dma_semaphore, #tpu.memory_space<semaphore_mem>>)
      %dma_wait3A = arith.constant 0 : i32
      %dma_wait3A_23 = arith.constant 0 : i32
      %dma_wait3A_24 = tpu.memref_slice %arg3[%add3A, %dma_wait3A, %dma_wait3A_23] : memref<32x80x128xi32, #tpu.memory_space<hbm>> -> memref<1x80x128xi32, #tpu.memory_space<hbm>>
      %dma_wait3A_25 = tpu.memref_squeeze %dma_wait3A_24 : memref<1x80x128xi32, #tpu.memory_space<hbm>> -> memref<80x128xi32, #tpu.memory_space<hbm>>
      %dma_wait3A_26 = arith.constant 0 : i32
      %dma_wait3A_27 = arith.constant 0 : i32
      %dma_wait3A_28 = tpu.memref_slice %arg3[%add3A, %dma_wait3A_26, %dma_wait3A_27] : memref<32x80x128xi32, #tpu.memory_space<hbm>> -> memref<1x80x128xi32, #tpu.memory_space<hbm>>
      %dma_wait3A_29 = tpu.memref_squeeze %dma_wait3A_28 : memref<1x80x128xi32, #tpu.memory_space<hbm>> -> memref<80x128xi32, #tpu.memory_space<hbm>>
      tpu.wait_dma2 semaphore(%run_scoped3A : memref<!tpu.dma_semaphore, #tpu.memory_space<semaphore_mem>>) src(%dma_wait3A_29 : memref<80x128xi32, #tpu.memory_space<hbm>>) dst(%arg7 : memref<80x128xi32, #tpu.memory_space<vmem>>)
      tpu.yield
    }) : () -> ()
    "tpu.region"() ({
      %run_scoped3A = tpu.sem_alloc : memref<!tpu.dma_semaphore, #tpu.memory_space<semaphore_mem>>
      %dma_start3A_15 = arith.constant 0 : i32
      %dma_start3A_16 = arith.constant 0 : i32
      %dma_start3A_17 = tpu.memref_slice %arg4[%add3A, %dma_start3A_15, %dma_start3A_16] : memref<32x80x128xi32, #tpu.memory_space<hbm>> -> memref<1x16x128xi32, #tpu.memory_space<hbm>>
      %dma_start3A_18 = tpu.memref_squeeze %dma_start3A_17 : memref<1x16x128xi32, #tpu.memory_space<hbm>> -> memref<16x128xi32, #tpu.memory_space<hbm>>
      %dma_start3A_19 = arith.constant 0 : i32
      %dma_start3A_20 = arith.constant 0 : i32
      %dma_start3A_21 = tpu.memref_slice %arg4[%add3A, %dma_start3A_19, %dma_start3A_20] : memref<32x80x128xi32, #tpu.memory_space<hbm>> -> memref<1x16x128xi32, #tpu.memory_space<hbm>>
      %dma_start3A_22 = tpu.memref_squeeze %dma_start3A_21 : memref<1x16x128xi32, #tpu.memory_space<hbm>> -> memref<16x128xi32, #tpu.memory_space<hbm>>
      tpu.enqueue_dma source(%dma_start3A_22 : memref<16x128xi32, #tpu.memory_space<hbm>>) target(%arg8 : memref<16x128xi32, #tpu.memory_space<vmem>>) target_semaphore(%run_scoped3A : memref<!tpu.dma_semaphore, #tpu.memory_space<semaphore_mem>>)
      %dma_wait3A = arith.constant 0 : i32
      %dma_wait3A_23 = arith.constant 0 : i32
      %dma_wait3A_24 = tpu.memref_slice %arg4[%add3A, %dma_wait3A, %dma_wait3A_23] : memref<32x80x128xi32, #tpu.memory_space<hbm>> -> memref<1x16x128xi32, #tpu.memory_space<hbm>>
      %dma_wait3A_25 = tpu.memref_squeeze %dma_wait3A_24 : memref<1x16x128xi32, #tpu.memory_space<hbm>> -> memref<16x128xi32, #tpu.memory_space<hbm>>
      %dma_wait3A_26 = arith.constant 0 : i32
      %dma_wait3A_27 = arith.constant 0 : i32
      %dma_wait3A_28 = tpu.memref_slice %arg4[%add3A, %dma_wait3A_26, %dma_wait3A_27] : memref<32x80x128xi32, #tpu.memory_space<hbm>> -> memref<1x16x128xi32, #tpu.memory_space<hbm>>
      %dma_wait3A_29 = tpu.memref_squeeze %dma_wait3A_28 : memref<1x16x128xi32, #tpu.memory_space<hbm>> -> memref<16x128xi32, #tpu.memory_space<hbm>>
      tpu.wait_dma2 semaphore(%run_scoped3A : memref<!tpu.dma_semaphore, #tpu.memory_space<semaphore_mem>>) src(%dma_wait3A_29 : memref<16x128xi32, #tpu.memory_space<hbm>>) dst(%arg8 : memref<16x128xi32, #tpu.memory_space<vmem>>)
      tpu.yield
    }) : () -> ()
    %barrier3A = arith.constant 0 : index
    tpu.barrier barrier_id(%barrier3A)
    %dma_start3A = arith.constant 0 : i32
    %dma_start3A_3 = arith.constant 0 : i32
    %dma_start3A_4 = tpu.memref_slice %arg7[%dma_start3A, %dma_start3A_3] : memref<80x128xi32, #tpu.memory_space<vmem>> -> memref<1x128xi32, #tpu.memory_space<vmem>>
    %dma_start3A_5 = tpu.memref_squeeze %dma_start3A_4 : memref<1x128xi32, #tpu.memory_space<vmem>> -> memref<128xi32, #tpu.memory_space<vmem>>
    %dma_start3A_6 = arith.constant 0 : i32
    %dma_start3A_7 = arith.constant 0 : i32
    %dma_start3A_8 = tpu.memref_slice %arg2[%dma_start3A_6, %dma_start3A_7] : memref<10240x128xf32, #tpu.memory_space<hbm>> -> memref<10240x128xf32, #tpu.memory_space<hbm>>
    tpu.enqueue_indirect_dma source(%dma_start3A_8 : memref<10240x128xf32, #tpu.memory_space<hbm>>) target(%arg9 : memref<128x128xf32, #tpu.memory_space<vmem>>) offsets(%dma_start3A_5 : memref<128xi32, #tpu.memory_space<vmem>>) semaphore(%arg12 : memref<!tpu.dma_semaphore, #tpu.memory_space<semaphore_mem>>)
    %scan3A = arith.constant 0 : i32
    %scan3A_9 = arith.constant 0 : i32
    %scan3A_10 = arith.constant 80 : i32
    %scan3A_11 = arith.addi %scan3A_9, %scan3A_10 : i32
    %scan3A_12 = arith.constant 1 : i32
    scf.for %scan3A_15 = %scan3A_9 to %scan3A_11 step %scan3A_12  : i32 {
      %jit3A = arith.constant 16 : i32
      %eq3A = arith.constant 0 : i32
      %eq3A_16 = arith.cmpi eq, %jit3A, %eq3A : i32
      %jit3A_17 = arith.constant 1 : i32
      %select_n3A = arith.select %eq3A_16, %jit3A_17, %jit3A : i32
      %rem3A = arith.remsi %scan3A_15, %select_n3A : i32
      %ne3A = arith.constant 0 : i32
      %ne3A_18 = arith.cmpi ne, %rem3A, %ne3A : i32
      %lt3A = arith.constant 0 : i32
      %lt3A_19 = arith.cmpi slt, %rem3A, %lt3A : i32
      %lt3A_20 = arith.constant 0 : i32
      %lt3A_21 = arith.cmpi slt, %select_n3A, %lt3A_20 : i32
      %ne3A_22 = arith.xori %lt3A_19, %lt3A_21 : i1
      %and3A = arith.andi %ne3A_22, %ne3A_18 : i1
      %add3A_23 = arith.addi %rem3A, %select_n3A : i32
      %select_n3A_24 = arith.select %and3A, %add3A_23, %rem3A : i32
      %eq3A_25 = arith.constant 0 : i32
      %eq3A_26 = arith.cmpi eq, %select_n3A_24, %eq3A_25 : i32
      %gt3A = arith.constant 0 : i32
      %gt3A_27 = arith.cmpi sgt, %scan3A_15, %gt3A : i32
      %and3A_28 = arith.andi %eq3A_26, %gt3A_27 : i1
      %convert_element_type3A = arith.extui %and3A_28 : i1 to i32
      %cond3A = arith.constant 0 : i32
      %cond3A_29 = arith.cmpi ne, %convert_element_type3A, %cond3A : i32
      scf.if %cond3A_29 {
        %jit3A_72 = arith.constant 16 : i32
        %div3A = arith.divsi %scan3A_15, %jit3A_72 : i32
        %sign3A = arith.constant 0 : i32
        %sign3A_73 = arith.cmpi sgt, %scan3A_15, %sign3A : i32
        %sign3A_74 = arith.extui %sign3A_73 : i1 to i32
        %sign3A_75 = arith.constant 0 : i32
        %sign3A_76 = arith.cmpi slt, %scan3A_15, %sign3A_75 : i32
        %sign3A_77 = arith.extui %sign3A_76 : i1 to i32
        %sign3A_78 = arith.subi %sign3A_74, %sign3A_77 : i32
        %sign3A_79 = arith.constant 0 : i32
        %sign3A_80 = arith.cmpi sgt, %jit3A_72, %sign3A_79 : i32
        %sign3A_81 = arith.extui %sign3A_80 : i1 to i32
        %sign3A_82 = arith.constant 0 : i32
        %sign3A_83 = arith.cmpi slt, %jit3A_72, %sign3A_82 : i32
        %sign3A_84 = arith.extui %sign3A_83 : i1 to i32
        %sign3A_85 = arith.subi %sign3A_81, %sign3A_84 : i32
        %ne3A_86 = arith.cmpi ne, %sign3A_78, %sign3A_85 : i32
        %rem3A_87 = arith.remsi %scan3A_15, %jit3A_72 : i32
        %ne3A_88 = arith.constant 0 : i32
        %ne3A_89 = arith.cmpi ne, %rem3A_87, %ne3A_88 : i32
        %and3A_90 = arith.andi %ne3A_86, %ne3A_89 : i1
        %sub3A = arith.constant 1 : i32
        %sub3A_91 = arith.subi %div3A, %sub3A : i32
        %select_n3A_92 = arith.select %and3A_90, %sub3A_91, %div3A : i32
        %mul3A_93 = arith.constant 16 : i32
        %mul3A_94 = arith.muli %select_n3A_92, %mul3A_93 : i32
        %multiple_of3A = tpu.assume_multiple %mul3A_94, 16 : i32
        "tpu.region"() ({
          %run_scoped3A = tpu.sem_alloc : memref<!tpu.dma_semaphore, #tpu.memory_space<semaphore_mem>>
          %dma_start3A_95 = arith.constant 0 : i32
          %dma_start3A_96 = tpu.memref_slice %arg4[%add3A, %multiple_of3A, %dma_start3A_95] : memref<32x80x128xi32, #tpu.memory_space<hbm>> -> memref<1x16x128xi32, #tpu.memory_space<hbm>>
          %dma_start3A_97 = tpu.memref_squeeze %dma_start3A_96 : memref<1x16x128xi32, #tpu.memory_space<hbm>> -> memref<16x128xi32, #tpu.memory_space<hbm>>
          %dma_start3A_98 = arith.constant 0 : i32
          %dma_start3A_99 = tpu.memref_slice %arg4[%add3A, %multiple_of3A, %dma_start3A_98] : memref<32x80x128xi32, #tpu.memory_space<hbm>> -> memref<1x16x128xi32, #tpu.memory_space<hbm>>
          %dma_start3A_100 = tpu.memref_squeeze %dma_start3A_99 : memref<1x16x128xi32, #tpu.memory_space<hbm>> -> memref<16x128xi32, #tpu.memory_space<hbm>>
          tpu.enqueue_dma source(%dma_start3A_100 : memref<16x128xi32, #tpu.memory_space<hbm>>) target(%arg8 : memref<16x128xi32, #tpu.memory_space<vmem>>) target_semaphore(%run_scoped3A : memref<!tpu.dma_semaphore, #tpu.memory_space<semaphore_mem>>)
          %dma_wait3A = arith.constant 0 : i32
          %dma_wait3A_101 = tpu.memref_slice %arg4[%add3A, %multiple_of3A, %dma_wait3A] : memref<32x80x128xi32, #tpu.memory_space<hbm>> -> memref<1x16x128xi32, #tpu.memory_space<hbm>>
          %dma_wait3A_102 = tpu.memref_squeeze %dma_wait3A_101 : memref<1x16x128xi32, #tpu.memory_space<hbm>> -> memref<16x128xi32, #tpu.memory_space<hbm>>
          %dma_wait3A_103 = arith.constant 0 : i32
          %dma_wait3A_104 = tpu.memref_slice %arg4[%add3A, %multiple_of3A, %dma_wait3A_103] : memref<32x80x128xi32, #tpu.memory_space<hbm>> -> memref<1x16x128xi32, #tpu.memory_space<hbm>>
          %dma_wait3A_105 = tpu.memref_squeeze %dma_wait3A_104 : memref<1x16x128xi32, #tpu.memory_space<hbm>> -> memref<16x128xi32, #tpu.memory_space<hbm>>
          tpu.wait_dma2 semaphore(%run_scoped3A : memref<!tpu.dma_semaphore, #tpu.memory_space<semaphore_mem>>) src(%dma_wait3A_105 : memref<16x128xi32, #tpu.memory_space<hbm>>) dst(%arg8 : memref<16x128xi32, #tpu.memory_space<vmem>>)
          tpu.yield
        }) : () -> ()
      } else {
      }
      %jit3A_30 = arith.constant 2 : i32
      %eq3A_31 = arith.constant 0 : i32
      %eq3A_32 = arith.cmpi eq, %jit3A_30, %eq3A_31 : i32
      %jit3A_33 = arith.constant 1 : i32
      %select_n3A_34 = arith.select %eq3A_32, %jit3A_33, %jit3A_30 : i32
      %rem3A_35 = arith.remsi %scan3A_15, %select_n3A_34 : i32
      %ne3A_36 = arith.constant 0 : i32
      %ne3A_37 = arith.cmpi ne, %rem3A_35, %ne3A_36 : i32
      %lt3A_38 = arith.constant 0 : i32
      %lt3A_39 = arith.cmpi slt, %rem3A_35, %lt3A_38 : i32
      %lt3A_40 = arith.constant 0 : i32
      %lt3A_41 = arith.cmpi slt, %select_n3A_34, %lt3A_40 : i32
      %ne3A_42 = arith.xori %lt3A_39, %lt3A_41 : i1
      %and3A_43 = arith.andi %ne3A_42, %ne3A_37 : i1
      %add3A_44 = arith.addi %rem3A_35, %select_n3A_34 : i32
      %select_n3A_45 = arith.select %and3A_43, %add3A_44, %rem3A_35 : i32
      %eq3A_46 = arith.constant 0 : i32
      %eq3A_47 = arith.cmpi eq, %select_n3A_45, %eq3A_46 : i32
      %convert_element_type3A_48 = arith.extui %eq3A_47 : i1 to i32
      %cond3A_49 = arith.constant 0 : i32
      %cond3A_50 = arith.cmpi ne, %convert_element_type3A_48, %cond3A_49 : i32
      scf.if %cond3A_50 {
        %dma_wait3A = arith.constant 0 : i32
        %dma_wait3A_72 = tpu.memref_slice %arg7[%scan3A_15, %dma_wait3A] : memref<80x128xi32, #tpu.memory_space<vmem>> -> memref<1x128xi32, #tpu.memory_space<vmem>>
        %dma_wait3A_73 = tpu.memref_squeeze %dma_wait3A_72 : memref<1x128xi32, #tpu.memory_space<vmem>> -> memref<128xi32, #tpu.memory_space<vmem>>
        %dma_wait3A_74 = arith.constant 0 : i32
        %dma_wait3A_75 = arith.constant 0 : i32
        %dma_wait3A_76 = tpu.memref_slice %arg2[%dma_wait3A_74, %dma_wait3A_75] : memref<10240x128xf32, #tpu.memory_space<hbm>> -> memref<10240x128xf32, #tpu.memory_space<hbm>>
        tpu.wait_indirect_dma semaphore(%arg12 : memref<!tpu.dma_semaphore, #tpu.memory_space<semaphore_mem>>) src(%dma_wait3A_76 : memref<10240x128xf32, #tpu.memory_space<hbm>>) dst(%arg9 : memref<128x128xf32, #tpu.memory_space<vmem>>)
        %add3A_77 = arith.constant 1 : i32
        %add3A_78 = arith.addi %scan3A_15, %add3A_77 : i32
        %lt3A_79 = arith.constant 80 : i32
        %lt3A_80 = arith.cmpi slt, %add3A_78, %lt3A_79 : i32
        %convert_element_type3A_81 = arith.extui %lt3A_80 : i1 to i32
        %cond3A_82 = arith.constant 0 : i32
        %cond3A_83 = arith.cmpi ne, %convert_element_type3A_81, %cond3A_82 : i32
        scf.if %cond3A_83 {
          %add3A_100 = arith.constant 1 : i32
          %add3A_101 = arith.addi %scan3A_15, %add3A_100 : i32
          %dma_start3A_102 = arith.constant 0 : i32
          %dma_start3A_103 = tpu.memref_slice %arg7[%add3A_101, %dma_start3A_102] : memref<80x128xi32, #tpu.memory_space<vmem>> -> memref<1x128xi32, #tpu.memory_space<vmem>>
          %dma_start3A_104 = tpu.memref_squeeze %dma_start3A_103 : memref<1x128xi32, #tpu.memory_space<vmem>> -> memref<128xi32, #tpu.memory_space<vmem>>
          %dma_start3A_105 = arith.constant 0 : i32
          %dma_start3A_106 = arith.constant 0 : i32
          %dma_start3A_107 = tpu.memref_slice %arg2[%dma_start3A_105, %dma_start3A_106] : memref<10240x128xf32, #tpu.memory_space<hbm>> -> memref<10240x128xf32, #tpu.memory_space<hbm>>
          tpu.enqueue_indirect_dma source(%dma_start3A_107 : memref<10240x128xf32, #tpu.memory_space<hbm>>) target(%arg10 : memref<128x128xf32, #tpu.memory_space<vmem>>) offsets(%dma_start3A_104 : memref<128xi32, #tpu.memory_space<vmem>>) semaphore(%arg13 : memref<!tpu.dma_semaphore, #tpu.memory_space<semaphore_mem>>)
        } else {
        }
        %jit3A_84 = arith.constant 16 : i32
        %eq3A_85 = arith.constant 0 : i32
        %eq3A_86 = arith.cmpi eq, %jit3A_84, %eq3A_85 : i32
        %jit3A_87 = arith.constant 1 : i32
        %select_n3A_88 = arith.select %eq3A_86, %jit3A_87, %jit3A_84 : i32
        %rem3A_89 = arith.remsi %scan3A_15, %select_n3A_88 : i32
        %ne3A_90 = arith.constant 0 : i32
        %ne3A_91 = arith.cmpi ne, %rem3A_89, %ne3A_90 : i32
        %lt3A_92 = arith.constant 0 : i32
        %lt3A_93 = arith.cmpi slt, %rem3A_89, %lt3A_92 : i32
        %lt3A_94 = arith.constant 0 : i32
        %lt3A_95 = arith.cmpi slt, %select_n3A_88, %lt3A_94 : i32
        %ne3A_96 = arith.xori %lt3A_93, %lt3A_95 : i1
        %and3A_97 = arith.andi %ne3A_96, %ne3A_91 : i1
        %add3A_98 = arith.addi %rem3A_89, %select_n3A_88 : i32
        %select_n3A_99 = arith.select %and3A_97, %add3A_98, %rem3A_89 : i32
        "tpu.region"() ({
          %run_scoped3A = tpu.sem_alloc : memref<!tpu.dma_semaphore, #tpu.memory_space<semaphore_mem>>
          %dma_start3A_100 = arith.constant 0 : i32
          %dma_start3A_101 = tpu.memref_slice %arg8[%select_n3A_99, %dma_start3A_100] : memref<16x128xi32, #tpu.memory_space<vmem>> -> memref<1x128xi32, #tpu.memory_space<vmem>>
          %dma_start3A_102 = tpu.memref_squeeze %dma_start3A_101 : memref<1x128xi32, #tpu.memory_space<vmem>> -> memref<128xi32, #tpu.memory_space<vmem>>
          %dma_start3A_103 = arith.constant 0 : i32
          %dma_start3A_104 = arith.constant 0 : i32
          %dma_start3A_105 = tpu.memref_slice %arg11[%dma_start3A_103, %dma_start3A_104] : memref<10240x128xf32, #tpu.memory_space<vmem_shared>> -> memref<10240x128xf32, #tpu.memory_space<vmem_shared>>
          tpu.enqueue_indirect_dma source(%arg9 : memref<128x128xf32, #tpu.memory_space<vmem>>) target(%dma_start3A_105 : memref<10240x128xf32, #tpu.memory_space<vmem_shared>>) offsets(%dma_start3A_102 : memref<128xi32, #tpu.memory_space<vmem>>) semaphore(%run_scoped3A : memref<!tpu.dma_semaphore, #tpu.memory_space<semaphore_mem>>) {add = true}
          %dma_wait3A_106 = arith.constant 0 : i32
          %dma_wait3A_107 = tpu.memref_slice %arg8[%select_n3A_99, %dma_wait3A_106] : memref<16x128xi32, #tpu.memory_space<vmem>> -> memref<1x128xi32, #tpu.memory_space<vmem>>
          %dma_wait3A_108 = tpu.memref_squeeze %dma_wait3A_107 : memref<1x128xi32, #tpu.memory_space<vmem>> -> memref<128xi32, #tpu.memory_space<vmem>>
          %dma_wait3A_109 = arith.constant 0 : i32
          %dma_wait3A_110 = arith.constant 0 : i32
          %dma_wait3A_111 = tpu.memref_slice %arg11[%dma_wait3A_109, %dma_wait3A_110] : memref<10240x128xf32, #tpu.memory_space<vmem_shared>> -> memref<10240x128xf32, #tpu.memory_space<vmem_shared>>
          tpu.wait_indirect_dma semaphore(%run_scoped3A : memref<!tpu.dma_semaphore, #tpu.memory_space<semaphore_mem>>) src(%arg9 : memref<128x128xf32, #tpu.memory_space<vmem>>) dst(%dma_wait3A_111 : memref<10240x128xf32, #tpu.memory_space<vmem_shared>>)
          tpu.yield
        }) : () -> ()
      } else {
      }
      %jit3A_51 = arith.constant 2 : i32
      %eq3A_52 = arith.constant 0 : i32
      %eq3A_53 = arith.cmpi eq, %jit3A_51, %eq3A_52 : i32
      %jit3A_54 = arith.constant 1 : i32
      %select_n3A_55 = arith.select %eq3A_53, %jit3A_54, %jit3A_51 : i32
      %rem3A_56 = arith.remsi %scan3A_15, %select_n3A_55 : i32
      %ne3A_57 = arith.constant 0 : i32
      %ne3A_58 = arith.cmpi ne, %rem3A_56, %ne3A_57 : i32
      %lt3A_59 = arith.constant 0 : i32
      %lt3A_60 = arith.cmpi slt, %rem3A_56, %lt3A_59 : i32
      %lt3A_61 = arith.constant 0 : i32
      %lt3A_62 = arith.cmpi slt, %select_n3A_55, %lt3A_61 : i32
      %ne3A_63 = arith.xori %lt3A_60, %lt3A_62 : i1
      %and3A_64 = arith.andi %ne3A_63, %ne3A_58 : i1
      %add3A_65 = arith.addi %rem3A_56, %select_n3A_55 : i32
      %select_n3A_66 = arith.select %and3A_64, %add3A_65, %rem3A_56 : i32
      %eq3A_67 = arith.constant 1 : i32
      %eq3A_68 = arith.cmpi eq, %select_n3A_66, %eq3A_67 : i32
      %convert_element_type3A_69 = arith.extui %eq3A_68 : i1 to i32
      %cond3A_70 = arith.constant 0 : i32
      %cond3A_71 = arith.cmpi ne, %convert_element_type3A_69, %cond3A_70 : i32
      scf.if %cond3A_71 {
        %dma_wait3A = arith.constant 0 : i32
        %dma_wait3A_72 = tpu.memref_slice %arg7[%scan3A_15, %dma_wait3A] : memref<80x128xi32, #tpu.memory_space<vmem>> -> memref<1x128xi32, #tpu.memory_space<vmem>>
        %dma_wait3A_73 = tpu.memref_squeeze %dma_wait3A_72 : memref<1x128xi32, #tpu.memory_space<vmem>> -> memref<128xi32, #tpu.memory_space<vmem>>
        %dma_wait3A_74 = arith.constant 0 : i32
        %dma_wait3A_75 = arith.constant 0 : i32
        %dma_wait3A_76 = tpu.memref_slice %arg2[%dma_wait3A_74, %dma_wait3A_75] : memref<10240x128xf32, #tpu.memory_space<hbm>> -> memref<10240x128xf32, #tpu.memory_space<hbm>>
        tpu.wait_indirect_dma semaphore(%arg13 : memref<!tpu.dma_semaphore, #tpu.memory_space<semaphore_mem>>) src(%dma_wait3A_76 : memref<10240x128xf32, #tpu.memory_space<hbm>>) dst(%arg10 : memref<128x128xf32, #tpu.memory_space<vmem>>)
        %add3A_77 = arith.constant 1 : i32
        %add3A_78 = arith.addi %scan3A_15, %add3A_77 : i32
        %lt3A_79 = arith.constant 80 : i32
        %lt3A_80 = arith.cmpi slt, %add3A_78, %lt3A_79 : i32
        %convert_element_type3A_81 = arith.extui %lt3A_80 : i1 to i32
        %cond3A_82 = arith.constant 0 : i32
        %cond3A_83 = arith.cmpi ne, %convert_element_type3A_81, %cond3A_82 : i32
        scf.if %cond3A_83 {
          %add3A_100 = arith.constant 1 : i32
          %add3A_101 = arith.addi %scan3A_15, %add3A_100 : i32
          %dma_start3A_102 = arith.constant 0 : i32
          %dma_start3A_103 = tpu.memref_slice %arg7[%add3A_101, %dma_start3A_102] : memref<80x128xi32, #tpu.memory_space<vmem>> -> memref<1x128xi32, #tpu.memory_space<vmem>>
          %dma_start3A_104 = tpu.memref_squeeze %dma_start3A_103 : memref<1x128xi32, #tpu.memory_space<vmem>> -> memref<128xi32, #tpu.memory_space<vmem>>
          %dma_start3A_105 = arith.constant 0 : i32
          %dma_start3A_106 = arith.constant 0 : i32
          %dma_start3A_107 = tpu.memref_slice %arg2[%dma_start3A_105, %dma_start3A_106] : memref<10240x128xf32, #tpu.memory_space<hbm>> -> memref<10240x128xf32, #tpu.memory_space<hbm>>
          tpu.enqueue_indirect_dma source(%dma_start3A_107 : memref<10240x128xf32, #tpu.memory_space<hbm>>) target(%arg9 : memref<128x128xf32, #tpu.memory_space<vmem>>) offsets(%dma_start3A_104 : memref<128xi32, #tpu.memory_space<vmem>>) semaphore(%arg12 : memref<!tpu.dma_semaphore, #tpu.memory_space<semaphore_mem>>)
        } else {
        }
        %jit3A_84 = arith.constant 16 : i32
        %eq3A_85 = arith.constant 0 : i32
        %eq3A_86 = arith.cmpi eq, %jit3A_84, %eq3A_85 : i32
        %jit3A_87 = arith.constant 1 : i32
        %select_n3A_88 = arith.select %eq3A_86, %jit3A_87, %jit3A_84 : i32
        %rem3A_89 = arith.remsi %scan3A_15, %select_n3A_88 : i32
        %ne3A_90 = arith.constant 0 : i32
        %ne3A_91 = arith.cmpi ne, %rem3A_89, %ne3A_90 : i32
        %lt3A_92 = arith.constant 0 : i32
        %lt3A_93 = arith.cmpi slt, %rem3A_89, %lt3A_92 : i32
        %lt3A_94 = arith.constant 0 : i32
        %lt3A_95 = arith.cmpi slt, %select_n3A_88, %lt3A_94 : i32
        %ne3A_96 = arith.xori %lt3A_93, %lt3A_95 : i1
        %and3A_97 = arith.andi %ne3A_96, %ne3A_91 : i1
        %add3A_98 = arith.addi %rem3A_89, %select_n3A_88 : i32
        %select_n3A_99 = arith.select %and3A_97, %add3A_98, %rem3A_89 : i32
        "tpu.region"() ({
          %run_scoped3A = tpu.sem_alloc : memref<!tpu.dma_semaphore, #tpu.memory_space<semaphore_mem>>
          %dma_start3A_100 = arith.constant 0 : i32
          %dma_start3A_101 = tpu.memref_slice %arg8[%select_n3A_99, %dma_start3A_100] : memref<16x128xi32, #tpu.memory_space<vmem>> -> memref<1x128xi32, #tpu.memory_space<vmem>>
          %dma_start3A_102 = tpu.memref_squeeze %dma_start3A_101 : memref<1x128xi32, #tpu.memory_space<vmem>> -> memref<128xi32, #tpu.memory_space<vmem>>
          %dma_start3A_103 = arith.constant 0 : i32
          %dma_start3A_104 = arith.constant 0 : i32
          %dma_start3A_105 = tpu.memref_slice %arg11[%dma_start3A_103, %dma_start3A_104] : memref<10240x128xf32, #tpu.memory_space<vmem_shared>> -> memref<10240x128xf32, #tpu.memory_space<vmem_shared>>
          tpu.enqueue_indirect_dma source(%arg10 : memref<128x128xf32, #tpu.memory_space<vmem>>) target(%dma_start3A_105 : memref<10240x128xf32, #tpu.memory_space<vmem_shared>>) offsets(%dma_start3A_102 : memref<128xi32, #tpu.memory_space<vmem>>) semaphore(%run_scoped3A : memref<!tpu.dma_semaphore, #tpu.memory_space<semaphore_mem>>) {add = true}
          %dma_wait3A_106 = arith.constant 0 : i32
          %dma_wait3A_107 = tpu.memref_slice %arg8[%select_n3A_99, %dma_wait3A_106] : memref<16x128xi32, #tpu.memory_space<vmem>> -> memref<1x128xi32, #tpu.memory_space<vmem>>
          %dma_wait3A_108 = tpu.memref_squeeze %dma_wait3A_107 : memref<1x128xi32, #tpu.memory_space<vmem>> -> memref<128xi32, #tpu.memory_space<vmem>>
          %dma_wait3A_109 = arith.constant 0 : i32
          %dma_wait3A_110 = arith.constant 0 : i32
          %dma_wait3A_111 = tpu.memref_slice %arg11[%dma_wait3A_109, %dma_wait3A_110] : memref<10240x128xf32, #tpu.memory_space<vmem_shared>> -> memref<10240x128xf32, #tpu.memory_space<vmem_shared>>
          tpu.wait_indirect_dma semaphore(%run_scoped3A : memref<!tpu.dma_semaphore, #tpu.memory_space<semaphore_mem>>) src(%arg10 : memref<128x128xf32, #tpu.memory_space<vmem>>) dst(%dma_wait3A_111 : memref<10240x128xf32, #tpu.memory_space<vmem_shared>>)
          tpu.yield
        }) : () -> ()
      } else {
      }
    }
    %scan3A_13 = arith.constant 80 : i32
    %barrier3A_14 = arith.constant 0 : index
    tpu.barrier barrier_id(%barrier3A_14)
    "tpu.region"() ({
      %run_scoped3A = tpu.sem_alloc : memref<!tpu.dma_semaphore, #tpu.memory_space<semaphore_mem>>
      %dma_start3A_15 = arith.constant 0 : i32
      %dma_start3A_16 = tpu.memref_slice %arg6[%arg0, %mul3A_2, %dma_start3A_15] : memref<2x10240x128xf32, #tpu.memory_space<hbm>> -> memref<1x640x128xf32, #tpu.memory_space<hbm>>
      %dma_start3A_17 = tpu.memref_squeeze %dma_start3A_16 : memref<1x640x128xf32, #tpu.memory_space<hbm>> -> memref<640x128xf32, #tpu.memory_space<hbm>>
      %dma_start3A_18 = arith.constant 0 : i32
      %dma_start3A_19 = tpu.memref_slice %arg11[%mul3A_2, %dma_start3A_18] : memref<10240x128xf32, #tpu.memory_space<vmem_shared>> -> memref<640x128xf32, #tpu.memory_space<vmem_shared>>
      tpu.enqueue_dma source(%dma_start3A_19 : memref<640x128xf32, #tpu.memory_space<vmem_shared>>) target(%dma_start3A_17 : memref<640x128xf32, #tpu.memory_space<hbm>>) target_semaphore(%run_scoped3A : memref<!tpu.dma_semaphore, #tpu.memory_space<semaphore_mem>>)
      %dma_wait3A = arith.constant 0 : i32
      %dma_wait3A_20 = tpu.memref_slice %arg6[%arg0, %mul3A_2, %dma_wait3A] : memref<2x10240x128xf32, #tpu.memory_space<hbm>> -> memref<1x640x128xf32, #tpu.memory_space<hbm>>
      %dma_wait3A_21 = tpu.memref_squeeze %dma_wait3A_20 : memref<1x640x128xf32, #tpu.memory_space<hbm>> -> memref<640x128xf32, #tpu.memory_space<hbm>>
      %dma_wait3A_22 = arith.constant 0 : i32
      %dma_wait3A_23 = tpu.memref_slice %arg11[%mul3A_2, %dma_wait3A_22] : memref<10240x128xf32, #tpu.memory_space<vmem_shared>> -> memref<640x128xf32, #tpu.memory_space<vmem_shared>>
      tpu.wait_dma2 semaphore(%run_scoped3A : memref<!tpu.dma_semaphore, #tpu.memory_space<semaphore_mem>>) src(%dma_wait3A_23 : memref<640x128xf32, #tpu.memory_space<vmem_shared>>) dst(%dma_wait3A_21 : memref<640x128xf32, #tpu.memory_space<hbm>>)
      tpu.yield
    }) : () -> ()
    return
  }
}

#map = affine_map<(d0, d1) -> (0, 0)>
#map1 = affine_map<(d0, d1) -> (0, 0, 0)>
module attributes {stable_mosaic.version = 14 : i64} {
  func.func @_hop_kernel(%arg0: i32, %arg1: i32, %arg2: memref<10240x128xf32, #tpu.memory_space<hbm>>, %arg3: memref<32x80x128xi32, #tpu.memory_space<hbm>>, %arg4: memref<32x80x128xi32, #tpu.memory_space<hbm>>, %arg5: memref<10240x128xf32, #tpu.memory_space<hbm>>, %arg6: memref<2x10240x128xf32, #tpu.memory_space<hbm>>, %arg7: memref<80x128xi32, #tpu.memory_space<vmem>>, %arg8: memref<16x128xi32, #tpu.memory_space<vmem>>, %arg9: memref<128x128xf32, #tpu.memory_space<vmem>>, %arg10: memref<128x128xf32, #tpu.memory_space<vmem>>, %arg11: memref<10240x128xf32, #tpu.memory_space<vmem_shared>>, %arg12: memref<!tpu.dma_semaphore, #tpu.memory_space<semaphore_mem>>, %arg13: memref<!tpu.dma_semaphore, #tpu.memory_space<semaphore_mem>>) attributes {dimension_semantics = [#tpu.dimension_semantics<core_parallel>, #tpu.dimension_semantics<subcore_parallel>], iteration_bounds = array<i64: 2, 16>, scalar_prefetch = 0 : i64, scratch_operands = 7 : i64, tpu.core_type = #tpu.core_type<sc_vector_subcore>, window_params = [{transform_indices = #map}, {transform_indices = #map1}, {transform_indices = #map1}, {transform_indices = #map}, {transform_indices = #map1}]} {
    %mul3A = arith.constant 2 : i32
    %mul3A_0 = arith.muli %arg1, %mul3A : i32
    %add3A = arith.addi %mul3A_0, %arg0 : i32
    %mul3A_1 = arith.constant 640 : i32
    %mul3A_2 = arith.muli %arg1, %mul3A_1 : i32
    "tpu.region"() ({
      %run_scoped3A = tpu.sem_alloc : memref<!tpu.dma_semaphore, #tpu.memory_space<semaphore_mem>>
      %dma_start3A_15 = arith.constant 0 : i32
      %dma_start3A_16 = tpu.memref_slice %arg11[%mul3A_2, %dma_start3A_15] : memref<10240x128xf32, #tpu.memory_space<vmem_shared>> -> memref<640x128xf32, #tpu.memory_space<vmem_shared>>
      %dma_start3A_17 = arith.constant 0 : i32
      %dma_start3A_18 = tpu.memref_slice %arg5[%mul3A_2, %dma_start3A_17] : memref<10240x128xf32, #tpu.memory_space<hbm>> -> memref<640x128xf32, #tpu.memory_space<hbm>>
      tpu.enqueue_dma source(%dma_start3A_18 : memref<640x128xf32, #tpu.memory_space<hbm>>) target(%dma_start3A_16 : memref<640x128xf32, #tpu.memory_space<vmem_shared>>) target_semaphore(%run_scoped3A : memref<!tpu.dma_semaphore, #tpu.memory_space<semaphore_mem>>)
      %dma_wait3A = arith.constant 0 : i32
      %dma_wait3A_19 = tpu.memref_slice %arg11[%mul3A_2, %dma_wait3A] : memref<10240x128xf32, #tpu.memory_space<vmem_shared>> -> memref<640x128xf32, #tpu.memory_space<vmem_shared>>
      %dma_wait3A_20 = arith.constant 0 : i32
      %dma_wait3A_21 = tpu.memref_slice %arg5[%mul3A_2, %dma_wait3A_20] : memref<10240x128xf32, #tpu.memory_space<hbm>> -> memref<640x128xf32, #tpu.memory_space<hbm>>
      tpu.wait_dma2 semaphore(%run_scoped3A : memref<!tpu.dma_semaphore, #tpu.memory_space<semaphore_mem>>) src(%dma_wait3A_21 : memref<640x128xf32, #tpu.memory_space<hbm>>) dst(%dma_wait3A_19 : memref<640x128xf32, #tpu.memory_space<vmem_shared>>)
      tpu.yield
    }) : () -> ()
    "tpu.region"() ({
      %run_scoped3A = tpu.sem_alloc : memref<!tpu.dma_semaphore, #tpu.memory_space<semaphore_mem>>
      %dma_start3A_15 = arith.constant 0 : i32
      %dma_start3A_16 = arith.constant 0 : i32
      %dma_start3A_17 = tpu.memref_slice %arg3[%add3A, %dma_start3A_15, %dma_start3A_16] : memref<32x80x128xi32, #tpu.memory_space<hbm>> -> memref<1x80x128xi32, #tpu.memory_space<hbm>>
      %dma_start3A_18 = tpu.memref_squeeze %dma_start3A_17 : memref<1x80x128xi32, #tpu.memory_space<hbm>> -> memref<80x128xi32, #tpu.memory_space<hbm>>
      %dma_start3A_19 = arith.constant 0 : i32
      %dma_start3A_20 = arith.constant 0 : i32
      %dma_start3A_21 = tpu.memref_slice %arg3[%add3A, %dma_start3A_19, %dma_start3A_20] : memref<32x80x128xi32, #tpu.memory_space<hbm>> -> memref<1x80x128xi32, #tpu.memory_space<hbm>>
      %dma_start3A_22 = tpu.memref_squeeze %dma_start3A_21 : memref<1x80x128xi32, #tpu.memory_space<hbm>> -> memref<80x128xi32, #tpu.memory_space<hbm>>
      tpu.enqueue_dma source(%dma_start3A_22 : memref<80x128xi32, #tpu.memory_space<hbm>>) target(%arg7 : memref<80x128xi32, #tpu.memory_space<vmem>>) target_semaphore(%run_scoped3A : memref<!tpu.dma_semaphore, #tpu.memory_space<semaphore_mem>>)
      %dma_wait3A = arith.constant 0 : i32
      %dma_wait3A_23 = arith.constant 0 : i32
      %dma_wait3A_24 = tpu.memref_slice %arg3[%add3A, %dma_wait3A, %dma_wait3A_23] : memref<32x80x128xi32, #tpu.memory_space<hbm>> -> memref<1x80x128xi32, #tpu.memory_space<hbm>>
      %dma_wait3A_25 = tpu.memref_squeeze %dma_wait3A_24 : memref<1x80x128xi32, #tpu.memory_space<hbm>> -> memref<80x128xi32, #tpu.memory_space<hbm>>
      %dma_wait3A_26 = arith.constant 0 : i32
      %dma_wait3A_27 = arith.constant 0 : i32
      %dma_wait3A_28 = tpu.memref_slice %arg3[%add3A, %dma_wait3A_26, %dma_wait3A_27] : memref<32x80x128xi32, #tpu.memory_space<hbm>> -> memref<1x80x128xi32, #tpu.memory_space<hbm>>
      %dma_wait3A_29 = tpu.memref_squeeze %dma_wait3A_28 : memref<1x80x128xi32, #tpu.memory_space<hbm>> -> memref<80x128xi32, #tpu.memory_space<hbm>>
      tpu.wait_dma2 semaphore(%run_scoped3A : memref<!tpu.dma_semaphore, #tpu.memory_space<semaphore_mem>>) src(%dma_wait3A_29 : memref<80x128xi32, #tpu.memory_space<hbm>>) dst(%arg7 : memref<80x128xi32, #tpu.memory_space<vmem>>)
      tpu.yield
    }) : () -> ()
    "tpu.region"() ({
      %run_scoped3A = tpu.sem_alloc : memref<!tpu.dma_semaphore, #tpu.memory_space<semaphore_mem>>
      %dma_start3A_15 = arith.constant 0 : i32
      %dma_start3A_16 = arith.constant 0 : i32
      %dma_start3A_17 = tpu.memref_slice %arg4[%add3A, %dma_start3A_15, %dma_start3A_16] : memref<32x80x128xi32, #tpu.memory_space<hbm>> -> memref<1x16x128xi32, #tpu.memory_space<hbm>>
      %dma_start3A_18 = tpu.memref_squeeze %dma_start3A_17 : memref<1x16x128xi32, #tpu.memory_space<hbm>> -> memref<16x128xi32, #tpu.memory_space<hbm>>
      %dma_start3A_19 = arith.constant 0 : i32
      %dma_start3A_20 = arith.constant 0 : i32
      %dma_start3A_21 = tpu.memref_slice %arg4[%add3A, %dma_start3A_19, %dma_start3A_20] : memref<32x80x128xi32, #tpu.memory_space<hbm>> -> memref<1x16x128xi32, #tpu.memory_space<hbm>>
      %dma_start3A_22 = tpu.memref_squeeze %dma_start3A_21 : memref<1x16x128xi32, #tpu.memory_space<hbm>> -> memref<16x128xi32, #tpu.memory_space<hbm>>
      tpu.enqueue_dma source(%dma_start3A_22 : memref<16x128xi32, #tpu.memory_space<hbm>>) target(%arg8 : memref<16x128xi32, #tpu.memory_space<vmem>>) target_semaphore(%run_scoped3A : memref<!tpu.dma_semaphore, #tpu.memory_space<semaphore_mem>>)
      %dma_wait3A = arith.constant 0 : i32
      %dma_wait3A_23 = arith.constant 0 : i32
      %dma_wait3A_24 = tpu.memref_slice %arg4[%add3A, %dma_wait3A, %dma_wait3A_23] : memref<32x80x128xi32, #tpu.memory_space<hbm>> -> memref<1x16x128xi32, #tpu.memory_space<hbm>>
      %dma_wait3A_25 = tpu.memref_squeeze %dma_wait3A_24 : memref<1x16x128xi32, #tpu.memory_space<hbm>> -> memref<16x128xi32, #tpu.memory_space<hbm>>
      %dma_wait3A_26 = arith.constant 0 : i32
      %dma_wait3A_27 = arith.constant 0 : i32
      %dma_wait3A_28 = tpu.memref_slice %arg4[%add3A, %dma_wait3A_26, %dma_wait3A_27] : memref<32x80x128xi32, #tpu.memory_space<hbm>> -> memref<1x16x128xi32, #tpu.memory_space<hbm>>
      %dma_wait3A_29 = tpu.memref_squeeze %dma_wait3A_28 : memref<1x16x128xi32, #tpu.memory_space<hbm>> -> memref<16x128xi32, #tpu.memory_space<hbm>>
      tpu.wait_dma2 semaphore(%run_scoped3A : memref<!tpu.dma_semaphore, #tpu.memory_space<semaphore_mem>>) src(%dma_wait3A_29 : memref<16x128xi32, #tpu.memory_space<hbm>>) dst(%arg8 : memref<16x128xi32, #tpu.memory_space<vmem>>)
      tpu.yield
    }) : () -> ()
    %barrier3A = arith.constant 0 : index
    tpu.barrier barrier_id(%barrier3A)
    %dma_start3A = arith.constant 0 : i32
    %dma_start3A_3 = arith.constant 0 : i32
    %dma_start3A_4 = tpu.memref_slice %arg7[%dma_start3A, %dma_start3A_3] : memref<80x128xi32, #tpu.memory_space<vmem>> -> memref<1x128xi32, #tpu.memory_space<vmem>>
    %dma_start3A_5 = tpu.memref_squeeze %dma_start3A_4 : memref<1x128xi32, #tpu.memory_space<vmem>> -> memref<128xi32, #tpu.memory_space<vmem>>
    %dma_start3A_6 = arith.constant 0 : i32
    %dma_start3A_7 = arith.constant 0 : i32
    %dma_start3A_8 = tpu.memref_slice %arg2[%dma_start3A_6, %dma_start3A_7] : memref<10240x128xf32, #tpu.memory_space<hbm>> -> memref<10240x128xf32, #tpu.memory_space<hbm>>
    tpu.enqueue_indirect_dma source(%dma_start3A_8 : memref<10240x128xf32, #tpu.memory_space<hbm>>) target(%arg9 : memref<128x128xf32, #tpu.memory_space<vmem>>) offsets(%dma_start3A_5 : memref<128xi32, #tpu.memory_space<vmem>>) semaphore(%arg12 : memref<!tpu.dma_semaphore, #tpu.memory_space<semaphore_mem>>)
    %scan3A = arith.constant 0 : i32
    %scan3A_9 = arith.constant 0 : i32
    %scan3A_10 = arith.constant 80 : i32
    %scan3A_11 = arith.addi %scan3A_9, %scan3A_10 : i32
    %scan3A_12 = arith.constant 1 : i32
    scf.for %scan3A_15 = %scan3A_9 to %scan3A_11 step %scan3A_12  : i32 {
      %jit3A = arith.constant 16 : i32
      %eq3A = arith.constant 0 : i32
      %eq3A_16 = arith.cmpi eq, %jit3A, %eq3A : i32
      %jit3A_17 = arith.constant 1 : i32
      %select_n3A = arith.select %eq3A_16, %jit3A_17, %jit3A : i32
      %rem3A = arith.remsi %scan3A_15, %select_n3A : i32
      %ne3A = arith.constant 0 : i32
      %ne3A_18 = arith.cmpi ne, %rem3A, %ne3A : i32
      %lt3A = arith.constant 0 : i32
      %lt3A_19 = arith.cmpi slt, %rem3A, %lt3A : i32
      %lt3A_20 = arith.constant 0 : i32
      %lt3A_21 = arith.cmpi slt, %select_n3A, %lt3A_20 : i32
      %ne3A_22 = arith.xori %lt3A_19, %lt3A_21 : i1
      %and3A = arith.andi %ne3A_22, %ne3A_18 : i1
      %add3A_23 = arith.addi %rem3A, %select_n3A : i32
      %select_n3A_24 = arith.select %and3A, %add3A_23, %rem3A : i32
      %eq3A_25 = arith.constant 0 : i32
      %eq3A_26 = arith.cmpi eq, %select_n3A_24, %eq3A_25 : i32
      %gt3A = arith.constant 0 : i32
      %gt3A_27 = arith.cmpi sgt, %scan3A_15, %gt3A : i32
      %and3A_28 = arith.andi %eq3A_26, %gt3A_27 : i1
      %convert_element_type3A = arith.extui %and3A_28 : i1 to i32
      %cond3A = arith.constant 0 : i32
      %cond3A_29 = arith.cmpi ne, %convert_element_type3A, %cond3A : i32
      scf.if %cond3A_29 {
        %jit3A_72 = arith.constant 16 : i32
        %div3A = arith.divsi %scan3A_15, %jit3A_72 : i32
        %sign3A = arith.constant 0 : i32
        %sign3A_73 = arith.cmpi sgt, %scan3A_15, %sign3A : i32
        %sign3A_74 = arith.extui %sign3A_73 : i1 to i32
        %sign3A_75 = arith.constant 0 : i32
        %sign3A_76 = arith.cmpi slt, %scan3A_15, %sign3A_75 : i32
        %sign3A_77 = arith.extui %sign3A_76 : i1 to i32
        %sign3A_78 = arith.subi %sign3A_74, %sign3A_77 : i32
        %sign3A_79 = arith.constant 0 : i32
        %sign3A_80 = arith.cmpi sgt, %jit3A_72, %sign3A_79 : i32
        %sign3A_81 = arith.extui %sign3A_80 : i1 to i32
        %sign3A_82 = arith.constant 0 : i32
        %sign3A_83 = arith.cmpi slt, %jit3A_72, %sign3A_82 : i32
        %sign3A_84 = arith.extui %sign3A_83 : i1 to i32
        %sign3A_85 = arith.subi %sign3A_81, %sign3A_84 : i32
        %ne3A_86 = arith.cmpi ne, %sign3A_78, %sign3A_85 : i32
        %rem3A_87 = arith.remsi %scan3A_15, %jit3A_72 : i32
        %ne3A_88 = arith.constant 0 : i32
        %ne3A_89 = arith.cmpi ne, %rem3A_87, %ne3A_88 : i32
        %and3A_90 = arith.andi %ne3A_86, %ne3A_89 : i1
        %sub3A = arith.constant 1 : i32
        %sub3A_91 = arith.subi %div3A, %sub3A : i32
        %select_n3A_92 = arith.select %and3A_90, %sub3A_91, %div3A : i32
        %mul3A_93 = arith.constant 16 : i32
        %mul3A_94 = arith.muli %select_n3A_92, %mul3A_93 : i32
        %multiple_of3A = tpu.assume_multiple %mul3A_94, 16 : i32
        "tpu.region"() ({
          %run_scoped3A = tpu.sem_alloc : memref<!tpu.dma_semaphore, #tpu.memory_space<semaphore_mem>>
          %dma_start3A_95 = arith.constant 0 : i32
          %dma_start3A_96 = tpu.memref_slice %arg4[%add3A, %multiple_of3A, %dma_start3A_95] : memref<32x80x128xi32, #tpu.memory_space<hbm>> -> memref<1x16x128xi32, #tpu.memory_space<hbm>>
          %dma_start3A_97 = tpu.memref_squeeze %dma_start3A_96 : memref<1x16x128xi32, #tpu.memory_space<hbm>> -> memref<16x128xi32, #tpu.memory_space<hbm>>
          %dma_start3A_98 = arith.constant 0 : i32
          %dma_start3A_99 = tpu.memref_slice %arg4[%add3A, %multiple_of3A, %dma_start3A_98] : memref<32x80x128xi32, #tpu.memory_space<hbm>> -> memref<1x16x128xi32, #tpu.memory_space<hbm>>
          %dma_start3A_100 = tpu.memref_squeeze %dma_start3A_99 : memref<1x16x128xi32, #tpu.memory_space<hbm>> -> memref<16x128xi32, #tpu.memory_space<hbm>>
          tpu.enqueue_dma source(%dma_start3A_100 : memref<16x128xi32, #tpu.memory_space<hbm>>) target(%arg8 : memref<16x128xi32, #tpu.memory_space<vmem>>) target_semaphore(%run_scoped3A : memref<!tpu.dma_semaphore, #tpu.memory_space<semaphore_mem>>)
          %dma_wait3A = arith.constant 0 : i32
          %dma_wait3A_101 = tpu.memref_slice %arg4[%add3A, %multiple_of3A, %dma_wait3A] : memref<32x80x128xi32, #tpu.memory_space<hbm>> -> memref<1x16x128xi32, #tpu.memory_space<hbm>>
          %dma_wait3A_102 = tpu.memref_squeeze %dma_wait3A_101 : memref<1x16x128xi32, #tpu.memory_space<hbm>> -> memref<16x128xi32, #tpu.memory_space<hbm>>
          %dma_wait3A_103 = arith.constant 0 : i32
          %dma_wait3A_104 = tpu.memref_slice %arg4[%add3A, %multiple_of3A, %dma_wait3A_103] : memref<32x80x128xi32, #tpu.memory_space<hbm>> -> memref<1x16x128xi32, #tpu.memory_space<hbm>>
          %dma_wait3A_105 = tpu.memref_squeeze %dma_wait3A_104 : memref<1x16x128xi32, #tpu.memory_space<hbm>> -> memref<16x128xi32, #tpu.memory_space<hbm>>
          tpu.wait_dma2 semaphore(%run_scoped3A : memref<!tpu.dma_semaphore, #tpu.memory_space<semaphore_mem>>) src(%dma_wait3A_105 : memref<16x128xi32, #tpu.memory_space<hbm>>) dst(%arg8 : memref<16x128xi32, #tpu.memory_space<vmem>>)
          tpu.yield
        }) : () -> ()
      } else {
      }
      %jit3A_30 = arith.constant 2 : i32
      %eq3A_31 = arith.constant 0 : i32
      %eq3A_32 = arith.cmpi eq, %jit3A_30, %eq3A_31 : i32
      %jit3A_33 = arith.constant 1 : i32
      %select_n3A_34 = arith.select %eq3A_32, %jit3A_33, %jit3A_30 : i32
      %rem3A_35 = arith.remsi %scan3A_15, %select_n3A_34 : i32
      %ne3A_36 = arith.constant 0 : i32
      %ne3A_37 = arith.cmpi ne, %rem3A_35, %ne3A_36 : i32
      %lt3A_38 = arith.constant 0 : i32
      %lt3A_39 = arith.cmpi slt, %rem3A_35, %lt3A_38 : i32
      %lt3A_40 = arith.constant 0 : i32
      %lt3A_41 = arith.cmpi slt, %select_n3A_34, %lt3A_40 : i32
      %ne3A_42 = arith.xori %lt3A_39, %lt3A_41 : i1
      %and3A_43 = arith.andi %ne3A_42, %ne3A_37 : i1
      %add3A_44 = arith.addi %rem3A_35, %select_n3A_34 : i32
      %select_n3A_45 = arith.select %and3A_43, %add3A_44, %rem3A_35 : i32
      %eq3A_46 = arith.constant 0 : i32
      %eq3A_47 = arith.cmpi eq, %select_n3A_45, %eq3A_46 : i32
      %convert_element_type3A_48 = arith.extui %eq3A_47 : i1 to i32
      %cond3A_49 = arith.constant 0 : i32
      %cond3A_50 = arith.cmpi ne, %convert_element_type3A_48, %cond3A_49 : i32
      scf.if %cond3A_50 {
        %dma_wait3A = arith.constant 0 : i32
        %dma_wait3A_72 = tpu.memref_slice %arg7[%scan3A_15, %dma_wait3A] : memref<80x128xi32, #tpu.memory_space<vmem>> -> memref<1x128xi32, #tpu.memory_space<vmem>>
        %dma_wait3A_73 = tpu.memref_squeeze %dma_wait3A_72 : memref<1x128xi32, #tpu.memory_space<vmem>> -> memref<128xi32, #tpu.memory_space<vmem>>
        %dma_wait3A_74 = arith.constant 0 : i32
        %dma_wait3A_75 = arith.constant 0 : i32
        %dma_wait3A_76 = tpu.memref_slice %arg2[%dma_wait3A_74, %dma_wait3A_75] : memref<10240x128xf32, #tpu.memory_space<hbm>> -> memref<10240x128xf32, #tpu.memory_space<hbm>>
        tpu.wait_indirect_dma semaphore(%arg12 : memref<!tpu.dma_semaphore, #tpu.memory_space<semaphore_mem>>) src(%dma_wait3A_76 : memref<10240x128xf32, #tpu.memory_space<hbm>>) dst(%arg9 : memref<128x128xf32, #tpu.memory_space<vmem>>)
        %add3A_77 = arith.constant 1 : i32
        %add3A_78 = arith.addi %scan3A_15, %add3A_77 : i32
        %lt3A_79 = arith.constant 80 : i32
        %lt3A_80 = arith.cmpi slt, %add3A_78, %lt3A_79 : i32
        %convert_element_type3A_81 = arith.extui %lt3A_80 : i1 to i32
        %cond3A_82 = arith.constant 0 : i32
        %cond3A_83 = arith.cmpi ne, %convert_element_type3A_81, %cond3A_82 : i32
        scf.if %cond3A_83 {
          %add3A_100 = arith.constant 1 : i32
          %add3A_101 = arith.addi %scan3A_15, %add3A_100 : i32
          %dma_start3A_102 = arith.constant 0 : i32
          %dma_start3A_103 = tpu.memref_slice %arg7[%add3A_101, %dma_start3A_102] : memref<80x128xi32, #tpu.memory_space<vmem>> -> memref<1x128xi32, #tpu.memory_space<vmem>>
          %dma_start3A_104 = tpu.memref_squeeze %dma_start3A_103 : memref<1x128xi32, #tpu.memory_space<vmem>> -> memref<128xi32, #tpu.memory_space<vmem>>
          %dma_start3A_105 = arith.constant 0 : i32
          %dma_start3A_106 = arith.constant 0 : i32
          %dma_start3A_107 = tpu.memref_slice %arg2[%dma_start3A_105, %dma_start3A_106] : memref<10240x128xf32, #tpu.memory_space<hbm>> -> memref<10240x128xf32, #tpu.memory_space<hbm>>
          tpu.enqueue_indirect_dma source(%dma_start3A_107 : memref<10240x128xf32, #tpu.memory_space<hbm>>) target(%arg10 : memref<128x128xf32, #tpu.memory_space<vmem>>) offsets(%dma_start3A_104 : memref<128xi32, #tpu.memory_space<vmem>>) semaphore(%arg13 : memref<!tpu.dma_semaphore, #tpu.memory_space<semaphore_mem>>)
        } else {
        }
        %jit3A_84 = arith.constant 16 : i32
        %eq3A_85 = arith.constant 0 : i32
        %eq3A_86 = arith.cmpi eq, %jit3A_84, %eq3A_85 : i32
        %jit3A_87 = arith.constant 1 : i32
        %select_n3A_88 = arith.select %eq3A_86, %jit3A_87, %jit3A_84 : i32
        %rem3A_89 = arith.remsi %scan3A_15, %select_n3A_88 : i32
        %ne3A_90 = arith.constant 0 : i32
        %ne3A_91 = arith.cmpi ne, %rem3A_89, %ne3A_90 : i32
        %lt3A_92 = arith.constant 0 : i32
        %lt3A_93 = arith.cmpi slt, %rem3A_89, %lt3A_92 : i32
        %lt3A_94 = arith.constant 0 : i32
        %lt3A_95 = arith.cmpi slt, %select_n3A_88, %lt3A_94 : i32
        %ne3A_96 = arith.xori %lt3A_93, %lt3A_95 : i1
        %and3A_97 = arith.andi %ne3A_96, %ne3A_91 : i1
        %add3A_98 = arith.addi %rem3A_89, %select_n3A_88 : i32
        %select_n3A_99 = arith.select %and3A_97, %add3A_98, %rem3A_89 : i32
        "tpu.region"() ({
          %run_scoped3A = tpu.sem_alloc : memref<!tpu.dma_semaphore, #tpu.memory_space<semaphore_mem>>
          %dma_start3A_100 = arith.constant 0 : i32
          %dma_start3A_101 = tpu.memref_slice %arg8[%select_n3A_99, %dma_start3A_100] : memref<16x128xi32, #tpu.memory_space<vmem>> -> memref<1x128xi32, #tpu.memory_space<vmem>>
          %dma_start3A_102 = tpu.memref_squeeze %dma_start3A_101 : memref<1x128xi32, #tpu.memory_space<vmem>> -> memref<128xi32, #tpu.memory_space<vmem>>
          %dma_start3A_103 = arith.constant 0 : i32
          %dma_start3A_104 = arith.constant 0 : i32
          %dma_start3A_105 = tpu.memref_slice %arg11[%dma_start3A_103, %dma_start3A_104] : memref<10240x128xf32, #tpu.memory_space<vmem_shared>> -> memref<10240x128xf32, #tpu.memory_space<vmem_shared>>
          tpu.enqueue_indirect_dma source(%arg9 : memref<128x128xf32, #tpu.memory_space<vmem>>) target(%dma_start3A_105 : memref<10240x128xf32, #tpu.memory_space<vmem_shared>>) offsets(%dma_start3A_102 : memref<128xi32, #tpu.memory_space<vmem>>) semaphore(%run_scoped3A : memref<!tpu.dma_semaphore, #tpu.memory_space<semaphore_mem>>) {add = true}
          %dma_wait3A_106 = arith.constant 0 : i32
          %dma_wait3A_107 = tpu.memref_slice %arg8[%select_n3A_99, %dma_wait3A_106] : memref<16x128xi32, #tpu.memory_space<vmem>> -> memref<1x128xi32, #tpu.memory_space<vmem>>
          %dma_wait3A_108 = tpu.memref_squeeze %dma_wait3A_107 : memref<1x128xi32, #tpu.memory_space<vmem>> -> memref<128xi32, #tpu.memory_space<vmem>>
          %dma_wait3A_109 = arith.constant 0 : i32
          %dma_wait3A_110 = arith.constant 0 : i32
          %dma_wait3A_111 = tpu.memref_slice %arg11[%dma_wait3A_109, %dma_wait3A_110] : memref<10240x128xf32, #tpu.memory_space<vmem_shared>> -> memref<10240x128xf32, #tpu.memory_space<vmem_shared>>
          tpu.wait_indirect_dma semaphore(%run_scoped3A : memref<!tpu.dma_semaphore, #tpu.memory_space<semaphore_mem>>) src(%arg9 : memref<128x128xf32, #tpu.memory_space<vmem>>) dst(%dma_wait3A_111 : memref<10240x128xf32, #tpu.memory_space<vmem_shared>>)
          tpu.yield
        }) : () -> ()
      } else {
      }
      %jit3A_51 = arith.constant 2 : i32
      %eq3A_52 = arith.constant 0 : i32
      %eq3A_53 = arith.cmpi eq, %jit3A_51, %eq3A_52 : i32
      %jit3A_54 = arith.constant 1 : i32
      %select_n3A_55 = arith.select %eq3A_53, %jit3A_54, %jit3A_51 : i32
      %rem3A_56 = arith.remsi %scan3A_15, %select_n3A_55 : i32
      %ne3A_57 = arith.constant 0 : i32
      %ne3A_58 = arith.cmpi ne, %rem3A_56, %ne3A_57 : i32
      %lt3A_59 = arith.constant 0 : i32
      %lt3A_60 = arith.cmpi slt, %rem3A_56, %lt3A_59 : i32
      %lt3A_61 = arith.constant 0 : i32
      %lt3A_62 = arith.cmpi slt, %select_n3A_55, %lt3A_61 : i32
      %ne3A_63 = arith.xori %lt3A_60, %lt3A_62 : i1
      %and3A_64 = arith.andi %ne3A_63, %ne3A_58 : i1
      %add3A_65 = arith.addi %rem3A_56, %select_n3A_55 : i32
      %select_n3A_66 = arith.select %and3A_64, %add3A_65, %rem3A_56 : i32
      %eq3A_67 = arith.constant 1 : i32
      %eq3A_68 = arith.cmpi eq, %select_n3A_66, %eq3A_67 : i32
      %convert_element_type3A_69 = arith.extui %eq3A_68 : i1 to i32
      %cond3A_70 = arith.constant 0 : i32
      %cond3A_71 = arith.cmpi ne, %convert_element_type3A_69, %cond3A_70 : i32
      scf.if %cond3A_71 {
        %dma_wait3A = arith.constant 0 : i32
        %dma_wait3A_72 = tpu.memref_slice %arg7[%scan3A_15, %dma_wait3A] : memref<80x128xi32, #tpu.memory_space<vmem>> -> memref<1x128xi32, #tpu.memory_space<vmem>>
        %dma_wait3A_73 = tpu.memref_squeeze %dma_wait3A_72 : memref<1x128xi32, #tpu.memory_space<vmem>> -> memref<128xi32, #tpu.memory_space<vmem>>
        %dma_wait3A_74 = arith.constant 0 : i32
        %dma_wait3A_75 = arith.constant 0 : i32
        %dma_wait3A_76 = tpu.memref_slice %arg2[%dma_wait3A_74, %dma_wait3A_75] : memref<10240x128xf32, #tpu.memory_space<hbm>> -> memref<10240x128xf32, #tpu.memory_space<hbm>>
        tpu.wait_indirect_dma semaphore(%arg13 : memref<!tpu.dma_semaphore, #tpu.memory_space<semaphore_mem>>) src(%dma_wait3A_76 : memref<10240x128xf32, #tpu.memory_space<hbm>>) dst(%arg10 : memref<128x128xf32, #tpu.memory_space<vmem>>)
        %add3A_77 = arith.constant 1 : i32
        %add3A_78 = arith.addi %scan3A_15, %add3A_77 : i32
        %lt3A_79 = arith.constant 80 : i32
        %lt3A_80 = arith.cmpi slt, %add3A_78, %lt3A_79 : i32
        %convert_element_type3A_81 = arith.extui %lt3A_80 : i1 to i32
        %cond3A_82 = arith.constant 0 : i32
        %cond3A_83 = arith.cmpi ne, %convert_element_type3A_81, %cond3A_82 : i32
        scf.if %cond3A_83 {
          %add3A_100 = arith.constant 1 : i32
          %add3A_101 = arith.addi %scan3A_15, %add3A_100 : i32
          %dma_start3A_102 = arith.constant 0 : i32
          %dma_start3A_103 = tpu.memref_slice %arg7[%add3A_101, %dma_start3A_102] : memref<80x128xi32, #tpu.memory_space<vmem>> -> memref<1x128xi32, #tpu.memory_space<vmem>>
          %dma_start3A_104 = tpu.memref_squeeze %dma_start3A_103 : memref<1x128xi32, #tpu.memory_space<vmem>> -> memref<128xi32, #tpu.memory_space<vmem>>
          %dma_start3A_105 = arith.constant 0 : i32
          %dma_start3A_106 = arith.constant 0 : i32
          %dma_start3A_107 = tpu.memref_slice %arg2[%dma_start3A_105, %dma_start3A_106] : memref<10240x128xf32, #tpu.memory_space<hbm>> -> memref<10240x128xf32, #tpu.memory_space<hbm>>
          tpu.enqueue_indirect_dma source(%dma_start3A_107 : memref<10240x128xf32, #tpu.memory_space<hbm>>) target(%arg9 : memref<128x128xf32, #tpu.memory_space<vmem>>) offsets(%dma_start3A_104 : memref<128xi32, #tpu.memory_space<vmem>>) semaphore(%arg12 : memref<!tpu.dma_semaphore, #tpu.memory_space<semaphore_mem>>)
        } else {
        }
        %jit3A_84 = arith.constant 16 : i32
        %eq3A_85 = arith.constant 0 : i32
        %eq3A_86 = arith.cmpi eq, %jit3A_84, %eq3A_85 : i32
        %jit3A_87 = arith.constant 1 : i32
        %select_n3A_88 = arith.select %eq3A_86, %jit3A_87, %jit3A_84 : i32
        %rem3A_89 = arith.remsi %scan3A_15, %select_n3A_88 : i32
        %ne3A_90 = arith.constant 0 : i32
        %ne3A_91 = arith.cmpi ne, %rem3A_89, %ne3A_90 : i32
        %lt3A_92 = arith.constant 0 : i32
        %lt3A_93 = arith.cmpi slt, %rem3A_89, %lt3A_92 : i32
        %lt3A_94 = arith.constant 0 : i32
        %lt3A_95 = arith.cmpi slt, %select_n3A_88, %lt3A_94 : i32
        %ne3A_96 = arith.xori %lt3A_93, %lt3A_95 : i1
        %and3A_97 = arith.andi %ne3A_96, %ne3A_91 : i1
        %add3A_98 = arith.addi %rem3A_89, %select_n3A_88 : i32
        %select_n3A_99 = arith.select %and3A_97, %add3A_98, %rem3A_89 : i32
        "tpu.region"() ({
          %run_scoped3A = tpu.sem_alloc : memref<!tpu.dma_semaphore, #tpu.memory_space<semaphore_mem>>
          %dma_start3A_100 = arith.constant 0 : i32
          %dma_start3A_101 = tpu.memref_slice %arg8[%select_n3A_99, %dma_start3A_100] : memref<16x128xi32, #tpu.memory_space<vmem>> -> memref<1x128xi32, #tpu.memory_space<vmem>>
          %dma_start3A_102 = tpu.memref_squeeze %dma_start3A_101 : memref<1x128xi32, #tpu.memory_space<vmem>> -> memref<128xi32, #tpu.memory_space<vmem>>
          %dma_start3A_103 = arith.constant 0 : i32
          %dma_start3A_104 = arith.constant 0 : i32
          %dma_start3A_105 = tpu.memref_slice %arg11[%dma_start3A_103, %dma_start3A_104] : memref<10240x128xf32, #tpu.memory_space<vmem_shared>> -> memref<10240x128xf32, #tpu.memory_space<vmem_shared>>
          tpu.enqueue_indirect_dma source(%arg10 : memref<128x128xf32, #tpu.memory_space<vmem>>) target(%dma_start3A_105 : memref<10240x128xf32, #tpu.memory_space<vmem_shared>>) offsets(%dma_start3A_102 : memref<128xi32, #tpu.memory_space<vmem>>) semaphore(%run_scoped3A : memref<!tpu.dma_semaphore, #tpu.memory_space<semaphore_mem>>) {add = true}
          %dma_wait3A_106 = arith.constant 0 : i32
          %dma_wait3A_107 = tpu.memref_slice %arg8[%select_n3A_99, %dma_wait3A_106] : memref<16x128xi32, #tpu.memory_space<vmem>> -> memref<1x128xi32, #tpu.memory_space<vmem>>
          %dma_wait3A_108 = tpu.memref_squeeze %dma_wait3A_107 : memref<1x128xi32, #tpu.memory_space<vmem>> -> memref<128xi32, #tpu.memory_space<vmem>>
          %dma_wait3A_109 = arith.constant 0 : i32
          %dma_wait3A_110 = arith.constant 0 : i32
          %dma_wait3A_111 = tpu.memref_slice %arg11[%dma_wait3A_109, %dma_wait3A_110] : memref<10240x128xf32, #tpu.memory_space<vmem_shared>> -> memref<10240x128xf32, #tpu.memory_space<vmem_shared>>
          tpu.wait_indirect_dma semaphore(%run_scoped3A : memref<!tpu.dma_semaphore, #tpu.memory_space<semaphore_mem>>) src(%arg10 : memref<128x128xf32, #tpu.memory_space<vmem>>) dst(%dma_wait3A_111 : memref<10240x128xf32, #tpu.memory_space<vmem_shared>>)
          tpu.yield
        }) : () -> ()
      } else {
      }
    }
    %scan3A_13 = arith.constant 80 : i32
    %barrier3A_14 = arith.constant 0 : index
    tpu.barrier barrier_id(%barrier3A_14)
    "tpu.region"() ({
      %run_scoped3A = tpu.sem_alloc : memref<!tpu.dma_semaphore, #tpu.memory_space<semaphore_mem>>
      %dma_start3A_15 = arith.constant 0 : i32
      %dma_start3A_16 = tpu.memref_slice %arg6[%arg0, %mul3A_2, %dma_start3A_15] : memref<2x10240x128xf32, #tpu.memory_space<hbm>> -> memref<1x640x128xf32, #tpu.memory_space<hbm>>
      %dma_start3A_17 = tpu.memref_squeeze %dma_start3A_16 : memref<1x640x128xf32, #tpu.memory_space<hbm>> -> memref<640x128xf32, #tpu.memory_space<hbm>>
      %dma_start3A_18 = arith.constant 0 : i32
      %dma_start3A_19 = tpu.memref_slice %arg11[%mul3A_2, %dma_start3A_18] : memref<10240x128xf32, #tpu.memory_space<vmem_shared>> -> memref<640x128xf32, #tpu.memory_space<vmem_shared>>
      tpu.enqueue_dma source(%dma_start3A_19 : memref<640x128xf32, #tpu.memory_space<vmem_shared>>) target(%dma_start3A_17 : memref<640x128xf32, #tpu.memory_space<hbm>>) target_semaphore(%run_scoped3A : memref<!tpu.dma_semaphore, #tpu.memory_space<semaphore_mem>>)
      %dma_wait3A = arith.constant 0 : i32
      %dma_wait3A_20 = tpu.memref_slice %arg6[%arg0, %mul3A_2, %dma_wait3A] : memref<2x10240x128xf32, #tpu.memory_space<hbm>> -> memref<1x640x128xf32, #tpu.memory_space<hbm>>
      %dma_wait3A_21 = tpu.memref_squeeze %dma_wait3A_20 : memref<1x640x128xf32, #tpu.memory_space<hbm>> -> memref<640x128xf32, #tpu.memory_space<hbm>>
      %dma_wait3A_22 = arith.constant 0 : i32
      %dma_wait3A_23 = tpu.memref_slice %arg11[%mul3A_2, %dma_wait3A_22] : memref<10240x128xf32, #tpu.memory_space<vmem_shared>> -> memref<640x128xf32, #tpu.memory_space<vmem_shared>>
      tpu.wait_dma2 semaphore(%run_scoped3A : memref<!tpu.dma_semaphore, #tpu.memory_space<semaphore_mem>>) src(%dma_wait3A_23 : memref<640x128xf32, #tpu.memory_space<vmem_shared>>) dst(%dma_wait3A_21 : memref<640x128xf32, #tpu.memory_space<hbm>>)
      tpu.yield
    }) : () -> ()
    return
  }
}

#map = affine_map<(d0, d1) -> (0, 0)>
#map1 = affine_map<(d0, d1) -> (0, 0, 0)>
module attributes {stable_mosaic.version = 14 : i64} {
  func.func @_hop_kernel(%arg0: i32, %arg1: i32, %arg2: memref<10240x128xf32, #tpu.memory_space<hbm>>, %arg3: memref<32x80x128xi32, #tpu.memory_space<hbm>>, %arg4: memref<32x80x128xi32, #tpu.memory_space<hbm>>, %arg5: memref<10240x128xf32, #tpu.memory_space<hbm>>, %arg6: memref<2x10240x128xf32, #tpu.memory_space<hbm>>, %arg7: memref<80x128xi32, #tpu.memory_space<vmem>>, %arg8: memref<16x128xi32, #tpu.memory_space<vmem>>, %arg9: memref<128x128xf32, #tpu.memory_space<vmem>>, %arg10: memref<128x128xf32, #tpu.memory_space<vmem>>, %arg11: memref<10240x128xf32, #tpu.memory_space<vmem_shared>>, %arg12: memref<!tpu.dma_semaphore, #tpu.memory_space<semaphore_mem>>, %arg13: memref<!tpu.dma_semaphore, #tpu.memory_space<semaphore_mem>>) attributes {dimension_semantics = [#tpu.dimension_semantics<core_parallel>, #tpu.dimension_semantics<subcore_parallel>], iteration_bounds = array<i64: 2, 16>, scalar_prefetch = 0 : i64, scratch_operands = 7 : i64, tpu.core_type = #tpu.core_type<sc_vector_subcore>, window_params = [{transform_indices = #map}, {transform_indices = #map1}, {transform_indices = #map1}, {transform_indices = #map}, {transform_indices = #map1}]} {
    %mul3A = arith.constant 2 : i32
    %mul3A_0 = arith.muli %arg1, %mul3A : i32
    %add3A = arith.addi %mul3A_0, %arg0 : i32
    %mul3A_1 = arith.constant 640 : i32
    %mul3A_2 = arith.muli %arg1, %mul3A_1 : i32
    "tpu.region"() ({
      %run_scoped3A = tpu.sem_alloc : memref<!tpu.dma_semaphore, #tpu.memory_space<semaphore_mem>>
      %dma_start3A_15 = arith.constant 0 : i32
      %dma_start3A_16 = tpu.memref_slice %arg11[%mul3A_2, %dma_start3A_15] : memref<10240x128xf32, #tpu.memory_space<vmem_shared>> -> memref<640x128xf32, #tpu.memory_space<vmem_shared>>
      %dma_start3A_17 = arith.constant 0 : i32
      %dma_start3A_18 = tpu.memref_slice %arg5[%mul3A_2, %dma_start3A_17] : memref<10240x128xf32, #tpu.memory_space<hbm>> -> memref<640x128xf32, #tpu.memory_space<hbm>>
      tpu.enqueue_dma source(%dma_start3A_18 : memref<640x128xf32, #tpu.memory_space<hbm>>) target(%dma_start3A_16 : memref<640x128xf32, #tpu.memory_space<vmem_shared>>) target_semaphore(%run_scoped3A : memref<!tpu.dma_semaphore, #tpu.memory_space<semaphore_mem>>)
      %dma_wait3A = arith.constant 0 : i32
      %dma_wait3A_19 = tpu.memref_slice %arg11[%mul3A_2, %dma_wait3A] : memref<10240x128xf32, #tpu.memory_space<vmem_shared>> -> memref<640x128xf32, #tpu.memory_space<vmem_shared>>
      %dma_wait3A_20 = arith.constant 0 : i32
      %dma_wait3A_21 = tpu.memref_slice %arg5[%mul3A_2, %dma_wait3A_20] : memref<10240x128xf32, #tpu.memory_space<hbm>> -> memref<640x128xf32, #tpu.memory_space<hbm>>
      tpu.wait_dma2 semaphore(%run_scoped3A : memref<!tpu.dma_semaphore, #tpu.memory_space<semaphore_mem>>) src(%dma_wait3A_21 : memref<640x128xf32, #tpu.memory_space<hbm>>) dst(%dma_wait3A_19 : memref<640x128xf32, #tpu.memory_space<vmem_shared>>)
      tpu.yield
    }) : () -> ()
    "tpu.region"() ({
      %run_scoped3A = tpu.sem_alloc : memref<!tpu.dma_semaphore, #tpu.memory_space<semaphore_mem>>
      %dma_start3A_15 = arith.constant 0 : i32
      %dma_start3A_16 = arith.constant 0 : i32
      %dma_start3A_17 = tpu.memref_slice %arg3[%add3A, %dma_start3A_15, %dma_start3A_16] : memref<32x80x128xi32, #tpu.memory_space<hbm>> -> memref<1x80x128xi32, #tpu.memory_space<hbm>>
      %dma_start3A_18 = tpu.memref_squeeze %dma_start3A_17 : memref<1x80x128xi32, #tpu.memory_space<hbm>> -> memref<80x128xi32, #tpu.memory_space<hbm>>
      %dma_start3A_19 = arith.constant 0 : i32
      %dma_start3A_20 = arith.constant 0 : i32
      %dma_start3A_21 = tpu.memref_slice %arg3[%add3A, %dma_start3A_19, %dma_start3A_20] : memref<32x80x128xi32, #tpu.memory_space<hbm>> -> memref<1x80x128xi32, #tpu.memory_space<hbm>>
      %dma_start3A_22 = tpu.memref_squeeze %dma_start3A_21 : memref<1x80x128xi32, #tpu.memory_space<hbm>> -> memref<80x128xi32, #tpu.memory_space<hbm>>
      tpu.enqueue_dma source(%dma_start3A_22 : memref<80x128xi32, #tpu.memory_space<hbm>>) target(%arg7 : memref<80x128xi32, #tpu.memory_space<vmem>>) target_semaphore(%run_scoped3A : memref<!tpu.dma_semaphore, #tpu.memory_space<semaphore_mem>>)
      %dma_wait3A = arith.constant 0 : i32
      %dma_wait3A_23 = arith.constant 0 : i32
      %dma_wait3A_24 = tpu.memref_slice %arg3[%add3A, %dma_wait3A, %dma_wait3A_23] : memref<32x80x128xi32, #tpu.memory_space<hbm>> -> memref<1x80x128xi32, #tpu.memory_space<hbm>>
      %dma_wait3A_25 = tpu.memref_squeeze %dma_wait3A_24 : memref<1x80x128xi32, #tpu.memory_space<hbm>> -> memref<80x128xi32, #tpu.memory_space<hbm>>
      %dma_wait3A_26 = arith.constant 0 : i32
      %dma_wait3A_27 = arith.constant 0 : i32
      %dma_wait3A_28 = tpu.memref_slice %arg3[%add3A, %dma_wait3A_26, %dma_wait3A_27] : memref<32x80x128xi32, #tpu.memory_space<hbm>> -> memref<1x80x128xi32, #tpu.memory_space<hbm>>
      %dma_wait3A_29 = tpu.memref_squeeze %dma_wait3A_28 : memref<1x80x128xi32, #tpu.memory_space<hbm>> -> memref<80x128xi32, #tpu.memory_space<hbm>>
      tpu.wait_dma2 semaphore(%run_scoped3A : memref<!tpu.dma_semaphore, #tpu.memory_space<semaphore_mem>>) src(%dma_wait3A_29 : memref<80x128xi32, #tpu.memory_space<hbm>>) dst(%arg7 : memref<80x128xi32, #tpu.memory_space<vmem>>)
      tpu.yield
    }) : () -> ()
    "tpu.region"() ({
      %run_scoped3A = tpu.sem_alloc : memref<!tpu.dma_semaphore, #tpu.memory_space<semaphore_mem>>
      %dma_start3A_15 = arith.constant 0 : i32
      %dma_start3A_16 = arith.constant 0 : i32
      %dma_start3A_17 = tpu.memref_slice %arg4[%add3A, %dma_start3A_15, %dma_start3A_16] : memref<32x80x128xi32, #tpu.memory_space<hbm>> -> memref<1x16x128xi32, #tpu.memory_space<hbm>>
      %dma_start3A_18 = tpu.memref_squeeze %dma_start3A_17 : memref<1x16x128xi32, #tpu.memory_space<hbm>> -> memref<16x128xi32, #tpu.memory_space<hbm>>
      %dma_start3A_19 = arith.constant 0 : i32
      %dma_start3A_20 = arith.constant 0 : i32
      %dma_start3A_21 = tpu.memref_slice %arg4[%add3A, %dma_start3A_19, %dma_start3A_20] : memref<32x80x128xi32, #tpu.memory_space<hbm>> -> memref<1x16x128xi32, #tpu.memory_space<hbm>>
      %dma_start3A_22 = tpu.memref_squeeze %dma_start3A_21 : memref<1x16x128xi32, #tpu.memory_space<hbm>> -> memref<16x128xi32, #tpu.memory_space<hbm>>
      tpu.enqueue_dma source(%dma_start3A_22 : memref<16x128xi32, #tpu.memory_space<hbm>>) target(%arg8 : memref<16x128xi32, #tpu.memory_space<vmem>>) target_semaphore(%run_scoped3A : memref<!tpu.dma_semaphore, #tpu.memory_space<semaphore_mem>>)
      %dma_wait3A = arith.constant 0 : i32
      %dma_wait3A_23 = arith.constant 0 : i32
      %dma_wait3A_24 = tpu.memref_slice %arg4[%add3A, %dma_wait3A, %dma_wait3A_23] : memref<32x80x128xi32, #tpu.memory_space<hbm>> -> memref<1x16x128xi32, #tpu.memory_space<hbm>>
      %dma_wait3A_25 = tpu.memref_squeeze %dma_wait3A_24 : memref<1x16x128xi32, #tpu.memory_space<hbm>> -> memref<16x128xi32, #tpu.memory_space<hbm>>
      %dma_wait3A_26 = arith.constant 0 : i32
      %dma_wait3A_27 = arith.constant 0 : i32
      %dma_wait3A_28 = tpu.memref_slice %arg4[%add3A, %dma_wait3A_26, %dma_wait3A_27] : memref<32x80x128xi32, #tpu.memory_space<hbm>> -> memref<1x16x128xi32, #tpu.memory_space<hbm>>
      %dma_wait3A_29 = tpu.memref_squeeze %dma_wait3A_28 : memref<1x16x128xi32, #tpu.memory_space<hbm>> -> memref<16x128xi32, #tpu.memory_space<hbm>>
      tpu.wait_dma2 semaphore(%run_scoped3A : memref<!tpu.dma_semaphore, #tpu.memory_space<semaphore_mem>>) src(%dma_wait3A_29 : memref<16x128xi32, #tpu.memory_space<hbm>>) dst(%arg8 : memref<16x128xi32, #tpu.memory_space<vmem>>)
      tpu.yield
    }) : () -> ()
    %barrier3A = arith.constant 0 : index
    tpu.barrier barrier_id(%barrier3A)
    %dma_start3A = arith.constant 0 : i32
    %dma_start3A_3 = arith.constant 0 : i32
    %dma_start3A_4 = tpu.memref_slice %arg7[%dma_start3A, %dma_start3A_3] : memref<80x128xi32, #tpu.memory_space<vmem>> -> memref<1x128xi32, #tpu.memory_space<vmem>>
    %dma_start3A_5 = tpu.memref_squeeze %dma_start3A_4 : memref<1x128xi32, #tpu.memory_space<vmem>> -> memref<128xi32, #tpu.memory_space<vmem>>
    %dma_start3A_6 = arith.constant 0 : i32
    %dma_start3A_7 = arith.constant 0 : i32
    %dma_start3A_8 = tpu.memref_slice %arg2[%dma_start3A_6, %dma_start3A_7] : memref<10240x128xf32, #tpu.memory_space<hbm>> -> memref<10240x128xf32, #tpu.memory_space<hbm>>
    tpu.enqueue_indirect_dma source(%dma_start3A_8 : memref<10240x128xf32, #tpu.memory_space<hbm>>) target(%arg9 : memref<128x128xf32, #tpu.memory_space<vmem>>) offsets(%dma_start3A_5 : memref<128xi32, #tpu.memory_space<vmem>>) semaphore(%arg12 : memref<!tpu.dma_semaphore, #tpu.memory_space<semaphore_mem>>)
    %scan3A = arith.constant 0 : i32
    %scan3A_9 = arith.constant 0 : i32
    %scan3A_10 = arith.constant 80 : i32
    %scan3A_11 = arith.addi %scan3A_9, %scan3A_10 : i32
    %scan3A_12 = arith.constant 1 : i32
    scf.for %scan3A_15 = %scan3A_9 to %scan3A_11 step %scan3A_12  : i32 {
      %jit3A = arith.constant 16 : i32
      %eq3A = arith.constant 0 : i32
      %eq3A_16 = arith.cmpi eq, %jit3A, %eq3A : i32
      %jit3A_17 = arith.constant 1 : i32
      %select_n3A = arith.select %eq3A_16, %jit3A_17, %jit3A : i32
      %rem3A = arith.remsi %scan3A_15, %select_n3A : i32
      %ne3A = arith.constant 0 : i32
      %ne3A_18 = arith.cmpi ne, %rem3A, %ne3A : i32
      %lt3A = arith.constant 0 : i32
      %lt3A_19 = arith.cmpi slt, %rem3A, %lt3A : i32
      %lt3A_20 = arith.constant 0 : i32
      %lt3A_21 = arith.cmpi slt, %select_n3A, %lt3A_20 : i32
      %ne3A_22 = arith.xori %lt3A_19, %lt3A_21 : i1
      %and3A = arith.andi %ne3A_22, %ne3A_18 : i1
      %add3A_23 = arith.addi %rem3A, %select_n3A : i32
      %select_n3A_24 = arith.select %and3A, %add3A_23, %rem3A : i32
      %eq3A_25 = arith.constant 0 : i32
      %eq3A_26 = arith.cmpi eq, %select_n3A_24, %eq3A_25 : i32
      %gt3A = arith.constant 0 : i32
      %gt3A_27 = arith.cmpi sgt, %scan3A_15, %gt3A : i32
      %and3A_28 = arith.andi %eq3A_26, %gt3A_27 : i1
      %convert_element_type3A = arith.extui %and3A_28 : i1 to i32
      %cond3A = arith.constant 0 : i32
      %cond3A_29 = arith.cmpi ne, %convert_element_type3A, %cond3A : i32
      scf.if %cond3A_29 {
        %jit3A_72 = arith.constant 16 : i32
        %div3A = arith.divsi %scan3A_15, %jit3A_72 : i32
        %sign3A = arith.constant 0 : i32
        %sign3A_73 = arith.cmpi sgt, %scan3A_15, %sign3A : i32
        %sign3A_74 = arith.extui %sign3A_73 : i1 to i32
        %sign3A_75 = arith.constant 0 : i32
        %sign3A_76 = arith.cmpi slt, %scan3A_15, %sign3A_75 : i32
        %sign3A_77 = arith.extui %sign3A_76 : i1 to i32
        %sign3A_78 = arith.subi %sign3A_74, %sign3A_77 : i32
        %sign3A_79 = arith.constant 0 : i32
        %sign3A_80 = arith.cmpi sgt, %jit3A_72, %sign3A_79 : i32
        %sign3A_81 = arith.extui %sign3A_80 : i1 to i32
        %sign3A_82 = arith.constant 0 : i32
        %sign3A_83 = arith.cmpi slt, %jit3A_72, %sign3A_82 : i32
        %sign3A_84 = arith.extui %sign3A_83 : i1 to i32
        %sign3A_85 = arith.subi %sign3A_81, %sign3A_84 : i32
        %ne3A_86 = arith.cmpi ne, %sign3A_78, %sign3A_85 : i32
        %rem3A_87 = arith.remsi %scan3A_15, %jit3A_72 : i32
        %ne3A_88 = arith.constant 0 : i32
        %ne3A_89 = arith.cmpi ne, %rem3A_87, %ne3A_88 : i32
        %and3A_90 = arith.andi %ne3A_86, %ne3A_89 : i1
        %sub3A = arith.constant 1 : i32
        %sub3A_91 = arith.subi %div3A, %sub3A : i32
        %select_n3A_92 = arith.select %and3A_90, %sub3A_91, %div3A : i32
        %mul3A_93 = arith.constant 16 : i32
        %mul3A_94 = arith.muli %select_n3A_92, %mul3A_93 : i32
        %multiple_of3A = tpu.assume_multiple %mul3A_94, 16 : i32
        "tpu.region"() ({
          %run_scoped3A = tpu.sem_alloc : memref<!tpu.dma_semaphore, #tpu.memory_space<semaphore_mem>>
          %dma_start3A_95 = arith.constant 0 : i32
          %dma_start3A_96 = tpu.memref_slice %arg4[%add3A, %multiple_of3A, %dma_start3A_95] : memref<32x80x128xi32, #tpu.memory_space<hbm>> -> memref<1x16x128xi32, #tpu.memory_space<hbm>>
          %dma_start3A_97 = tpu.memref_squeeze %dma_start3A_96 : memref<1x16x128xi32, #tpu.memory_space<hbm>> -> memref<16x128xi32, #tpu.memory_space<hbm>>
          %dma_start3A_98 = arith.constant 0 : i32
          %dma_start3A_99 = tpu.memref_slice %arg4[%add3A, %multiple_of3A, %dma_start3A_98] : memref<32x80x128xi32, #tpu.memory_space<hbm>> -> memref<1x16x128xi32, #tpu.memory_space<hbm>>
          %dma_start3A_100 = tpu.memref_squeeze %dma_start3A_99 : memref<1x16x128xi32, #tpu.memory_space<hbm>> -> memref<16x128xi32, #tpu.memory_space<hbm>>
          tpu.enqueue_dma source(%dma_start3A_100 : memref<16x128xi32, #tpu.memory_space<hbm>>) target(%arg8 : memref<16x128xi32, #tpu.memory_space<vmem>>) target_semaphore(%run_scoped3A : memref<!tpu.dma_semaphore, #tpu.memory_space<semaphore_mem>>)
          %dma_wait3A = arith.constant 0 : i32
          %dma_wait3A_101 = tpu.memref_slice %arg4[%add3A, %multiple_of3A, %dma_wait3A] : memref<32x80x128xi32, #tpu.memory_space<hbm>> -> memref<1x16x128xi32, #tpu.memory_space<hbm>>
          %dma_wait3A_102 = tpu.memref_squeeze %dma_wait3A_101 : memref<1x16x128xi32, #tpu.memory_space<hbm>> -> memref<16x128xi32, #tpu.memory_space<hbm>>
          %dma_wait3A_103 = arith.constant 0 : i32
          %dma_wait3A_104 = tpu.memref_slice %arg4[%add3A, %multiple_of3A, %dma_wait3A_103] : memref<32x80x128xi32, #tpu.memory_space<hbm>> -> memref<1x16x128xi32, #tpu.memory_space<hbm>>
          %dma_wait3A_105 = tpu.memref_squeeze %dma_wait3A_104 : memref<1x16x128xi32, #tpu.memory_space<hbm>> -> memref<16x128xi32, #tpu.memory_space<hbm>>
          tpu.wait_dma2 semaphore(%run_scoped3A : memref<!tpu.dma_semaphore, #tpu.memory_space<semaphore_mem>>) src(%dma_wait3A_105 : memref<16x128xi32, #tpu.memory_space<hbm>>) dst(%arg8 : memref<16x128xi32, #tpu.memory_space<vmem>>)
          tpu.yield
        }) : () -> ()
      } else {
      }
      %jit3A_30 = arith.constant 2 : i32
      %eq3A_31 = arith.constant 0 : i32
      %eq3A_32 = arith.cmpi eq, %jit3A_30, %eq3A_31 : i32
      %jit3A_33 = arith.constant 1 : i32
      %select_n3A_34 = arith.select %eq3A_32, %jit3A_33, %jit3A_30 : i32
      %rem3A_35 = arith.remsi %scan3A_15, %select_n3A_34 : i32
      %ne3A_36 = arith.constant 0 : i32
      %ne3A_37 = arith.cmpi ne, %rem3A_35, %ne3A_36 : i32
      %lt3A_38 = arith.constant 0 : i32
      %lt3A_39 = arith.cmpi slt, %rem3A_35, %lt3A_38 : i32
      %lt3A_40 = arith.constant 0 : i32
      %lt3A_41 = arith.cmpi slt, %select_n3A_34, %lt3A_40 : i32
      %ne3A_42 = arith.xori %lt3A_39, %lt3A_41 : i1
      %and3A_43 = arith.andi %ne3A_42, %ne3A_37 : i1
      %add3A_44 = arith.addi %rem3A_35, %select_n3A_34 : i32
      %select_n3A_45 = arith.select %and3A_43, %add3A_44, %rem3A_35 : i32
      %eq3A_46 = arith.constant 0 : i32
      %eq3A_47 = arith.cmpi eq, %select_n3A_45, %eq3A_46 : i32
      %convert_element_type3A_48 = arith.extui %eq3A_47 : i1 to i32
      %cond3A_49 = arith.constant 0 : i32
      %cond3A_50 = arith.cmpi ne, %convert_element_type3A_48, %cond3A_49 : i32
      scf.if %cond3A_50 {
        %dma_wait3A = arith.constant 0 : i32
        %dma_wait3A_72 = tpu.memref_slice %arg7[%scan3A_15, %dma_wait3A] : memref<80x128xi32, #tpu.memory_space<vmem>> -> memref<1x128xi32, #tpu.memory_space<vmem>>
        %dma_wait3A_73 = tpu.memref_squeeze %dma_wait3A_72 : memref<1x128xi32, #tpu.memory_space<vmem>> -> memref<128xi32, #tpu.memory_space<vmem>>
        %dma_wait3A_74 = arith.constant 0 : i32
        %dma_wait3A_75 = arith.constant 0 : i32
        %dma_wait3A_76 = tpu.memref_slice %arg2[%dma_wait3A_74, %dma_wait3A_75] : memref<10240x128xf32, #tpu.memory_space<hbm>> -> memref<10240x128xf32, #tpu.memory_space<hbm>>
        tpu.wait_indirect_dma semaphore(%arg12 : memref<!tpu.dma_semaphore, #tpu.memory_space<semaphore_mem>>) src(%dma_wait3A_76 : memref<10240x128xf32, #tpu.memory_space<hbm>>) dst(%arg9 : memref<128x128xf32, #tpu.memory_space<vmem>>)
        %add3A_77 = arith.constant 1 : i32
        %add3A_78 = arith.addi %scan3A_15, %add3A_77 : i32
        %lt3A_79 = arith.constant 80 : i32
        %lt3A_80 = arith.cmpi slt, %add3A_78, %lt3A_79 : i32
        %convert_element_type3A_81 = arith.extui %lt3A_80 : i1 to i32
        %cond3A_82 = arith.constant 0 : i32
        %cond3A_83 = arith.cmpi ne, %convert_element_type3A_81, %cond3A_82 : i32
        scf.if %cond3A_83 {
          %add3A_100 = arith.constant 1 : i32
          %add3A_101 = arith.addi %scan3A_15, %add3A_100 : i32
          %dma_start3A_102 = arith.constant 0 : i32
          %dma_start3A_103 = tpu.memref_slice %arg7[%add3A_101, %dma_start3A_102] : memref<80x128xi32, #tpu.memory_space<vmem>> -> memref<1x128xi32, #tpu.memory_space<vmem>>
          %dma_start3A_104 = tpu.memref_squeeze %dma_start3A_103 : memref<1x128xi32, #tpu.memory_space<vmem>> -> memref<128xi32, #tpu.memory_space<vmem>>
          %dma_start3A_105 = arith.constant 0 : i32
          %dma_start3A_106 = arith.constant 0 : i32
          %dma_start3A_107 = tpu.memref_slice %arg2[%dma_start3A_105, %dma_start3A_106] : memref<10240x128xf32, #tpu.memory_space<hbm>> -> memref<10240x128xf32, #tpu.memory_space<hbm>>
          tpu.enqueue_indirect_dma source(%dma_start3A_107 : memref<10240x128xf32, #tpu.memory_space<hbm>>) target(%arg10 : memref<128x128xf32, #tpu.memory_space<vmem>>) offsets(%dma_start3A_104 : memref<128xi32, #tpu.memory_space<vmem>>) semaphore(%arg13 : memref<!tpu.dma_semaphore, #tpu.memory_space<semaphore_mem>>)
        } else {
        }
        %jit3A_84 = arith.constant 16 : i32
        %eq3A_85 = arith.constant 0 : i32
        %eq3A_86 = arith.cmpi eq, %jit3A_84, %eq3A_85 : i32
        %jit3A_87 = arith.constant 1 : i32
        %select_n3A_88 = arith.select %eq3A_86, %jit3A_87, %jit3A_84 : i32
        %rem3A_89 = arith.remsi %scan3A_15, %select_n3A_88 : i32
        %ne3A_90 = arith.constant 0 : i32
        %ne3A_91 = arith.cmpi ne, %rem3A_89, %ne3A_90 : i32
        %lt3A_92 = arith.constant 0 : i32
        %lt3A_93 = arith.cmpi slt, %rem3A_89, %lt3A_92 : i32
        %lt3A_94 = arith.constant 0 : i32
        %lt3A_95 = arith.cmpi slt, %select_n3A_88, %lt3A_94 : i32
        %ne3A_96 = arith.xori %lt3A_93, %lt3A_95 : i1
        %and3A_97 = arith.andi %ne3A_96, %ne3A_91 : i1
        %add3A_98 = arith.addi %rem3A_89, %select_n3A_88 : i32
        %select_n3A_99 = arith.select %and3A_97, %add3A_98, %rem3A_89 : i32
        "tpu.region"() ({
          %run_scoped3A = tpu.sem_alloc : memref<!tpu.dma_semaphore, #tpu.memory_space<semaphore_mem>>
          %dma_start3A_100 = arith.constant 0 : i32
          %dma_start3A_101 = tpu.memref_slice %arg8[%select_n3A_99, %dma_start3A_100] : memref<16x128xi32, #tpu.memory_space<vmem>> -> memref<1x128xi32, #tpu.memory_space<vmem>>
          %dma_start3A_102 = tpu.memref_squeeze %dma_start3A_101 : memref<1x128xi32, #tpu.memory_space<vmem>> -> memref<128xi32, #tpu.memory_space<vmem>>
          %dma_start3A_103 = arith.constant 0 : i32
          %dma_start3A_104 = arith.constant 0 : i32
          %dma_start3A_105 = tpu.memref_slice %arg11[%dma_start3A_103, %dma_start3A_104] : memref<10240x128xf32, #tpu.memory_space<vmem_shared>> -> memref<10240x128xf32, #tpu.memory_space<vmem_shared>>
          tpu.enqueue_indirect_dma source(%arg9 : memref<128x128xf32, #tpu.memory_space<vmem>>) target(%dma_start3A_105 : memref<10240x128xf32, #tpu.memory_space<vmem_shared>>) offsets(%dma_start3A_102 : memref<128xi32, #tpu.memory_space<vmem>>) semaphore(%run_scoped3A : memref<!tpu.dma_semaphore, #tpu.memory_space<semaphore_mem>>) {add = true}
          %dma_wait3A_106 = arith.constant 0 : i32
          %dma_wait3A_107 = tpu.memref_slice %arg8[%select_n3A_99, %dma_wait3A_106] : memref<16x128xi32, #tpu.memory_space<vmem>> -> memref<1x128xi32, #tpu.memory_space<vmem>>
          %dma_wait3A_108 = tpu.memref_squeeze %dma_wait3A_107 : memref<1x128xi32, #tpu.memory_space<vmem>> -> memref<128xi32, #tpu.memory_space<vmem>>
          %dma_wait3A_109 = arith.constant 0 : i32
          %dma_wait3A_110 = arith.constant 0 : i32
          %dma_wait3A_111 = tpu.memref_slice %arg11[%dma_wait3A_109, %dma_wait3A_110] : memref<10240x128xf32, #tpu.memory_space<vmem_shared>> -> memref<10240x128xf32, #tpu.memory_space<vmem_shared>>
          tpu.wait_indirect_dma semaphore(%run_scoped3A : memref<!tpu.dma_semaphore, #tpu.memory_space<semaphore_mem>>) src(%arg9 : memref<128x128xf32, #tpu.memory_space<vmem>>) dst(%dma_wait3A_111 : memref<10240x128xf32, #tpu.memory_space<vmem_shared>>)
          tpu.yield
        }) : () -> ()
      } else {
      }
      %jit3A_51 = arith.constant 2 : i32
      %eq3A_52 = arith.constant 0 : i32
      %eq3A_53 = arith.cmpi eq, %jit3A_51, %eq3A_52 : i32
      %jit3A_54 = arith.constant 1 : i32
      %select_n3A_55 = arith.select %eq3A_53, %jit3A_54, %jit3A_51 : i32
      %rem3A_56 = arith.remsi %scan3A_15, %select_n3A_55 : i32
      %ne3A_57 = arith.constant 0 : i32
      %ne3A_58 = arith.cmpi ne, %rem3A_56, %ne3A_57 : i32
      %lt3A_59 = arith.constant 0 : i32
      %lt3A_60 = arith.cmpi slt, %rem3A_56, %lt3A_59 : i32
      %lt3A_61 = arith.constant 0 : i32
      %lt3A_62 = arith.cmpi slt, %select_n3A_55, %lt3A_61 : i32
      %ne3A_63 = arith.xori %lt3A_60, %lt3A_62 : i1
      %and3A_64 = arith.andi %ne3A_63, %ne3A_58 : i1
      %add3A_65 = arith.addi %rem3A_56, %select_n3A_55 : i32
      %select_n3A_66 = arith.select %and3A_64, %add3A_65, %rem3A_56 : i32
      %eq3A_67 = arith.constant 1 : i32
      %eq3A_68 = arith.cmpi eq, %select_n3A_66, %eq3A_67 : i32
      %convert_element_type3A_69 = arith.extui %eq3A_68 : i1 to i32
      %cond3A_70 = arith.constant 0 : i32
      %cond3A_71 = arith.cmpi ne, %convert_element_type3A_69, %cond3A_70 : i32
      scf.if %cond3A_71 {
        %dma_wait3A = arith.constant 0 : i32
        %dma_wait3A_72 = tpu.memref_slice %arg7[%scan3A_15, %dma_wait3A] : memref<80x128xi32, #tpu.memory_space<vmem>> -> memref<1x128xi32, #tpu.memory_space<vmem>>
        %dma_wait3A_73 = tpu.memref_squeeze %dma_wait3A_72 : memref<1x128xi32, #tpu.memory_space<vmem>> -> memref<128xi32, #tpu.memory_space<vmem>>
        %dma_wait3A_74 = arith.constant 0 : i32
        %dma_wait3A_75 = arith.constant 0 : i32
        %dma_wait3A_76 = tpu.memref_slice %arg2[%dma_wait3A_74, %dma_wait3A_75] : memref<10240x128xf32, #tpu.memory_space<hbm>> -> memref<10240x128xf32, #tpu.memory_space<hbm>>
        tpu.wait_indirect_dma semaphore(%arg13 : memref<!tpu.dma_semaphore, #tpu.memory_space<semaphore_mem>>) src(%dma_wait3A_76 : memref<10240x128xf32, #tpu.memory_space<hbm>>) dst(%arg10 : memref<128x128xf32, #tpu.memory_space<vmem>>)
        %add3A_77 = arith.constant 1 : i32
        %add3A_78 = arith.addi %scan3A_15, %add3A_77 : i32
        %lt3A_79 = arith.constant 80 : i32
        %lt3A_80 = arith.cmpi slt, %add3A_78, %lt3A_79 : i32
        %convert_element_type3A_81 = arith.extui %lt3A_80 : i1 to i32
        %cond3A_82 = arith.constant 0 : i32
        %cond3A_83 = arith.cmpi ne, %convert_element_type3A_81, %cond3A_82 : i32
        scf.if %cond3A_83 {
          %add3A_100 = arith.constant 1 : i32
          %add3A_101 = arith.addi %scan3A_15, %add3A_100 : i32
          %dma_start3A_102 = arith.constant 0 : i32
          %dma_start3A_103 = tpu.memref_slice %arg7[%add3A_101, %dma_start3A_102] : memref<80x128xi32, #tpu.memory_space<vmem>> -> memref<1x128xi32, #tpu.memory_space<vmem>>
          %dma_start3A_104 = tpu.memref_squeeze %dma_start3A_103 : memref<1x128xi32, #tpu.memory_space<vmem>> -> memref<128xi32, #tpu.memory_space<vmem>>
          %dma_start3A_105 = arith.constant 0 : i32
          %dma_start3A_106 = arith.constant 0 : i32
          %dma_start3A_107 = tpu.memref_slice %arg2[%dma_start3A_105, %dma_start3A_106] : memref<10240x128xf32, #tpu.memory_space<hbm>> -> memref<10240x128xf32, #tpu.memory_space<hbm>>
          tpu.enqueue_indirect_dma source(%dma_start3A_107 : memref<10240x128xf32, #tpu.memory_space<hbm>>) target(%arg9 : memref<128x128xf32, #tpu.memory_space<vmem>>) offsets(%dma_start3A_104 : memref<128xi32, #tpu.memory_space<vmem>>) semaphore(%arg12 : memref<!tpu.dma_semaphore, #tpu.memory_space<semaphore_mem>>)
        } else {
        }
        %jit3A_84 = arith.constant 16 : i32
        %eq3A_85 = arith.constant 0 : i32
        %eq3A_86 = arith.cmpi eq, %jit3A_84, %eq3A_85 : i32
        %jit3A_87 = arith.constant 1 : i32
        %select_n3A_88 = arith.select %eq3A_86, %jit3A_87, %jit3A_84 : i32
        %rem3A_89 = arith.remsi %scan3A_15, %select_n3A_88 : i32
        %ne3A_90 = arith.constant 0 : i32
        %ne3A_91 = arith.cmpi ne, %rem3A_89, %ne3A_90 : i32
        %lt3A_92 = arith.constant 0 : i32
        %lt3A_93 = arith.cmpi slt, %rem3A_89, %lt3A_92 : i32
        %lt3A_94 = arith.constant 0 : i32
        %lt3A_95 = arith.cmpi slt, %select_n3A_88, %lt3A_94 : i32
        %ne3A_96 = arith.xori %lt3A_93, %lt3A_95 : i1
        %and3A_97 = arith.andi %ne3A_96, %ne3A_91 : i1
        %add3A_98 = arith.addi %rem3A_89, %select_n3A_88 : i32
        %select_n3A_99 = arith.select %and3A_97, %add3A_98, %rem3A_89 : i32
        "tpu.region"() ({
          %run_scoped3A = tpu.sem_alloc : memref<!tpu.dma_semaphore, #tpu.memory_space<semaphore_mem>>
          %dma_start3A_100 = arith.constant 0 : i32
          %dma_start3A_101 = tpu.memref_slice %arg8[%select_n3A_99, %dma_start3A_100] : memref<16x128xi32, #tpu.memory_space<vmem>> -> memref<1x128xi32, #tpu.memory_space<vmem>>
          %dma_start3A_102 = tpu.memref_squeeze %dma_start3A_101 : memref<1x128xi32, #tpu.memory_space<vmem>> -> memref<128xi32, #tpu.memory_space<vmem>>
          %dma_start3A_103 = arith.constant 0 : i32
          %dma_start3A_104 = arith.constant 0 : i32
          %dma_start3A_105 = tpu.memref_slice %arg11[%dma_start3A_103, %dma_start3A_104] : memref<10240x128xf32, #tpu.memory_space<vmem_shared>> -> memref<10240x128xf32, #tpu.memory_space<vmem_shared>>
          tpu.enqueue_indirect_dma source(%arg10 : memref<128x128xf32, #tpu.memory_space<vmem>>) target(%dma_start3A_105 : memref<10240x128xf32, #tpu.memory_space<vmem_shared>>) offsets(%dma_start3A_102 : memref<128xi32, #tpu.memory_space<vmem>>) semaphore(%run_scoped3A : memref<!tpu.dma_semaphore, #tpu.memory_space<semaphore_mem>>) {add = true}
          %dma_wait3A_106 = arith.constant 0 : i32
          %dma_wait3A_107 = tpu.memref_slice %arg8[%select_n3A_99, %dma_wait3A_106] : memref<16x128xi32, #tpu.memory_space<vmem>> -> memref<1x128xi32, #tpu.memory_space<vmem>>
          %dma_wait3A_108 = tpu.memref_squeeze %dma_wait3A_107 : memref<1x128xi32, #tpu.memory_space<vmem>> -> memref<128xi32, #tpu.memory_space<vmem>>
          %dma_wait3A_109 = arith.constant 0 : i32
          %dma_wait3A_110 = arith.constant 0 : i32
          %dma_wait3A_111 = tpu.memref_slice %arg11[%dma_wait3A_109, %dma_wait3A_110] : memref<10240x128xf32, #tpu.memory_space<vmem_shared>> -> memref<10240x128xf32, #tpu.memory_space<vmem_shared>>
          tpu.wait_indirect_dma semaphore(%run_scoped3A : memref<!tpu.dma_semaphore, #tpu.memory_space<semaphore_mem>>) src(%arg10 : memref<128x128xf32, #tpu.memory_space<vmem>>) dst(%dma_wait3A_111 : memref<10240x128xf32, #tpu.memory_space<vmem_shared>>)
          tpu.yield
        }) : () -> ()
      } else {
      }
    }
    %scan3A_13 = arith.constant 80 : i32
    %barrier3A_14 = arith.constant 0 : index
    tpu.barrier barrier_id(%barrier3A_14)
    "tpu.region"() ({
      %run_scoped3A = tpu.sem_alloc : memref<!tpu.dma_semaphore, #tpu.memory_space<semaphore_mem>>
      %dma_start3A_15 = arith.constant 0 : i32
      %dma_start3A_16 = tpu.memref_slice %arg6[%arg0, %mul3A_2, %dma_start3A_15] : memref<2x10240x128xf32, #tpu.memory_space<hbm>> -> memref<1x640x128xf32, #tpu.memory_space<hbm>>
      %dma_start3A_17 = tpu.memref_squeeze %dma_start3A_16 : memref<1x640x128xf32, #tpu.memory_space<hbm>> -> memref<640x128xf32, #tpu.memory_space<hbm>>
      %dma_start3A_18 = arith.constant 0 : i32
      %dma_start3A_19 = tpu.memref_slice %arg11[%mul3A_2, %dma_start3A_18] : memref<10240x128xf32, #tpu.memory_space<vmem_shared>> -> memref<640x128xf32, #tpu.memory_space<vmem_shared>>
      tpu.enqueue_dma source(%dma_start3A_19 : memref<640x128xf32, #tpu.memory_space<vmem_shared>>) target(%dma_start3A_17 : memref<640x128xf32, #tpu.memory_space<hbm>>) target_semaphore(%run_scoped3A : memref<!tpu.dma_semaphore, #tpu.memory_space<semaphore_mem>>)
      %dma_wait3A = arith.constant 0 : i32
      %dma_wait3A_20 = tpu.memref_slice %arg6[%arg0, %mul3A_2, %dma_wait3A] : memref<2x10240x128xf32, #tpu.memory_space<hbm>> -> memref<1x640x128xf32, #tpu.memory_space<hbm>>
      %dma_wait3A_21 = tpu.memref_squeeze %dma_wait3A_20 : memref<1x640x128xf32, #tpu.memory_space<hbm>> -> memref<640x128xf32, #tpu.memory_space<hbm>>
      %dma_wait3A_22 = arith.constant 0 : i32
      %dma_wait3A_23 = tpu.memref_slice %arg11[%mul3A_2, %dma_wait3A_22] : memref<10240x128xf32, #tpu.memory_space<vmem_shared>> -> memref<640x128xf32, #tpu.memory_space<vmem_shared>>
      tpu.wait_dma2 semaphore(%run_scoped3A : memref<!tpu.dma_semaphore, #tpu.memory_space<semaphore_mem>>) src(%dma_wait3A_23 : memref<640x128xf32, #tpu.memory_space<vmem_shared>>) dst(%dma_wait3A_21 : memref<640x128xf32, #tpu.memory_space<hbm>>)
      tpu.yield
    }) : () -> ()
    return
  }
}

#map = affine_map<(d0, d1) -> (0, 0)>
#map1 = affine_map<(d0, d1) -> (0, 0, 0)>
module attributes {stable_mosaic.version = 14 : i64} {
  func.func @_hop_kernel(%arg0: i32, %arg1: i32, %arg2: memref<10240x128xf32, #tpu.memory_space<hbm>>, %arg3: memref<32x80x128xi32, #tpu.memory_space<hbm>>, %arg4: memref<32x80x128xi32, #tpu.memory_space<hbm>>, %arg5: memref<10240x128xf32, #tpu.memory_space<hbm>>, %arg6: memref<2x10240x128xf32, #tpu.memory_space<hbm>>, %arg7: memref<80x128xi32, #tpu.memory_space<vmem>>, %arg8: memref<16x128xi32, #tpu.memory_space<vmem>>, %arg9: memref<128x128xf32, #tpu.memory_space<vmem>>, %arg10: memref<128x128xf32, #tpu.memory_space<vmem>>, %arg11: memref<10240x128xf32, #tpu.memory_space<vmem_shared>>, %arg12: memref<!tpu.dma_semaphore, #tpu.memory_space<semaphore_mem>>, %arg13: memref<!tpu.dma_semaphore, #tpu.memory_space<semaphore_mem>>) attributes {dimension_semantics = [#tpu.dimension_semantics<core_parallel>, #tpu.dimension_semantics<subcore_parallel>], iteration_bounds = array<i64: 2, 16>, scalar_prefetch = 0 : i64, scratch_operands = 7 : i64, tpu.core_type = #tpu.core_type<sc_vector_subcore>, window_params = [{transform_indices = #map}, {transform_indices = #map1}, {transform_indices = #map1}, {transform_indices = #map}, {transform_indices = #map1}]} {
    %mul3A = arith.constant 2 : i32
    %mul3A_0 = arith.muli %arg1, %mul3A : i32
    %add3A = arith.addi %mul3A_0, %arg0 : i32
    %mul3A_1 = arith.constant 640 : i32
    %mul3A_2 = arith.muli %arg1, %mul3A_1 : i32
    "tpu.region"() ({
      %run_scoped3A = tpu.sem_alloc : memref<!tpu.dma_semaphore, #tpu.memory_space<semaphore_mem>>
      %dma_start3A_15 = arith.constant 0 : i32
      %dma_start3A_16 = tpu.memref_slice %arg11[%mul3A_2, %dma_start3A_15] : memref<10240x128xf32, #tpu.memory_space<vmem_shared>> -> memref<640x128xf32, #tpu.memory_space<vmem_shared>>
      %dma_start3A_17 = arith.constant 0 : i32
      %dma_start3A_18 = tpu.memref_slice %arg5[%mul3A_2, %dma_start3A_17] : memref<10240x128xf32, #tpu.memory_space<hbm>> -> memref<640x128xf32, #tpu.memory_space<hbm>>
      tpu.enqueue_dma source(%dma_start3A_18 : memref<640x128xf32, #tpu.memory_space<hbm>>) target(%dma_start3A_16 : memref<640x128xf32, #tpu.memory_space<vmem_shared>>) target_semaphore(%run_scoped3A : memref<!tpu.dma_semaphore, #tpu.memory_space<semaphore_mem>>)
      %dma_wait3A = arith.constant 0 : i32
      %dma_wait3A_19 = tpu.memref_slice %arg11[%mul3A_2, %dma_wait3A] : memref<10240x128xf32, #tpu.memory_space<vmem_shared>> -> memref<640x128xf32, #tpu.memory_space<vmem_shared>>
      %dma_wait3A_20 = arith.constant 0 : i32
      %dma_wait3A_21 = tpu.memref_slice %arg5[%mul3A_2, %dma_wait3A_20] : memref<10240x128xf32, #tpu.memory_space<hbm>> -> memref<640x128xf32, #tpu.memory_space<hbm>>
      tpu.wait_dma2 semaphore(%run_scoped3A : memref<!tpu.dma_semaphore, #tpu.memory_space<semaphore_mem>>) src(%dma_wait3A_21 : memref<640x128xf32, #tpu.memory_space<hbm>>) dst(%dma_wait3A_19 : memref<640x128xf32, #tpu.memory_space<vmem_shared>>)
      tpu.yield
    }) : () -> ()
    "tpu.region"() ({
      %run_scoped3A = tpu.sem_alloc : memref<!tpu.dma_semaphore, #tpu.memory_space<semaphore_mem>>
      %dma_start3A_15 = arith.constant 0 : i32
      %dma_start3A_16 = arith.constant 0 : i32
      %dma_start3A_17 = tpu.memref_slice %arg3[%add3A, %dma_start3A_15, %dma_start3A_16] : memref<32x80x128xi32, #tpu.memory_space<hbm>> -> memref<1x80x128xi32, #tpu.memory_space<hbm>>
      %dma_start3A_18 = tpu.memref_squeeze %dma_start3A_17 : memref<1x80x128xi32, #tpu.memory_space<hbm>> -> memref<80x128xi32, #tpu.memory_space<hbm>>
      %dma_start3A_19 = arith.constant 0 : i32
      %dma_start3A_20 = arith.constant 0 : i32
      %dma_start3A_21 = tpu.memref_slice %arg3[%add3A, %dma_start3A_19, %dma_start3A_20] : memref<32x80x128xi32, #tpu.memory_space<hbm>> -> memref<1x80x128xi32, #tpu.memory_space<hbm>>
      %dma_start3A_22 = tpu.memref_squeeze %dma_start3A_21 : memref<1x80x128xi32, #tpu.memory_space<hbm>> -> memref<80x128xi32, #tpu.memory_space<hbm>>
      tpu.enqueue_dma source(%dma_start3A_22 : memref<80x128xi32, #tpu.memory_space<hbm>>) target(%arg7 : memref<80x128xi32, #tpu.memory_space<vmem>>) target_semaphore(%run_scoped3A : memref<!tpu.dma_semaphore, #tpu.memory_space<semaphore_mem>>)
      %dma_wait3A = arith.constant 0 : i32
      %dma_wait3A_23 = arith.constant 0 : i32
      %dma_wait3A_24 = tpu.memref_slice %arg3[%add3A, %dma_wait3A, %dma_wait3A_23] : memref<32x80x128xi32, #tpu.memory_space<hbm>> -> memref<1x80x128xi32, #tpu.memory_space<hbm>>
      %dma_wait3A_25 = tpu.memref_squeeze %dma_wait3A_24 : memref<1x80x128xi32, #tpu.memory_space<hbm>> -> memref<80x128xi32, #tpu.memory_space<hbm>>
      %dma_wait3A_26 = arith.constant 0 : i32
      %dma_wait3A_27 = arith.constant 0 : i32
      %dma_wait3A_28 = tpu.memref_slice %arg3[%add3A, %dma_wait3A_26, %dma_wait3A_27] : memref<32x80x128xi32, #tpu.memory_space<hbm>> -> memref<1x80x128xi32, #tpu.memory_space<hbm>>
      %dma_wait3A_29 = tpu.memref_squeeze %dma_wait3A_28 : memref<1x80x128xi32, #tpu.memory_space<hbm>> -> memref<80x128xi32, #tpu.memory_space<hbm>>
      tpu.wait_dma2 semaphore(%run_scoped3A : memref<!tpu.dma_semaphore, #tpu.memory_space<semaphore_mem>>) src(%dma_wait3A_29 : memref<80x128xi32, #tpu.memory_space<hbm>>) dst(%arg7 : memref<80x128xi32, #tpu.memory_space<vmem>>)
      tpu.yield
    }) : () -> ()
    "tpu.region"() ({
      %run_scoped3A = tpu.sem_alloc : memref<!tpu.dma_semaphore, #tpu.memory_space<semaphore_mem>>
      %dma_start3A_15 = arith.constant 0 : i32
      %dma_start3A_16 = arith.constant 0 : i32
      %dma_start3A_17 = tpu.memref_slice %arg4[%add3A, %dma_start3A_15, %dma_start3A_16] : memref<32x80x128xi32, #tpu.memory_space<hbm>> -> memref<1x16x128xi32, #tpu.memory_space<hbm>>
      %dma_start3A_18 = tpu.memref_squeeze %dma_start3A_17 : memref<1x16x128xi32, #tpu.memory_space<hbm>> -> memref<16x128xi32, #tpu.memory_space<hbm>>
      %dma_start3A_19 = arith.constant 0 : i32
      %dma_start3A_20 = arith.constant 0 : i32
      %dma_start3A_21 = tpu.memref_slice %arg4[%add3A, %dma_start3A_19, %dma_start3A_20] : memref<32x80x128xi32, #tpu.memory_space<hbm>> -> memref<1x16x128xi32, #tpu.memory_space<hbm>>
      %dma_start3A_22 = tpu.memref_squeeze %dma_start3A_21 : memref<1x16x128xi32, #tpu.memory_space<hbm>> -> memref<16x128xi32, #tpu.memory_space<hbm>>
      tpu.enqueue_dma source(%dma_start3A_22 : memref<16x128xi32, #tpu.memory_space<hbm>>) target(%arg8 : memref<16x128xi32, #tpu.memory_space<vmem>>) target_semaphore(%run_scoped3A : memref<!tpu.dma_semaphore, #tpu.memory_space<semaphore_mem>>)
      %dma_wait3A = arith.constant 0 : i32
      %dma_wait3A_23 = arith.constant 0 : i32
      %dma_wait3A_24 = tpu.memref_slice %arg4[%add3A, %dma_wait3A, %dma_wait3A_23] : memref<32x80x128xi32, #tpu.memory_space<hbm>> -> memref<1x16x128xi32, #tpu.memory_space<hbm>>
      %dma_wait3A_25 = tpu.memref_squeeze %dma_wait3A_24 : memref<1x16x128xi32, #tpu.memory_space<hbm>> -> memref<16x128xi32, #tpu.memory_space<hbm>>
      %dma_wait3A_26 = arith.constant 0 : i32
      %dma_wait3A_27 = arith.constant 0 : i32
      %dma_wait3A_28 = tpu.memref_slice %arg4[%add3A, %dma_wait3A_26, %dma_wait3A_27] : memref<32x80x128xi32, #tpu.memory_space<hbm>> -> memref<1x16x128xi32, #tpu.memory_space<hbm>>
      %dma_wait3A_29 = tpu.memref_squeeze %dma_wait3A_28 : memref<1x16x128xi32, #tpu.memory_space<hbm>> -> memref<16x128xi32, #tpu.memory_space<hbm>>
      tpu.wait_dma2 semaphore(%run_scoped3A : memref<!tpu.dma_semaphore, #tpu.memory_space<semaphore_mem>>) src(%dma_wait3A_29 : memref<16x128xi32, #tpu.memory_space<hbm>>) dst(%arg8 : memref<16x128xi32, #tpu.memory_space<vmem>>)
      tpu.yield
    }) : () -> ()
    %barrier3A = arith.constant 0 : index
    tpu.barrier barrier_id(%barrier3A)
    %dma_start3A = arith.constant 0 : i32
    %dma_start3A_3 = arith.constant 0 : i32
    %dma_start3A_4 = tpu.memref_slice %arg7[%dma_start3A, %dma_start3A_3] : memref<80x128xi32, #tpu.memory_space<vmem>> -> memref<1x128xi32, #tpu.memory_space<vmem>>
    %dma_start3A_5 = tpu.memref_squeeze %dma_start3A_4 : memref<1x128xi32, #tpu.memory_space<vmem>> -> memref<128xi32, #tpu.memory_space<vmem>>
    %dma_start3A_6 = arith.constant 0 : i32
    %dma_start3A_7 = arith.constant 0 : i32
    %dma_start3A_8 = tpu.memref_slice %arg2[%dma_start3A_6, %dma_start3A_7] : memref<10240x128xf32, #tpu.memory_space<hbm>> -> memref<10240x128xf32, #tpu.memory_space<hbm>>
    tpu.enqueue_indirect_dma source(%dma_start3A_8 : memref<10240x128xf32, #tpu.memory_space<hbm>>) target(%arg9 : memref<128x128xf32, #tpu.memory_space<vmem>>) offsets(%dma_start3A_5 : memref<128xi32, #tpu.memory_space<vmem>>) semaphore(%arg12 : memref<!tpu.dma_semaphore, #tpu.memory_space<semaphore_mem>>)
    %scan3A = arith.constant 0 : i32
    %scan3A_9 = arith.constant 0 : i32
    %scan3A_10 = arith.constant 80 : i32
    %scan3A_11 = arith.addi %scan3A_9, %scan3A_10 : i32
    %scan3A_12 = arith.constant 1 : i32
    scf.for %scan3A_15 = %scan3A_9 to %scan3A_11 step %scan3A_12  : i32 {
      %jit3A = arith.constant 16 : i32
      %eq3A = arith.constant 0 : i32
      %eq3A_16 = arith.cmpi eq, %jit3A, %eq3A : i32
      %jit3A_17 = arith.constant 1 : i32
      %select_n3A = arith.select %eq3A_16, %jit3A_17, %jit3A : i32
      %rem3A = arith.remsi %scan3A_15, %select_n3A : i32
      %ne3A = arith.constant 0 : i32
      %ne3A_18 = arith.cmpi ne, %rem3A, %ne3A : i32
      %lt3A = arith.constant 0 : i32
      %lt3A_19 = arith.cmpi slt, %rem3A, %lt3A : i32
      %lt3A_20 = arith.constant 0 : i32
      %lt3A_21 = arith.cmpi slt, %select_n3A, %lt3A_20 : i32
      %ne3A_22 = arith.xori %lt3A_19, %lt3A_21 : i1
      %and3A = arith.andi %ne3A_22, %ne3A_18 : i1
      %add3A_23 = arith.addi %rem3A, %select_n3A : i32
      %select_n3A_24 = arith.select %and3A, %add3A_23, %rem3A : i32
      %eq3A_25 = arith.constant 0 : i32
      %eq3A_26 = arith.cmpi eq, %select_n3A_24, %eq3A_25 : i32
      %gt3A = arith.constant 0 : i32
      %gt3A_27 = arith.cmpi sgt, %scan3A_15, %gt3A : i32
      %and3A_28 = arith.andi %eq3A_26, %gt3A_27 : i1
      %convert_element_type3A = arith.extui %and3A_28 : i1 to i32
      %cond3A = arith.constant 0 : i32
      %cond3A_29 = arith.cmpi ne, %convert_element_type3A, %cond3A : i32
      scf.if %cond3A_29 {
        %jit3A_72 = arith.constant 16 : i32
        %div3A = arith.divsi %scan3A_15, %jit3A_72 : i32
        %sign3A = arith.constant 0 : i32
        %sign3A_73 = arith.cmpi sgt, %scan3A_15, %sign3A : i32
        %sign3A_74 = arith.extui %sign3A_73 : i1 to i32
        %sign3A_75 = arith.constant 0 : i32
        %sign3A_76 = arith.cmpi slt, %scan3A_15, %sign3A_75 : i32
        %sign3A_77 = arith.extui %sign3A_76 : i1 to i32
        %sign3A_78 = arith.subi %sign3A_74, %sign3A_77 : i32
        %sign3A_79 = arith.constant 0 : i32
        %sign3A_80 = arith.cmpi sgt, %jit3A_72, %sign3A_79 : i32
        %sign3A_81 = arith.extui %sign3A_80 : i1 to i32
        %sign3A_82 = arith.constant 0 : i32
        %sign3A_83 = arith.cmpi slt, %jit3A_72, %sign3A_82 : i32
        %sign3A_84 = arith.extui %sign3A_83 : i1 to i32
        %sign3A_85 = arith.subi %sign3A_81, %sign3A_84 : i32
        %ne3A_86 = arith.cmpi ne, %sign3A_78, %sign3A_85 : i32
        %rem3A_87 = arith.remsi %scan3A_15, %jit3A_72 : i32
        %ne3A_88 = arith.constant 0 : i32
        %ne3A_89 = arith.cmpi ne, %rem3A_87, %ne3A_88 : i32
        %and3A_90 = arith.andi %ne3A_86, %ne3A_89 : i1
        %sub3A = arith.constant 1 : i32
        %sub3A_91 = arith.subi %div3A, %sub3A : i32
        %select_n3A_92 = arith.select %and3A_90, %sub3A_91, %div3A : i32
        %mul3A_93 = arith.constant 16 : i32
        %mul3A_94 = arith.muli %select_n3A_92, %mul3A_93 : i32
        %multiple_of3A = tpu.assume_multiple %mul3A_94, 16 : i32
        "tpu.region"() ({
          %run_scoped3A = tpu.sem_alloc : memref<!tpu.dma_semaphore, #tpu.memory_space<semaphore_mem>>
          %dma_start3A_95 = arith.constant 0 : i32
          %dma_start3A_96 = tpu.memref_slice %arg4[%add3A, %multiple_of3A, %dma_start3A_95] : memref<32x80x128xi32, #tpu.memory_space<hbm>> -> memref<1x16x128xi32, #tpu.memory_space<hbm>>
          %dma_start3A_97 = tpu.memref_squeeze %dma_start3A_96 : memref<1x16x128xi32, #tpu.memory_space<hbm>> -> memref<16x128xi32, #tpu.memory_space<hbm>>
          %dma_start3A_98 = arith.constant 0 : i32
          %dma_start3A_99 = tpu.memref_slice %arg4[%add3A, %multiple_of3A, %dma_start3A_98] : memref<32x80x128xi32, #tpu.memory_space<hbm>> -> memref<1x16x128xi32, #tpu.memory_space<hbm>>
          %dma_start3A_100 = tpu.memref_squeeze %dma_start3A_99 : memref<1x16x128xi32, #tpu.memory_space<hbm>> -> memref<16x128xi32, #tpu.memory_space<hbm>>
          tpu.enqueue_dma source(%dma_start3A_100 : memref<16x128xi32, #tpu.memory_space<hbm>>) target(%arg8 : memref<16x128xi32, #tpu.memory_space<vmem>>) target_semaphore(%run_scoped3A : memref<!tpu.dma_semaphore, #tpu.memory_space<semaphore_mem>>)
          %dma_wait3A = arith.constant 0 : i32
          %dma_wait3A_101 = tpu.memref_slice %arg4[%add3A, %multiple_of3A, %dma_wait3A] : memref<32x80x128xi32, #tpu.memory_space<hbm>> -> memref<1x16x128xi32, #tpu.memory_space<hbm>>
          %dma_wait3A_102 = tpu.memref_squeeze %dma_wait3A_101 : memref<1x16x128xi32, #tpu.memory_space<hbm>> -> memref<16x128xi32, #tpu.memory_space<hbm>>
          %dma_wait3A_103 = arith.constant 0 : i32
          %dma_wait3A_104 = tpu.memref_slice %arg4[%add3A, %multiple_of3A, %dma_wait3A_103] : memref<32x80x128xi32, #tpu.memory_space<hbm>> -> memref<1x16x128xi32, #tpu.memory_space<hbm>>
          %dma_wait3A_105 = tpu.memref_squeeze %dma_wait3A_104 : memref<1x16x128xi32, #tpu.memory_space<hbm>> -> memref<16x128xi32, #tpu.memory_space<hbm>>
          tpu.wait_dma2 semaphore(%run_scoped3A : memref<!tpu.dma_semaphore, #tpu.memory_space<semaphore_mem>>) src(%dma_wait3A_105 : memref<16x128xi32, #tpu.memory_space<hbm>>) dst(%arg8 : memref<16x128xi32, #tpu.memory_space<vmem>>)
          tpu.yield
        }) : () -> ()
      } else {
      }
      %jit3A_30 = arith.constant 2 : i32
      %eq3A_31 = arith.constant 0 : i32
      %eq3A_32 = arith.cmpi eq, %jit3A_30, %eq3A_31 : i32
      %jit3A_33 = arith.constant 1 : i32
      %select_n3A_34 = arith.select %eq3A_32, %jit3A_33, %jit3A_30 : i32
      %rem3A_35 = arith.remsi %scan3A_15, %select_n3A_34 : i32
      %ne3A_36 = arith.constant 0 : i32
      %ne3A_37 = arith.cmpi ne, %rem3A_35, %ne3A_36 : i32
      %lt3A_38 = arith.constant 0 : i32
      %lt3A_39 = arith.cmpi slt, %rem3A_35, %lt3A_38 : i32
      %lt3A_40 = arith.constant 0 : i32
      %lt3A_41 = arith.cmpi slt, %select_n3A_34, %lt3A_40 : i32
      %ne3A_42 = arith.xori %lt3A_39, %lt3A_41 : i1
      %and3A_43 = arith.andi %ne3A_42, %ne3A_37 : i1
      %add3A_44 = arith.addi %rem3A_35, %select_n3A_34 : i32
      %select_n3A_45 = arith.select %and3A_43, %add3A_44, %rem3A_35 : i32
      %eq3A_46 = arith.constant 0 : i32
      %eq3A_47 = arith.cmpi eq, %select_n3A_45, %eq3A_46 : i32
      %convert_element_type3A_48 = arith.extui %eq3A_47 : i1 to i32
      %cond3A_49 = arith.constant 0 : i32
      %cond3A_50 = arith.cmpi ne, %convert_element_type3A_48, %cond3A_49 : i32
      scf.if %cond3A_50 {
        %dma_wait3A = arith.constant 0 : i32
        %dma_wait3A_72 = tpu.memref_slice %arg7[%scan3A_15, %dma_wait3A] : memref<80x128xi32, #tpu.memory_space<vmem>> -> memref<1x128xi32, #tpu.memory_space<vmem>>
        %dma_wait3A_73 = tpu.memref_squeeze %dma_wait3A_72 : memref<1x128xi32, #tpu.memory_space<vmem>> -> memref<128xi32, #tpu.memory_space<vmem>>
        %dma_wait3A_74 = arith.constant 0 : i32
        %dma_wait3A_75 = arith.constant 0 : i32
        %dma_wait3A_76 = tpu.memref_slice %arg2[%dma_wait3A_74, %dma_wait3A_75] : memref<10240x128xf32, #tpu.memory_space<hbm>> -> memref<10240x128xf32, #tpu.memory_space<hbm>>
        tpu.wait_indirect_dma semaphore(%arg12 : memref<!tpu.dma_semaphore, #tpu.memory_space<semaphore_mem>>) src(%dma_wait3A_76 : memref<10240x128xf32, #tpu.memory_space<hbm>>) dst(%arg9 : memref<128x128xf32, #tpu.memory_space<vmem>>)
        %add3A_77 = arith.constant 1 : i32
        %add3A_78 = arith.addi %scan3A_15, %add3A_77 : i32
        %lt3A_79 = arith.constant 80 : i32
        %lt3A_80 = arith.cmpi slt, %add3A_78, %lt3A_79 : i32
        %convert_element_type3A_81 = arith.extui %lt3A_80 : i1 to i32
        %cond3A_82 = arith.constant 0 : i32
        %cond3A_83 = arith.cmpi ne, %convert_element_type3A_81, %cond3A_82 : i32
        scf.if %cond3A_83 {
          %add3A_100 = arith.constant 1 : i32
          %add3A_101 = arith.addi %scan3A_15, %add3A_100 : i32
          %dma_start3A_102 = arith.constant 0 : i32
          %dma_start3A_103 = tpu.memref_slice %arg7[%add3A_101, %dma_start3A_102] : memref<80x128xi32, #tpu.memory_space<vmem>> -> memref<1x128xi32, #tpu.memory_space<vmem>>
          %dma_start3A_104 = tpu.memref_squeeze %dma_start3A_103 : memref<1x128xi32, #tpu.memory_space<vmem>> -> memref<128xi32, #tpu.memory_space<vmem>>
          %dma_start3A_105 = arith.constant 0 : i32
          %dma_start3A_106 = arith.constant 0 : i32
          %dma_start3A_107 = tpu.memref_slice %arg2[%dma_start3A_105, %dma_start3A_106] : memref<10240x128xf32, #tpu.memory_space<hbm>> -> memref<10240x128xf32, #tpu.memory_space<hbm>>
          tpu.enqueue_indirect_dma source(%dma_start3A_107 : memref<10240x128xf32, #tpu.memory_space<hbm>>) target(%arg10 : memref<128x128xf32, #tpu.memory_space<vmem>>) offsets(%dma_start3A_104 : memref<128xi32, #tpu.memory_space<vmem>>) semaphore(%arg13 : memref<!tpu.dma_semaphore, #tpu.memory_space<semaphore_mem>>)
        } else {
        }
        %jit3A_84 = arith.constant 16 : i32
        %eq3A_85 = arith.constant 0 : i32
        %eq3A_86 = arith.cmpi eq, %jit3A_84, %eq3A_85 : i32
        %jit3A_87 = arith.constant 1 : i32
        %select_n3A_88 = arith.select %eq3A_86, %jit3A_87, %jit3A_84 : i32
        %rem3A_89 = arith.remsi %scan3A_15, %select_n3A_88 : i32
        %ne3A_90 = arith.constant 0 : i32
        %ne3A_91 = arith.cmpi ne, %rem3A_89, %ne3A_90 : i32
        %lt3A_92 = arith.constant 0 : i32
        %lt3A_93 = arith.cmpi slt, %rem3A_89, %lt3A_92 : i32
        %lt3A_94 = arith.constant 0 : i32
        %lt3A_95 = arith.cmpi slt, %select_n3A_88, %lt3A_94 : i32
        %ne3A_96 = arith.xori %lt3A_93, %lt3A_95 : i1
        %and3A_97 = arith.andi %ne3A_96, %ne3A_91 : i1
        %add3A_98 = arith.addi %rem3A_89, %select_n3A_88 : i32
        %select_n3A_99 = arith.select %and3A_97, %add3A_98, %rem3A_89 : i32
        "tpu.region"() ({
          %run_scoped3A = tpu.sem_alloc : memref<!tpu.dma_semaphore, #tpu.memory_space<semaphore_mem>>
          %dma_start3A_100 = arith.constant 0 : i32
          %dma_start3A_101 = tpu.memref_slice %arg8[%select_n3A_99, %dma_start3A_100] : memref<16x128xi32, #tpu.memory_space<vmem>> -> memref<1x128xi32, #tpu.memory_space<vmem>>
          %dma_start3A_102 = tpu.memref_squeeze %dma_start3A_101 : memref<1x128xi32, #tpu.memory_space<vmem>> -> memref<128xi32, #tpu.memory_space<vmem>>
          %dma_start3A_103 = arith.constant 0 : i32
          %dma_start3A_104 = arith.constant 0 : i32
          %dma_start3A_105 = tpu.memref_slice %arg11[%dma_start3A_103, %dma_start3A_104] : memref<10240x128xf32, #tpu.memory_space<vmem_shared>> -> memref<10240x128xf32, #tpu.memory_space<vmem_shared>>
          tpu.enqueue_indirect_dma source(%arg9 : memref<128x128xf32, #tpu.memory_space<vmem>>) target(%dma_start3A_105 : memref<10240x128xf32, #tpu.memory_space<vmem_shared>>) offsets(%dma_start3A_102 : memref<128xi32, #tpu.memory_space<vmem>>) semaphore(%run_scoped3A : memref<!tpu.dma_semaphore, #tpu.memory_space<semaphore_mem>>) {add = true}
          %dma_wait3A_106 = arith.constant 0 : i32
          %dma_wait3A_107 = tpu.memref_slice %arg8[%select_n3A_99, %dma_wait3A_106] : memref<16x128xi32, #tpu.memory_space<vmem>> -> memref<1x128xi32, #tpu.memory_space<vmem>>
          %dma_wait3A_108 = tpu.memref_squeeze %dma_wait3A_107 : memref<1x128xi32, #tpu.memory_space<vmem>> -> memref<128xi32, #tpu.memory_space<vmem>>
          %dma_wait3A_109 = arith.constant 0 : i32
          %dma_wait3A_110 = arith.constant 0 : i32
          %dma_wait3A_111 = tpu.memref_slice %arg11[%dma_wait3A_109, %dma_wait3A_110] : memref<10240x128xf32, #tpu.memory_space<vmem_shared>> -> memref<10240x128xf32, #tpu.memory_space<vmem_shared>>
          tpu.wait_indirect_dma semaphore(%run_scoped3A : memref<!tpu.dma_semaphore, #tpu.memory_space<semaphore_mem>>) src(%arg9 : memref<128x128xf32, #tpu.memory_space<vmem>>) dst(%dma_wait3A_111 : memref<10240x128xf32, #tpu.memory_space<vmem_shared>>)
          tpu.yield
        }) : () -> ()
      } else {
      }
      %jit3A_51 = arith.constant 2 : i32
      %eq3A_52 = arith.constant 0 : i32
      %eq3A_53 = arith.cmpi eq, %jit3A_51, %eq3A_52 : i32
      %jit3A_54 = arith.constant 1 : i32
      %select_n3A_55 = arith.select %eq3A_53, %jit3A_54, %jit3A_51 : i32
      %rem3A_56 = arith.remsi %scan3A_15, %select_n3A_55 : i32
      %ne3A_57 = arith.constant 0 : i32
      %ne3A_58 = arith.cmpi ne, %rem3A_56, %ne3A_57 : i32
      %lt3A_59 = arith.constant 0 : i32
      %lt3A_60 = arith.cmpi slt, %rem3A_56, %lt3A_59 : i32
      %lt3A_61 = arith.constant 0 : i32
      %lt3A_62 = arith.cmpi slt, %select_n3A_55, %lt3A_61 : i32
      %ne3A_63 = arith.xori %lt3A_60, %lt3A_62 : i1
      %and3A_64 = arith.andi %ne3A_63, %ne3A_58 : i1
      %add3A_65 = arith.addi %rem3A_56, %select_n3A_55 : i32
      %select_n3A_66 = arith.select %and3A_64, %add3A_65, %rem3A_56 : i32
      %eq3A_67 = arith.constant 1 : i32
      %eq3A_68 = arith.cmpi eq, %select_n3A_66, %eq3A_67 : i32
      %convert_element_type3A_69 = arith.extui %eq3A_68 : i1 to i32
      %cond3A_70 = arith.constant 0 : i32
      %cond3A_71 = arith.cmpi ne, %convert_element_type3A_69, %cond3A_70 : i32
      scf.if %cond3A_71 {
        %dma_wait3A = arith.constant 0 : i32
        %dma_wait3A_72 = tpu.memref_slice %arg7[%scan3A_15, %dma_wait3A] : memref<80x128xi32, #tpu.memory_space<vmem>> -> memref<1x128xi32, #tpu.memory_space<vmem>>
        %dma_wait3A_73 = tpu.memref_squeeze %dma_wait3A_72 : memref<1x128xi32, #tpu.memory_space<vmem>> -> memref<128xi32, #tpu.memory_space<vmem>>
        %dma_wait3A_74 = arith.constant 0 : i32
        %dma_wait3A_75 = arith.constant 0 : i32
        %dma_wait3A_76 = tpu.memref_slice %arg2[%dma_wait3A_74, %dma_wait3A_75] : memref<10240x128xf32, #tpu.memory_space<hbm>> -> memref<10240x128xf32, #tpu.memory_space<hbm>>
        tpu.wait_indirect_dma semaphore(%arg13 : memref<!tpu.dma_semaphore, #tpu.memory_space<semaphore_mem>>) src(%dma_wait3A_76 : memref<10240x128xf32, #tpu.memory_space<hbm>>) dst(%arg10 : memref<128x128xf32, #tpu.memory_space<vmem>>)
        %add3A_77 = arith.constant 1 : i32
        %add3A_78 = arith.addi %scan3A_15, %add3A_77 : i32
        %lt3A_79 = arith.constant 80 : i32
        %lt3A_80 = arith.cmpi slt, %add3A_78, %lt3A_79 : i32
        %convert_element_type3A_81 = arith.extui %lt3A_80 : i1 to i32
        %cond3A_82 = arith.constant 0 : i32
        %cond3A_83 = arith.cmpi ne, %convert_element_type3A_81, %cond3A_82 : i32
        scf.if %cond3A_83 {
          %add3A_100 = arith.constant 1 : i32
          %add3A_101 = arith.addi %scan3A_15, %add3A_100 : i32
          %dma_start3A_102 = arith.constant 0 : i32
          %dma_start3A_103 = tpu.memref_slice %arg7[%add3A_101, %dma_start3A_102] : memref<80x128xi32, #tpu.memory_space<vmem>> -> memref<1x128xi32, #tpu.memory_space<vmem>>
          %dma_start3A_104 = tpu.memref_squeeze %dma_start3A_103 : memref<1x128xi32, #tpu.memory_space<vmem>> -> memref<128xi32, #tpu.memory_space<vmem>>
          %dma_start3A_105 = arith.constant 0 : i32
          %dma_start3A_106 = arith.constant 0 : i32
          %dma_start3A_107 = tpu.memref_slice %arg2[%dma_start3A_105, %dma_start3A_106] : memref<10240x128xf32, #tpu.memory_space<hbm>> -> memref<10240x128xf32, #tpu.memory_space<hbm>>
          tpu.enqueue_indirect_dma source(%dma_start3A_107 : memref<10240x128xf32, #tpu.memory_space<hbm>>) target(%arg9 : memref<128x128xf32, #tpu.memory_space<vmem>>) offsets(%dma_start3A_104 : memref<128xi32, #tpu.memory_space<vmem>>) semaphore(%arg12 : memref<!tpu.dma_semaphore, #tpu.memory_space<semaphore_mem>>)
        } else {
        }
        %jit3A_84 = arith.constant 16 : i32
        %eq3A_85 = arith.constant 0 : i32
        %eq3A_86 = arith.cmpi eq, %jit3A_84, %eq3A_85 : i32
        %jit3A_87 = arith.constant 1 : i32
        %select_n3A_88 = arith.select %eq3A_86, %jit3A_87, %jit3A_84 : i32
        %rem3A_89 = arith.remsi %scan3A_15, %select_n3A_88 : i32
        %ne3A_90 = arith.constant 0 : i32
        %ne3A_91 = arith.cmpi ne, %rem3A_89, %ne3A_90 : i32
        %lt3A_92 = arith.constant 0 : i32
        %lt3A_93 = arith.cmpi slt, %rem3A_89, %lt3A_92 : i32
        %lt3A_94 = arith.constant 0 : i32
        %lt3A_95 = arith.cmpi slt, %select_n3A_88, %lt3A_94 : i32
        %ne3A_96 = arith.xori %lt3A_93, %lt3A_95 : i1
        %and3A_97 = arith.andi %ne3A_96, %ne3A_91 : i1
        %add3A_98 = arith.addi %rem3A_89, %select_n3A_88 : i32
        %select_n3A_99 = arith.select %and3A_97, %add3A_98, %rem3A_89 : i32
        "tpu.region"() ({
          %run_scoped3A = tpu.sem_alloc : memref<!tpu.dma_semaphore, #tpu.memory_space<semaphore_mem>>
          %dma_start3A_100 = arith.constant 0 : i32
          %dma_start3A_101 = tpu.memref_slice %arg8[%select_n3A_99, %dma_start3A_100] : memref<16x128xi32, #tpu.memory_space<vmem>> -> memref<1x128xi32, #tpu.memory_space<vmem>>
          %dma_start3A_102 = tpu.memref_squeeze %dma_start3A_101 : memref<1x128xi32, #tpu.memory_space<vmem>> -> memref<128xi32, #tpu.memory_space<vmem>>
          %dma_start3A_103 = arith.constant 0 : i32
          %dma_start3A_104 = arith.constant 0 : i32
          %dma_start3A_105 = tpu.memref_slice %arg11[%dma_start3A_103, %dma_start3A_104] : memref<10240x128xf32, #tpu.memory_space<vmem_shared>> -> memref<10240x128xf32, #tpu.memory_space<vmem_shared>>
          tpu.enqueue_indirect_dma source(%arg10 : memref<128x128xf32, #tpu.memory_space<vmem>>) target(%dma_start3A_105 : memref<10240x128xf32, #tpu.memory_space<vmem_shared>>) offsets(%dma_start3A_102 : memref<128xi32, #tpu.memory_space<vmem>>) semaphore(%run_scoped3A : memref<!tpu.dma_semaphore, #tpu.memory_space<semaphore_mem>>) {add = true}
          %dma_wait3A_106 = arith.constant 0 : i32
          %dma_wait3A_107 = tpu.memref_slice %arg8[%select_n3A_99, %dma_wait3A_106] : memref<16x128xi32, #tpu.memory_space<vmem>> -> memref<1x128xi32, #tpu.memory_space<vmem>>
          %dma_wait3A_108 = tpu.memref_squeeze %dma_wait3A_107 : memref<1x128xi32, #tpu.memory_space<vmem>> -> memref<128xi32, #tpu.memory_space<vmem>>
          %dma_wait3A_109 = arith.constant 0 : i32
          %dma_wait3A_110 = arith.constant 0 : i32
          %dma_wait3A_111 = tpu.memref_slice %arg11[%dma_wait3A_109, %dma_wait3A_110] : memref<10240x128xf32, #tpu.memory_space<vmem_shared>> -> memref<10240x128xf32, #tpu.memory_space<vmem_shared>>
          tpu.wait_indirect_dma semaphore(%run_scoped3A : memref<!tpu.dma_semaphore, #tpu.memory_space<semaphore_mem>>) src(%arg10 : memref<128x128xf32, #tpu.memory_space<vmem>>) dst(%dma_wait3A_111 : memref<10240x128xf32, #tpu.memory_space<vmem_shared>>)
          tpu.yield
        }) : () -> ()
      } else {
      }
    }
    %scan3A_13 = arith.constant 80 : i32
    %barrier3A_14 = arith.constant 0 : index
    tpu.barrier barrier_id(%barrier3A_14)
    "tpu.region"() ({
      %run_scoped3A = tpu.sem_alloc : memref<!tpu.dma_semaphore, #tpu.memory_space<semaphore_mem>>
      %dma_start3A_15 = arith.constant 0 : i32
      %dma_start3A_16 = tpu.memref_slice %arg6[%arg0, %mul3A_2, %dma_start3A_15] : memref<2x10240x128xf32, #tpu.memory_space<hbm>> -> memref<1x640x128xf32, #tpu.memory_space<hbm>>
      %dma_start3A_17 = tpu.memref_squeeze %dma_start3A_16 : memref<1x640x128xf32, #tpu.memory_space<hbm>> -> memref<640x128xf32, #tpu.memory_space<hbm>>
      %dma_start3A_18 = arith.constant 0 : i32
      %dma_start3A_19 = tpu.memref_slice %arg11[%mul3A_2, %dma_start3A_18] : memref<10240x128xf32, #tpu.memory_space<vmem_shared>> -> memref<640x128xf32, #tpu.memory_space<vmem_shared>>
      tpu.enqueue_dma source(%dma_start3A_19 : memref<640x128xf32, #tpu.memory_space<vmem_shared>>) target(%dma_start3A_17 : memref<640x128xf32, #tpu.memory_space<hbm>>) target_semaphore(%run_scoped3A : memref<!tpu.dma_semaphore, #tpu.memory_space<semaphore_mem>>)
      %dma_wait3A = arith.constant 0 : i32
      %dma_wait3A_20 = tpu.memref_slice %arg6[%arg0, %mul3A_2, %dma_wait3A] : memref<2x10240x128xf32, #tpu.memory_space<hbm>> -> memref<1x640x128xf32, #tpu.memory_space<hbm>>
      %dma_wait3A_21 = tpu.memref_squeeze %dma_wait3A_20 : memref<1x640x128xf32, #tpu.memory_space<hbm>> -> memref<640x128xf32, #tpu.memory_space<hbm>>
      %dma_wait3A_22 = arith.constant 0 : i32
      %dma_wait3A_23 = tpu.memref_slice %arg11[%mul3A_2, %dma_wait3A_22] : memref<10240x128xf32, #tpu.memory_space<vmem_shared>> -> memref<640x128xf32, #tpu.memory_space<vmem_shared>>
      tpu.wait_dma2 semaphore(%run_scoped3A : memref<!tpu.dma_semaphore, #tpu.memory_space<semaphore_mem>>) src(%dma_wait3A_23 : memref<640x128xf32, #tpu.memory_space<vmem_shared>>) dst(%dma_wait3A_21 : memref<640x128xf32, #tpu.memory_space<hbm>>)
      tpu.yield
    }) : () -> ()
    return
  }
}

module attributes {stable_mosaic.version = 14 : i64} {
  func.func @_prep_body(%arg0: i32, %arg1: memref<2x2048x128xf32, #tpu.memory_space<vmem>>, %arg2: memref<2048x128xf32, #tpu.memory_space<vmem>>, %arg3: memref<2048x128xf32, #tpu.memory_space<vmem>>, %arg4: memref<2048x128xf32, #tpu.memory_space<vmem>>) attributes {dimension_semantics = [#tpu.dimension_semantics<arbitrary>], iteration_bounds = array<i64: 5>, scalar_prefetch = 0 : i64, scratch_operands = 0 : i64, tpu.core_type = #tpu.core_type<tc>, window_params = [{transform_indices = @transform_0, window_bounds = array<i64: 2, 2048, 128>}, {transform_indices = @transform_1, window_bounds = array<i64: 2048, 128>}, {transform_indices = @transform_2, window_bounds = array<i64: 2048, 128>}, {transform_indices = @transform_3, window_bounds = array<i64: 2048, 128>}]} {
    %get3A = arith.constant 0 : index
    %get3A_0 = arith.constant 0 : index
    %get3A_1 = arith.constant 0 : index
    %get3A_2 = vector.load %arg1[%get3A, %get3A_0, %get3A_1] : memref<2x2048x128xf32, #tpu.memory_space<vmem>>, vector<1x2048x1xf32>
    %get3A_3 = vector.shape_cast %get3A_2 : vector<1x2048x1xf32> to vector<2048x1xf32>
    %get3A_4 = arith.constant 1 : index
    %get3A_5 = arith.constant 0 : index
    %get3A_6 = arith.constant 0 : index
    %get3A_7 = vector.load %arg1[%get3A_4, %get3A_5, %get3A_6] : memref<2x2048x128xf32, #tpu.memory_space<vmem>>, vector<1x2048x1xf32>
    %get3A_8 = vector.shape_cast %get3A_7 : vector<1x2048x1xf32> to vector<2048x1xf32>
    %add3A = arith.addf %get3A_3, %get3A_8 : vector<2048x1xf32>
    %max3A = arith.constant 1.000000e+00 : f32
    %max3A_9 = vector.broadcast %max3A : f32 to vector<2048x1xf32>
    %max3A_10 = arith.maximumf %add3A, %max3A_9 : vector<2048x1xf32>
    %rsqrt3A = math.rsqrt %max3A_10 : vector<2048x1xf32>
    %broadcast_in_dim3A = vector.shape_cast %rsqrt3A : vector<2048x1xf32> to vector<2048x1xf32>
    %broadcast_in_dim3A_11 = vector.broadcast %broadcast_in_dim3A : vector<2048x1xf32> to vector<2048x128xf32>
    %swap3A = arith.constant 0 : index
    %swap3A_12 = arith.constant 0 : index
    %swap3A_13 = vector.load %arg3[%swap3A, %swap3A_12] : memref<2048x128xf32, #tpu.memory_space<vmem>>, vector<2048x128xf32>
    tpu.vector_store %arg3[%swap3A, %swap3A_12], %broadcast_in_dim3A_11 {strides = array<i32>} : memref<2048x128xf32, #tpu.memory_space<vmem>>, vector<2048x128xf32>,
    %get3A_14 = arith.constant 0 : index
    %get3A_15 = arith.constant 0 : index
    %get3A_16 = vector.load %arg2[%get3A_14, %get3A_15] : memref<2048x128xf32, #tpu.memory_space<vmem>>, vector<2048x128xf32>
    %mul3A = arith.mulf %get3A_16, %broadcast_in_dim3A_11 : vector<2048x128xf32>
    %swap3A_17 = arith.constant 0 : index
    %swap3A_18 = arith.constant 0 : index
    %swap3A_19 = vector.load %arg4[%swap3A_17, %swap3A_18] : memref<2048x128xf32, #tpu.memory_space<vmem>>, vector<2048x128xf32>
    tpu.vector_store %arg4[%swap3A_17, %swap3A_18], %mul3A {strides = array<i32>} : memref<2048x128xf32, #tpu.memory_space<vmem>>, vector<2048x128xf32>,
    return
  }
  func.func @transform_0(%arg0: i32) -> (i32, i32, i32) {
    %c0_i32 = arith.constant 0 : i32
    %c0_i32_0 = arith.constant 0 : i32
    %c0_i32_1 = arith.constant 0 : i32
    return %c0_i32, %arg0, %c0_i32_0 : i32, i32, i32
  }
  func.func @transform_1(%arg0: i32) -> (i32, i32) {
    %c0_i32 = arith.constant 0 : i32
    %c0_i32_0 = arith.constant 0 : i32
    return %arg0, %c0_i32 : i32, i32
  }
  func.func @transform_2(%arg0: i32) -> (i32, i32) {
    %c0_i32 = arith.constant 0 : i32
    %c0_i32_0 = arith.constant 0 : i32
    return %arg0, %c0_i32 : i32, i32
  }
  func.func @transform_3(%arg0: i32) -> (i32, i32) {
    %c0_i32 = arith.constant 0 : i32
    %c0_i32_0 = arith.constant 0 : i32
    return %arg0, %c0_i32 : i32, i32
  }
}

module attributes {stable_mosaic.version = 14 : i64} {
  func.func @_mid_body(%arg0: i32, %arg1: memref<2x2048x128xf32, #tpu.memory_space<vmem>>, %arg2: memref<2048x128xf32, #tpu.memory_space<vmem>>, %arg3: memref<2048x128xf32, #tpu.memory_space<vmem>>) attributes {dimension_semantics = [#tpu.dimension_semantics<arbitrary>], iteration_bounds = array<i64: 5>, scalar_prefetch = 0 : i64, scratch_operands = 0 : i64, tpu.core_type = #tpu.core_type<tc>, window_params = [{transform_indices = @transform_0, window_bounds = array<i64: 2, 2048, 128>}, {transform_indices = @transform_1, window_bounds = array<i64: 2048, 128>}, {transform_indices = @transform_2, window_bounds = array<i64: 2048, 128>}]} {
    %get3A = arith.constant 0 : index
    %get3A_0 = arith.constant 0 : index
    %get3A_1 = vector.load %arg2[%get3A, %get3A_0] : memref<2048x128xf32, #tpu.memory_space<vmem>>, vector<2048x128xf32>
    %get3A_2 = arith.constant 0 : index
    %get3A_3 = arith.constant 0 : index
    %get3A_4 = arith.constant 0 : index
    %get3A_5 = vector.load %arg1[%get3A_2, %get3A_3, %get3A_4] : memref<2x2048x128xf32, #tpu.memory_space<vmem>>, vector<1x2048x128xf32>
    %get3A_6 = vector.shape_cast %get3A_5 : vector<1x2048x128xf32> to vector<2048x128xf32>
    %get3A_7 = arith.constant 1 : index
    %get3A_8 = arith.constant 0 : index
    %get3A_9 = arith.constant 0 : index
    %get3A_10 = vector.load %arg1[%get3A_7, %get3A_8, %get3A_9] : memref<2x2048x128xf32, #tpu.memory_space<vmem>>, vector<1x2048x128xf32>
    %get3A_11 = vector.shape_cast %get3A_10 : vector<1x2048x128xf32> to vector<2048x128xf32>
    %add3A = arith.addf %get3A_6, %get3A_11 : vector<2048x128xf32>
    %mul3A = arith.mulf %add3A, %get3A_1 : vector<2048x128xf32>
    %mul3A_12 = arith.mulf %mul3A, %get3A_1 : vector<2048x128xf32>
    %swap3A = arith.constant 0 : index
    %swap3A_13 = arith.constant 0 : index
    %swap3A_14 = vector.load %arg3[%swap3A, %swap3A_13] : memref<2048x128xf32, #tpu.memory_space<vmem>>, vector<2048x128xf32>
    tpu.vector_store %arg3[%swap3A, %swap3A_13], %mul3A_12 {strides = array<i32>} : memref<2048x128xf32, #tpu.memory_space<vmem>>, vector<2048x128xf32>,
    return
  }
  func.func @transform_0(%arg0: i32) -> (i32, i32, i32) {
    %c0_i32 = arith.constant 0 : i32
    %c0_i32_0 = arith.constant 0 : i32
    %c0_i32_1 = arith.constant 0 : i32
    return %c0_i32, %arg0, %c0_i32_0 : i32, i32, i32
  }
  func.func @transform_1(%arg0: i32) -> (i32, i32) {
    %c0_i32 = arith.constant 0 : i32
    %c0_i32_0 = arith.constant 0 : i32
    return %arg0, %c0_i32 : i32, i32
  }
  func.func @transform_2(%arg0: i32) -> (i32, i32) {
    %c0_i32 = arith.constant 0 : i32
    %c0_i32_0 = arith.constant 0 : i32
    return %arg0, %c0_i32 : i32, i32
  }
}

module attributes {stable_mosaic.version = 14 : i64} {
  func.func @_mm0_body(%arg0: i32, %arg1: memref<2x2048x128xf32, #tpu.memory_space<vmem>>, %arg2: memref<2048x128xf32, #tpu.memory_space<vmem>>, %arg3: memref<128x128xf32, #tpu.memory_space<vmem>>, %arg4: memref<2048x128xf32, #tpu.memory_space<vmem>>) attributes {dimension_semantics = [#tpu.dimension_semantics<arbitrary>], iteration_bounds = array<i64: 5>, scalar_prefetch = 0 : i64, scratch_operands = 0 : i64, tpu.core_type = #tpu.core_type<tc>, window_params = [{transform_indices = @transform_0, window_bounds = array<i64: 2, 2048, 128>}, {transform_indices = @transform_1, window_bounds = array<i64: 2048, 128>}, {pipeline_mode = #tpu.pipeline_mode<synchronous>, transform_indices = @transform_2, window_bounds = array<i64: 128, 128>}, {transform_indices = @transform_3, window_bounds = array<i64: 2048, 128>}]} {
    %get3A = arith.constant 0 : index
    %get3A_0 = arith.constant 0 : index
    %get3A_1 = vector.load %arg2[%get3A, %get3A_0] : memref<2048x128xf32, #tpu.memory_space<vmem>>, vector<2048x128xf32>
    %get3A_2 = arith.constant 0 : index
    %get3A_3 = arith.constant 0 : index
    %get3A_4 = arith.constant 0 : index
    %get3A_5 = vector.load %arg1[%get3A_2, %get3A_3, %get3A_4] : memref<2x2048x128xf32, #tpu.memory_space<vmem>>, vector<1x2048x128xf32>
    %get3A_6 = vector.shape_cast %get3A_5 : vector<1x2048x128xf32> to vector<2048x128xf32>
    %get3A_7 = arith.constant 1 : index
    %get3A_8 = arith.constant 0 : index
    %get3A_9 = arith.constant 0 : index
    %get3A_10 = vector.load %arg1[%get3A_7, %get3A_8, %get3A_9] : memref<2x2048x128xf32, #tpu.memory_space<vmem>>, vector<1x2048x128xf32>
    %get3A_11 = vector.shape_cast %get3A_10 : vector<1x2048x128xf32> to vector<2048x128xf32>
    %add3A = arith.addf %get3A_6, %get3A_11 : vector<2048x128xf32>
    %mul3A = arith.mulf %add3A, %get3A_1 : vector<2048x128xf32>
    %get3A_12 = arith.constant 0 : index
    %get3A_13 = arith.constant 0 : index
    %get3A_14 = vector.load %arg3[%get3A_12, %get3A_13] : memref<128x128xf32, #tpu.memory_space<vmem>>, vector<128x128xf32>
    %dot_general3A = arith.constant dense<0.000000e+00> : vector<2048x128xf32>
    %dot_general3A_15 = tpu.matmul %mul3A, %get3A_14, %dot_general3A {dimension_numbers = #tpu.dot_dimension_numbers<[1], [0], [0], [1], [0, 0, 1, 1], [], []>, transpose_lhs_hint = false} : vector<2048x128xf32>, vector<128x128xf32>, vector<2048x128xf32> -> vector<2048x128xf32>
    %max3A = arith.constant 0.000000e+00 : f32
    %max3A_16 = vector.broadcast %max3A : f32 to vector<2048x128xf32>
    %max3A_17 = arith.maximumf %dot_general3A_15, %max3A_16 : vector<2048x128xf32>
    %mul3A_18 = arith.mulf %max3A_17, %get3A_1 : vector<2048x128xf32>
    %swap3A = arith.constant 0 : index
    %swap3A_19 = arith.constant 0 : index
    %swap3A_20 = vector.load %arg4[%swap3A, %swap3A_19] : memref<2048x128xf32, #tpu.memory_space<vmem>>, vector<2048x128xf32>
    tpu.vector_store %arg4[%swap3A, %swap3A_19], %mul3A_18 {strides = array<i32>} : memref<2048x128xf32, #tpu.memory_space<vmem>>, vector<2048x128xf32>,
    return
  }
  func.func @transform_0(%arg0: i32) -> (i32, i32, i32) {
    %c0_i32 = arith.constant 0 : i32
    %c0_i32_0 = arith.constant 0 : i32
    %c0_i32_1 = arith.constant 0 : i32
    return %c0_i32, %arg0, %c0_i32_0 : i32, i32, i32
  }
  func.func @transform_1(%arg0: i32) -> (i32, i32) {
    %c0_i32 = arith.constant 0 : i32
    %c0_i32_0 = arith.constant 0 : i32
    return %arg0, %c0_i32 : i32, i32
  }
  func.func @transform_2(%arg0: i32) -> (i32, i32) {
    %c0_i32 = arith.constant 0 : i32
    %c0_i32_0 = arith.constant 0 : i32
    %c0_i32_1 = arith.constant 0 : i32
    return %c0_i32, %c0_i32_0 : i32, i32
  }
  func.func @transform_3(%arg0: i32) -> (i32, i32) {
    %c0_i32 = arith.constant 0 : i32
    %c0_i32_0 = arith.constant 0 : i32
    return %arg0, %c0_i32 : i32, i32
  }
}

module attributes {stable_mosaic.version = 14 : i64} {
  func.func @_mm1_body(%arg0: i32, %arg1: memref<2x2048x128xf32, #tpu.memory_space<vmem>>, %arg2: memref<2048x128xf32, #tpu.memory_space<vmem>>, %arg3: memref<128x64xf32, #tpu.memory_space<vmem>>, %arg4: memref<2048x64xf32, #tpu.memory_space<vmem>>) attributes {dimension_semantics = [#tpu.dimension_semantics<arbitrary>], iteration_bounds = array<i64: 5>, scalar_prefetch = 0 : i64, scratch_operands = 0 : i64, tpu.core_type = #tpu.core_type<tc>, window_params = [{transform_indices = @transform_0, window_bounds = array<i64: 2, 2048, 128>}, {transform_indices = @transform_1, window_bounds = array<i64: 2048, 128>}, {pipeline_mode = #tpu.pipeline_mode<synchronous>, transform_indices = @transform_2, window_bounds = array<i64: 128, 64>}, {transform_indices = @transform_3, window_bounds = array<i64: 2048, 64>}]} {
    %get3A = arith.constant 0 : index
    %get3A_0 = arith.constant 0 : index
    %get3A_1 = arith.constant 0 : index
    %get3A_2 = vector.load %arg1[%get3A, %get3A_0, %get3A_1] : memref<2x2048x128xf32, #tpu.memory_space<vmem>>, vector<1x2048x128xf32>
    %get3A_3 = vector.shape_cast %get3A_2 : vector<1x2048x128xf32> to vector<2048x128xf32>
    %get3A_4 = arith.constant 1 : index
    %get3A_5 = arith.constant 0 : index
    %get3A_6 = arith.constant 0 : index
    %get3A_7 = vector.load %arg1[%get3A_4, %get3A_5, %get3A_6] : memref<2x2048x128xf32, #tpu.memory_space<vmem>>, vector<1x2048x128xf32>
    %get3A_8 = vector.shape_cast %get3A_7 : vector<1x2048x128xf32> to vector<2048x128xf32>
    %add3A = arith.addf %get3A_3, %get3A_8 : vector<2048x128xf32>
    %get3A_9 = arith.constant 0 : index
    %get3A_10 = arith.constant 0 : index
    %get3A_11 = vector.load %arg2[%get3A_9, %get3A_10] : memref<2048x128xf32, #tpu.memory_space<vmem>>, vector<2048x128xf32>
    %mul3A = arith.mulf %add3A, %get3A_11 : vector<2048x128xf32>
    %get3A_12 = arith.constant 0 : index
    %get3A_13 = arith.constant 0 : index
    %get3A_14 = vector.load %arg3[%get3A_12, %get3A_13] : memref<128x64xf32, #tpu.memory_space<vmem>>, vector<128x64xf32>
    %dot_general3A = arith.constant dense<0.000000e+00> : vector<2048x64xf32>
    %dot_general3A_15 = tpu.matmul %mul3A, %get3A_14, %dot_general3A {dimension_numbers = #tpu.dot_dimension_numbers<[1], [0], [0], [1], [0, 0, 1, 1], [], []>, transpose_lhs_hint = false} : vector<2048x128xf32>, vector<128x64xf32>, vector<2048x64xf32> -> vector<2048x64xf32>
    %swap3A = arith.constant 0 : index
    %swap3A_16 = arith.constant 0 : index
    %swap3A_17 = vector.load %arg4[%swap3A, %swap3A_16] : memref<2048x64xf32, #tpu.memory_space<vmem>>, vector<2048x64xf32>
    tpu.vector_store %arg4[%swap3A, %swap3A_16], %dot_general3A_15 {strides = array<i32>} : memref<2048x64xf32, #tpu.memory_space<vmem>>, vector<2048x64xf32>,
    return
  }
  func.func @transform_0(%arg0: i32) -> (i32, i32, i32) {
    %c0_i32 = arith.constant 0 : i32
    %c0_i32_0 = arith.constant 0 : i32
    %c0_i32_1 = arith.constant 0 : i32
    return %c0_i32, %arg0, %c0_i32_0 : i32, i32, i32
  }
  func.func @transform_1(%arg0: i32) -> (i32, i32) {
    %c0_i32 = arith.constant 0 : i32
    %c0_i32_0 = arith.constant 0 : i32
    return %arg0, %c0_i32 : i32, i32
  }
  func.func @transform_2(%arg0: i32) -> (i32, i32) {
    %c0_i32 = arith.constant 0 : i32
    %c0_i32_0 = arith.constant 0 : i32
    %c0_i32_1 = arith.constant 0 : i32
    return %c0_i32, %c0_i32_0 : i32, i32
  }
  func.func @transform_3(%arg0: i32) -> (i32, i32) {
    %c0_i32 = arith.constant 0 : i32
    %c0_i32_0 = arith.constant 0 : i32
    return %arg0, %c0_i32 : i32, i32
  }
}

</mosaic_0001>

<sc_bundles>
// kernel: kernel.12.cloned.1.call-start
scs
__scs_entry_jumppad:
0x0: {  	(pc) =	sbr.rel $0x88, $3  }
0x1: {  	(tag) =	ssettag $0x0;
	lr =	simm.s32 $0x1  }
0x2: {  	[smem:$0x3F9D] =	sst lr;
	_ =	strace $0xD0000000  }
0x3: {  	_ = 	snop  }
0x4: {  	_ = 	snop  }
0x5: {  	_ = 	snop  }
0x6: {  	_ = 	snop  }
0x7: {  	_ = 	snop  }
__scs_overlays_trampoline_lowered:
0x8: {  	[smem:$0x3FAC] =	sst s0  }
0x9: {  	[smem:$0x3FAD] =	sst s1  }
0xa: {  	[smem:$0x3FAE] =	sst s2  }
0xb: {  	[smem:$0x3FAF] =	sst s3  }
0xc: {  	[smem:$0x3FB0] =	sst s4  }
0xd: {  	[smem:$0x3FB1] =	sst s5  }
0xe: {  	[smem:$0x3FB2] =	sst s6  }
0xf: {  	[smem:$0x3FB3] =	sst s7  }
0x10: {  	[smem:$0x3FB4] =	sst s8  }
0x11: {  	[smem:$0x3FB5] =	sst s9;
	s0 =	simm.s32 @!p0 $0x0  }
0x12: {  	s1 =	sld [smem:$0x3F9B];
	s0 =	simm.s32 @p0 $0x1  }
0x13: {  	[smem:$0x3FB6] =	sst s0;
	s0 =	simm.s32 @!p1 $0x0  }
0x14: {  	s2 =	sld [smem:$0x3F9A];
	s0 =	simm.s32 @p1 $0x1  }
0x15: {  	[smem:$0x3FB7] =	sst s0;
	s0 =	simm.s32 @!p2 $0x0  }
0x16: {  	s3 =	sld [smem:$0x3FDB];
	s0 =	simm.s32 @p2 $0x1  }
0x17: {  	s4 =	simm.s32 $0x1BF5;
	[smem:$0x3FB9] =	sst s0  }
0x18: {  	s0 =	sld [smem:$0x3F9C];
	_ =	swait.ge [sflag:s4], $0x0  }
0x19: {  	s7 =	sld [smem:$0x3F9D]  }
0x1a: {  	s8 =	sadd.s32 $0xFFFFE003, lr  }
0x1b: {  	s9 =	sadd.s32 $0xFFFFFEF7, lr;
	s5 =	simm.s32 $0xFFFFFFFF;
	p2 =	slt.u32 s8, $0xFFFFF086  }
0x1c: {  	p1 =	slt.u32 s9, $0xF7A;
	s5 =	simm.s32 @!p2 $0x0  }
0x1d: {  	s5 =	simm.s32 @p1 $0x1;
	p0 =	seq.s32 s7, s2  }
0x1e: {  	s7 =	smul.u32 @!p0 $0xF7A, s2;
	p2 =	seq.s32 @!p0 s5, $0x0  }
0x1f: {  	s9 =	smul.u32 $0xF7A, s1;
	s8 =	simm.s32 @!p0 $0x1BF5;
	p2 =	por !p2, p0  }
0x20: {  	[sflag:s8] =	ssyncset.s32 @!p0 $0xFFFFF086;
	s6 =	sadd.s32 @!p0 s3, s7;
	s7 =	simm.s32 @!p0 $0x108  }
0x21: {  	s3 =	sadd.s32 s3, s9;
	s6 =	sadd.s32 @!p0 $0x88, s6;
	s7 =	simm.s32 @p2 $0x1082  }
0x22: {  	[simem:s7], [sflag:s8] =	dma.local @!p0 [hbm:s6], $0xF7A  }
0x23: {  	s9 =	sor.u32 $0xD0000000, s2;
	s6 =	simm.s32 $0x108;
	_ =	swait.ge @!p0 [sflag:s8], $0x0  }
0x24: {  	s3 =	sadd.s32 $0x88, s3;
	s6 =	simm.s32 @!p1 $0x1082;
	[sflag:s4] =	ssyncset.s32 $0xFFFFF086  }
0x25: {  	[simem:s6], [sflag:s4] =	dma.local [hbm:s3], $0xF7A  }
0x26: {  	[smem:$0x3F9D] =	sst s1;
	(tag) =	ssettag s2;
	_ =	strace s9  }
0x27: {  	s1 =	sld [smem:$0x3FAD]  }
0x28: {  	s2 =	sld [smem:$0x3FAE]  }
0x29: {  	s4 =	sld [smem:$0x3FB0]  }
0x2a: {  	p0 =	seq.s32 s5, $0x0;
	s5 =	sld [smem:$0x3FB1]  }
0x2b: {  	s6 =	sld [smem:$0x3FB2]  }
0x2c: {  	s7 =	sld [smem:$0x3FB3]  }
0x2d: {  	s3 =	simm.s32 $0x108;
	s8 =	sld [smem:$0x3FB4]  }
0x2e: {  	s3 =	simm.s32 @!p0 $0x1082;
	s9 =	sld [smem:$0x3FB5]  }
0x2f: {  	lr =	sadd.s32 s0, s3;
	s0 =	sld [smem:$0x3FAC]  }
0x30: {  	s3 =	sld [smem:$0x3FAF]  }
0x31: {  	[smem:$0x3FB8] =	sst s10  }
0x32: {  	s10 =	sld [smem:$0x3FB6];
	_ =	sdelay $0x3  }
0x33: {  	p0 =	seq.s32 s10, $0x1;
	s10 =	sld [smem:$0x3FB8];
	_ =	sdelay $0x3  }
0x34: {  	[smem:$0x3FB8] =	sst s10  }
0x35: {  	s10 =	sld [smem:$0x3FB7];
	_ =	sdelay $0x3  }
0x36: {  	p1 =	seq.s32 s10, $0x1;
	s10 =	sld [smem:$0x3FB8];
	_ =	sdelay $0x3  }
0x37: {  	[smem:$0x3FB8] =	sst s10  }
0x38: {  	s10 =	sld [smem:$0x3FB9]  }
0x39: {  	_ = 	snop;
	(pc) =	sbr.ind lr, $3  }
0x3a: {  	_ = 	snop  }
0x3b: {  	_ = 	snop  }
0x3c: {  	p2 =	seq.s32 s10, $0x1;
	s10 =	sld [smem:$0x3FB8]  }
0x3d: {  	_ =	shalt  }
0x3e: {  	_ =	shalt  }
0x3f: {  	_ =	shalt  }
0x40: {  	_ =	shalt  }
0x41: {  	_ =	shalt  }
0x42: {  	_ =	shalt  }
0x43: {  	_ =	shalt  }
0x44: {  	_ =	shalt  }
0x45: {  	_ =	shalt  }
0x46: {  	_ =	shalt  }
0x47: {  	_ =	shalt  }
0x48: {  	_ =	shalt  }
0x49: {  	_ =	shalt  }
0x4a: {  	_ =	shalt  }
0x4b: {  	_ =	shalt  }
0x4c: {  	_ =	shalt  }
0x4d: {  	_ =	shalt  }
0x4e: {  	_ =	shalt  }
0x4f: {  	_ =	shalt  }
0x50: {  	_ =	shalt  }
0x51: {  	_ =	shalt  }
0x52: {  	_ =	shalt  }
0x53: {  	_ =	shalt  }
0x54: {  	_ =	shalt  }
0x55: {  	_ =	shalt  }
0x56: {  	_ =	shalt  }
0x57: {  	_ =	shalt  }
0x58: {  	_ =	shalt  }
0x59: {  	_ =	shalt  }
0x5a: {  	_ =	shalt  }
0x5b: {  	_ =	shalt  }
0x5c: {  	_ =	shalt  }
0x5d: {  	_ =	shalt  }
0x5e: {  	_ =	shalt  }
0x5f: {  	_ =	shalt  }
0x60: {  	_ =	shalt  }
0x61: {  	_ =	shalt  }
0x62: {  	_ =	shalt  }
0x63: {  	_ =	shalt  }
0x64: {  	_ =	shalt  }
0x65: {  	_ =	shalt  }
0x66: {  	_ =	shalt  }
0x67: {  	_ =	shalt  }
0x68: {  	_ =	shalt  }
0x69: {  	_ =	shalt  }
0x6a: {  	_ =	shalt  }
0x6b: {  	_ =	shalt  }
0x6c: {  	_ =	shalt  }
0x6d: {  	_ =	shalt  }
0x6e: {  	_ =	shalt  }
0x6f: {  	_ =	shalt  }
0x70: {  	_ =	shalt  }
0x71: {  	_ =	shalt  }
0x72: {  	_ =	shalt  }
0x73: {  	_ =	shalt  }
0x74: {  	_ =	shalt  }
0x75: {  	_ =	shalt  }
0x76: {  	_ =	shalt  }
0x77: {  	_ =	shalt  }
0x78: {  	_ =	shalt  }
0x79: {  	_ =	shalt  }
0x7a: {  	_ =	shalt  }
0x7b: {  	_ =	shalt  }
0x7c: {  	_ =	shalt  }
0x7d: {  	_ =	shalt  }
0x7e: {  	_ =	shalt  }
0x7f: {  	_ =	shalt  }
0x80: {  	_ =	shalt  }
0x81: {  	_ =	shalt  }
0x82: {  	_ =	shalt  }
0x83: {  	_ =	shalt  }
0x84: {  	_ =	shalt  }
0x85: {  	_ =	shalt  }
0x86: {  	_ =	shalt  }
0x87: {  	_ =	shalt  }
.Lfunc_end0:
.L_simem_size_0:
called_computation_lowered:
.L_overlay_start_0:
0x88: {  	s2 =	sld [smem:$0x3FD9]  }
0x89: {  	s3 =	sld [smem:$0x3FFE];
	_ =	sdelay $0x1  }
0x8a: {  	s1 =	srdreg.scid  }
0x8b: {  	s0 =	sand.u32 $0x1, s1  }
0x8c: {  	s17 =	sshll.u32 s0, $0xA;
	s2 =	sadd.s32 s3, s2  }
0x8d: {  	s2 =	sadd.s32 s2, s17  }
0x8e: {  	[smem:$0x3FC4] =	sst s2  }
0x8f: {  	_ = 	snop  }
0x90: {  	s2 =	sld [smem:$0x3FD0];
	(tm) =	ssettm $0x1  }
0x91: {  	s18 =	sld [smem:$0x3FFB];
	_ =	sdelay $0x3  }
0x92: {  	_ =	strace s18  }
0x93: {  	s3 =	sld [smem:$0x3FFC];
	_ =	sdelay $0x3  }
0x94: {  	_ =	strace s3  }
0x95: {  	s3 =	sld [smem:$0x3FFD];
	_ =	sdelay $0x3  }
0x96: {  	_ =	strace s3  }
0x97: {  	_ =	strace $0x8FFFFFFF  }
0x98: {  	s19 =	sld [smem:$0x3FDB];
	_ =	sdelay $0x1  }
0x99: {  	s4 =	simm.s32 $_scs_section_size  }
0x9a: {  	s5 =	simm.s32 $_size__tile_overlayer_lowered;
	s6 =	simm.s32 $_tile_overlayer_lowered  }
0x9b: {  	s22 =	simm.s32 $0x1BFF;
	s21 =	sshll.u32 s6, $0x1;
	s3 =	sadd.s32 s4, s19  }
0x9c: {  	s7 =	simm.s32 $0x0;
	s20 =	sshll.u32 s5, $0x1;
	s5 =	sadd.s32 s21, s3  }
0x9d: {  	[timem:s7], [sflag:s22] =	dma.local [hbm:s5], s20  }
0x9e: {  	_ =	swait.ge [sflag:s22], s20  }
0x9f: {  	s4 =	ssub.s32 $0x0, s20;
	[sflag:s22] =	ssyncset.done $0x0  }
0xa0: {  	[sflag:s22] =	ssyncadd.s32 s4;
	_ =	sdelay $0x1  }
0xa1: {  	s23 =	simm.s32 $0x1B8B  }
0xa2: {  	_ =	swait.ge [sflag:s23], $0x1  }
0xa3: {  	[sflag:s23] =	ssyncset.done $0x0  }
0xa4: {  	s25 =	simm.s32 $0x1B8E;
	s24 =	sld [smem:$0x3FFE];
	[sflag:s23] =	ssyncadd.s32 $0xFFFFFFFF  }
0xa5: {  	s26 =	simm.s32 $execute0_lowered;
	[smem:$0x3FD2] =	sst s25  }
0xa6: {  	s5 =	sshll.u32 s26, $0x1;
	_ =	strace $0x80000046;
	[dreg:$0x1] =	wrdreg $0xFFFFFFFF  }
0xa7: {  	s28 =	simm.s32 $_size_execute0_lowered;
	s3 =	sadd.s32 s3, s5;
	[dreg:$0x0] =	wrdreg $0x0  }
0xa8: {  	s5 =	sshll.u32 s28, $0x1;
	[dreg:$0x2] =	wrdreg s3  }
0xa9: {  	[dreg:$0x3] =	wrdreg s5  }
0xaa: {  	[dreg:$0x4] =	wrdreg $0xC0  }
0xab: {  	_ =	task [dreg:s7], $0x5FFFF  }
0xac: {  	[dreg:$0x1] =	wrdreg $0xFFFFFFFF  }
0xad: {  	[dreg:$0x0] =	wrdreg $0x60  }
0xae: {  	[dreg:$0x2] =	wrdreg s24  }
0xaf: {  	[dreg:$0x3] =	wrdreg s2  }
0xb0: {  	[dreg:$0x4] =	wrdreg $0xB0000  }
0xb1: {  	[dreg:$0x5] =	wrdreg $0x9  }
0xb2: {  	_ =	task.clear_ibuf [dreg:s7], $0x6FFFF;
	_ =	strace $0x90000046  }
0xb3: {  	s29 =	simm.s32 $0x9;
	_ =	strace $0x80000048  }
0xb4: {  	_ =	swait.ge [sflag:s29], $0x1  }
0xb5: {  	[sflag:s29] =	ssyncadd.s32 $0xFFFFFFFF  }
0xb6: {  	_ =	strace $0x90000048  }
0xb7: {  	_ =	sfence  }
0xb8: {  	s30 =	sld [smem:$0x0];
	_ =	sdelay $0x2  }
0xb9: {  	s31 =	sshll.u32 s1, $0xD;
	s1 =	sshrl.u32 s1, $0x2  }
0xba: {  	s3 =	sand.u32 $0x4000, s31;
	s1 =	sadd.s32 s1, s30  }
0xbb: {  	s0 =	sor.u32 s3, s0;
	s1 =	sshll.u32 s1, $0x11  }
0xbc: {  	s0 =	sor.u32 s1, s0  }
0xbd: {  	s0 =	sadd.s32 $0x8F2B, s0  }
0xbe: {  	[sflag:s0] =	ssyncadd.remote.s32 $0x1  }
0xbf: {  	_ =	sfence.sel $0xFFFF  }
0xc0: {  	[dreg:$0x0] =	wrdreg $0xFFFFFFFF;
	(pc) =	sbr.abs _section_cstart, $3  }
0xc1: {  	[dreg:$0x1] =	wrdreg $0xFFFFFFFF  }
0xc2: {  	_ =	task.clear_ibuf [dreg:s7], $0x2FFFF;
	_ =	strace $0x9FFFFFFF  }
0xc3: {  	(tm) =	ssettm $0x7FFFFFFF  }
tec
execute0_lowered:
.L_overlay_start_1:
0x0: {  	(tag) =	ssettag $0x1  }
0x1: {  	s5 =	rddreg [dreg:$0x0]  }
0x2: {  	s7 =	rddreg [dreg:$0x1]  }
0x3: {  	s2 =	rddreg [dreg:$0x2]  }
0x4: {  	s3 =	simm.s32 $0x0;
	s1 =	stileid.u32;
	s4 =	srdreg.scid  }
0x5: {  	s16 =	simm.s32 $0x3000;
	s17 =	simm.s32 $0x7000;
	s18 =	simm.s32 $0x4  }
0x6: {  	s19 =	simm.s32 $0x2;
	s20 =	simm.s32 $0x2F80;
	s21 =	simm.s32 $0x0  }
0x7: {  	[smem:$0x7FF] =	sst s3;
	s6 =	smul.u32 $0x14000, s1;
	s8 =	sand.u32 $0x1, s4  }
0x8: {  	s4 =	sadd.s32 $0x34A00, s5;
	s11 =	sadd.s32 $0x2A00, s5;
	s25 =	smul.u32 $0x50000, s1  }
0x9: {  	s12 =	sshll.u32 s1, $0x1;
	s28 =	smul.u32 $0x5000, s1;
	s29 =	sshll.u32 s1, $0x6  }
0xa: {  	_ =	strace $0x80000047;
	s9 =	smul.u32 $0x140000, s8;
	s12 =	sor.u32 s8, s12  }
0xb: {  	s26 =	ssub.s32 $0x2, s8;
	s8 =	smul.u32 $0x2800, s8;
	s10 =	sshrl.u32 s6, $0x3  }
0xc: {  	s12 =	smul.u32 $0x2800, s12;
	s14 =	sshrl.u32 s26, $0x1;
	s6 =	sadd.s32 s6, s9  }
0xd: {  	s10 =	sadd.s32 s10, s5;
	s9 =	sshrl.u32 s25, $0x2;
	s14 =	ssub.s32 s26, s14  }
0xe: {  	s8 =	sadd.s32 s8, s28;
	s6 =	sshrl.u32 s6, $0x3;
	s15 =	sadd.s32 s9, s2  }
0xf: {  	s30 =	sshrl.u32 s12, $0x3;
	s31 =	sor.u32 $0x80, s8;
	s13 =	sadd.s32 s6, s5  }
0x10: {  	s5 =	sadd.s32 $0xCA00, s10;
	s6 =	sor.u32 $0x1C03, s29;
	s7 =	sadd.s32 s7, s30  }
0x11: {  	s8 =	sadd.s32 s11, s30;
	s12 =	sshrl.u32 s31, $0x3;
	s10 =	smax.u32 s14, $0x1  }
0x12: {  	s14 =	simm.s32 $0x2800;
	s9 =	sadd.s32 $0x5CA00, s13;
	s11 =	sadd.s32 s12, s11  }
0x13: {  	s12 =	sshrl.u32 s15, $0x3;
	s13 =	simm.s32 $0x3;
	s15 =	simm.s32 $0x80  }
.LBB2_1:
0x14: {  	[spmem:s12], [sflag:s6] =	dma.local [hbm:s5], $0x2800  }
0x15: {  	_ =	swait.ge [sflag:s13], $0x2800  }
0x16: {  	[sflag:s13] =	ssyncset.done $0x0  }
0x17: {  	[sflag:s13] =	ssyncadd.s32 $0xFFFFD800  }
0x18: {  	[tilespmem:s3], [sflag:$0x3] =	stream.linear.gather [hbm4b:s7+s3], $0x2800, $0x38;
	[tilespmem:$0x1F000] =	vst v63  }
0x19: {  	_ =	swait.ge [sflag:s13], $0x2800  }
0x1a: {  	[sflag:s13] =	ssyncset.done $0x0  }
0x1b: {  	[sflag:s13] =	ssyncadd.s32 $0xFFFFD800  }
0x1c: {  	[tilespmem:s14], [sflag:$0x3] =	stream.linear.gather [hbm4b:s8+s3], $0x800, $0x38;
	[tilespmem:$0x1F000] =	vst v63  }
0x1d: {  	_ =	swait.ge [sflag:s13], $0x800  }
0x1e: {  	[sflag:s13] =	ssyncset.done $0x0  }
0x1f: {  	[sflag:s13] =	ssyncadd.s32 $0xFFFFF800  }
0x20: {  	s22 =	simm.s32 $0x1;
	[bflag:$0x0] =	sbarrier.arrive $0xFFFF  }
0x21: {  	[tilespmem:s16], [sflag:$0x1] =	stream.indirect.gather [hbm4b:s4+s15], $0x80, s3, s15, $0xb8;
	[tilespmem:$0x1F000] =	vst v63  }
0x22: {  	_ =	swait.ge [sflag:s22], $0x4000  }
0x23: {  	[sflag:s22] =	ssyncset.done $0x0  }
0x24: {  	[sflag:s22] =	ssyncadd.s32 $0xFFFFC000  }
0x25: {  	[tilespmem:s17], [sflag:$0x2] =	stream.indirect.gather [hbm4b:s4+s15], $0x80, s15, s15, $0xb8;
	[tilespmem:$0x1F000] =	vst v63  }
0x26: {  	s24 =	sand.u32 $0xF, s22  }
0x27: {  	[spmem:s2] =	stream.indirect.scatter.add.f32 [tilespmem:s16], [sflag:$0x4], $0x80, s14, s15, $0xb8;
	[tilespmem:$0x1F000] =	vst v63  }
0x28: {  	p1 =	sne.s32 s24, $0x0;
	_ =	swait.ge [sflag:s18], $0x4000  }
0x29: {  	s23 =	simm.s32 @!p1 $0x0;
	[sflag:s18] =	ssyncset.done $0x0  }
0x2a: {  	s25 =	simm.s32 @!p1 $0x2800;
	s26 =	simm.s32 @!p1 $0x4;
	[sflag:s18] =	ssyncadd.s32 $0xFFFFC000  }
0x2b: {  	[tilespmem:s25], [sflag:$0x4] =	stream.linear.gather @!p1 [hbm4b:s11+s23], $0x800, $0x38;
	[tilespmem:$0x1F000] =	vst v63  }
0x2c: {  	s22 =	sand.u32 $0x1, s22;
	_ =	swait.ge @!p1 [sflag:s26], $0x800  }
0x2d: {  	p0 =	seq.s32 s22, $0x1;
	[sflag:s26] =	ssyncset.done @!p1 $0x0  }
0x2e: {  	s22 =	simm.s32 @p0 $0x2;
	[sflag:s26] =	ssyncadd.s32 @!p1 $0xFFFFF800  }
0x2f: {  	_ =	swait.ge @p0 [sflag:s22], $0x4000  }
0x30: {  	s25 =	simm.s32 $0x100;
	s23 =	simm.s32 @p0 $0x3000;
	[sflag:s22] =	ssyncset.done @p0 $0x0  }
0x31: {  	s26 =	sshll.u32 @p0 s24, $0x7;
	[sflag:s22] =	ssyncadd.s32 @p0 $0xFFFFC000;
	s22 =	simm.s32 @p0 $0x80  }
0x32: {  	[tilespmem:s23], [sflag:$0x1] =	stream.indirect.gather @p0 [hbm4b:s4+s22], $0x80, s25, s22, $0xb8;
	[tilespmem:$0x1F000] =	vst v63  }
0x33: {  	s29 =	simm.s32 @!p0 $0x1;
	s23 =	sor.u32 @p0 $0x2800, s26;
	s26 =	simm.s32 @p0 $0x7000  }
0x34: {  	[spmem:s2] =	stream.indirect.scatter.add.f32 @p0 [tilespmem:s26], [sflag:$0x3], $0x80, s23, s22, $0xb8;
	[tilespmem:$0x1F000] =	vst v63  }
0x35: {  	s28 =	simm.s32 @!p0 $0x4;
	_ =	swait.ge @!p0 [sflag:s29], $0x4000  }
0x36: {  	s28 =	simm.s32 @p0 $0x3;
	s24 =	sshll.u32 @!p0 s24, $0x7;
	[sflag:s29] =	ssyncset.done @!p0 $0x0  }
0x37: {  	s22 =	simm.s32 @!p0 $0x7000;
	s26 =	simm.s32 @!p0 $0x80;
	[sflag:s29] =	ssyncadd.s32 @!p0 $0xFFFFC000  }
0x38: {  	[tilespmem:s22], [sflag:$0x2] =	stream.indirect.gather @!p0 [hbm4b:s4+s26], $0x80, s25, s26, $0xb8;
	[tilespmem:$0x1F000] =	vst v63  }
0x39: {  	s23 =	simm.s32 $0x2;
	s22 =	sor.u32 @!p0 $0x2800, s24;
	s24 =	simm.s32 @!p0 $0x3000  }
0x3a: {  	[spmem:s2] =	stream.indirect.scatter.add.f32 @!p0 [tilespmem:s24], [sflag:$0x4], $0x80, s22, s26, $0xb8;
	[tilespmem:$0x1F000] =	vst v63  }
0x3b: {  	s25 =	sadd.s32 $0x10, s11;
	s26 =	simm.s32 $0x3;
	_ =	swait.ge [sflag:s28], $0x4000  }
0x3c: {  	s24 =	sand.u32 $0xF, s23;
	s22 =	simm.s32 $0x180;
	[sflag:s28] =	ssyncset.done $0x0  }
.LBB2_2:
0x3d: {  	p2 =	sne.s32 s24, $0x0  }
0x3e: {  	[sflag:s28] =	ssyncadd.s32 $0xFFFFC000;
	s28 =	smov.u32 s26;
	s26 =	sadd.s32 $0x1, s26  }
0x3f: {  	s29 =	simm.s32 @!p2 $0x0;
	s30 =	simm.s32 @!p2 $0x2800;
	s31 =	simm.s32 @!p2 $0x4  }
0x40: {  	[tilespmem:s30], [sflag:$0x4] =	stream.linear.gather @!p2 [hbm4b:s25+s29], $0x800, $0x38;
	[tilespmem:$0x1F000] =	vst v63  }
0x41: {  	s23 =	sand.u32 $0x1, s23;
	p0 =	sne.s32 s26, $0x4F;
	_ =	swait.ge @!p2 [sflag:s31], $0x800  }
0x42: {  	p1 =	seq.s32 s23, $0x1;
	s23 =	smov.u32 s28;
	[sflag:s31] =	ssyncset.done @!p2 $0x0  }
0x43: {  	s29 =	simm.s32 @p1 $0x2;
	s28 =	simm.s32 @!p1 $0x4;
	[sflag:s31] =	ssyncadd.s32 @!p2 $0xFFFFF800  }
0x44: {  	_ =	swait.ge @p1 [sflag:s29], $0x4000  }
0x45: {  	s30 =	simm.s32 @p1 $0x3000;
	[sflag:s29] =	ssyncset.done @p1 $0x0  }
0x46: {  	s31 =	sshll.u32 @p1 s24, $0x7;
	[sflag:s29] =	ssyncadd.s32 @p1 $0xFFFFC000;
	s29 =	simm.s32 @p1 $0x80  }
0x47: {  	[tilespmem:s30], [sflag:$0x1] =	stream.indirect.gather @p1 [hbm4b:s4+s29], $0x80, s22, s29, $0xb8;
	[tilespmem:$0x1F000] =	vst v63  }
0x48: {  	s0 =	simm.s32 @!p1 $0x1;
	s30 =	sor.u32 @p1 $0x2800, s31;
	s31 =	simm.s32 @p1 $0x7000  }
0x49: {  	[spmem:s2] =	stream.indirect.scatter.add.f32 @p1 [tilespmem:s31], [sflag:$0x3], $0x80, s30, s29, $0xb8;
	[tilespmem:$0x1F000] =	vst v63  }
0x4a: {  	_ =	swait.ge @!p1 [sflag:s0], $0x4000  }
0x4b: {  	s29 =	simm.s32 @!p1 $0x7000;
	[sflag:s0] =	ssyncset.done @!p1 $0x0  }
0x4c: {  	s24 =	sshll.u32 @!p1 s24, $0x7;
	[sflag:s0] =	ssyncadd.s32 @!p1 $0xFFFFC000;
	s0 =	simm.s32 @!p1 $0x80  }
0x4d: {  	[tilespmem:s29], [sflag:$0x2] =	stream.indirect.gather @!p1 [hbm4b:s4+s0], $0x80, s22, s0, $0xb8;
	[tilespmem:$0x1F000] =	vst v63  }
.Ltmp0:
0x4e: {  	_ = 	snop;
	(pc) =	sbr.rel @p0 .LBB2_2-.Ltmp0, $4  }
0x4f: {  	s28 =	simm.s32 @p1 $0x3;
	s24 =	sor.u32 @!p1 $0x2800, s24;
	s29 =	simm.s32 @!p1 $0x3000  }
0x50: {  	[spmem:s2] =	stream.indirect.scatter.add.f32 @!p1 [tilespmem:s29], [sflag:$0x4], $0x80, s24, s0, $0xb8;
	[tilespmem:$0x1F000] =	vst v63  }
0x51: {  	s25 =	sadd.s32 $0x10, s25;
	_ =	swait.ge [sflag:s28], $0x4000  }
0x52: {  	s22 =	sadd.s32 $0x80, s22;
	s24 =	sand.u32 $0xF, s23;
	[sflag:s28] =	ssyncset.done $0x0  }
0x53: {  	p1 =	sne.s32 s24, $0x0;
	[sflag:s28] =	ssyncadd.s32 $0xFFFFC000  }
0x54: {  	s0 =	simm.s32 @!p1 $0x0;
	s26 =	simm.s32 @!p1 $0x2800;
	s28 =	simm.s32 @!p1 $0x4  }
0x55: {  	[tilespmem:s26], [sflag:$0x4] =	stream.linear.gather @!p1 [hbm4b:s25+s0], $0x800, $0x38;
	[tilespmem:$0x1F000] =	vst v63  }
0x56: {  	s31 =	sand.u32 $0x1, s23;
	_ =	swait.ge @!p1 [sflag:s28], $0x800  }
0x57: {  	p0 =	seq.s32 s31, $0x1;
	[sflag:s28] =	ssyncset.done @!p1 $0x0  }
0x58: {  	s0 =	simm.s32 @p0 $0x2;
	[sflag:s28] =	ssyncadd.s32 @!p1 $0xFFFFF800  }
0x59: {  	_ =	swait.ge @p0 [sflag:s0], $0x4000  }
0x5a: {  	s23 =	simm.s32 @p0 $0x3000;
	[sflag:s0] =	ssyncset.done @p0 $0x0  }
0x5b: {  	s25 =	sshll.u32 @p0 s24, $0x7;
	[sflag:s0] =	ssyncadd.s32 @p0 $0xFFFFC000;
	s0 =	simm.s32 @p0 $0x80  }
0x5c: {  	[tilespmem:s23], [sflag:$0x1] =	stream.indirect.gather @p0 [hbm4b:s4+s0], $0x80, s22, s0, $0xb8;
	[tilespmem:$0x1F000] =	vst v63  }
0x5d: {  	s26 =	simm.s32 @!p0 $0x1;
	s23 =	sor.u32 @p0 $0x2800, s25;
	s25 =	simm.s32 @p0 $0x7000  }
0x5e: {  	[spmem:s2] =	stream.indirect.scatter.add.f32 @p0 [tilespmem:s25], [sflag:$0x3], $0x80, s23, s0, $0xb8;
	[tilespmem:$0x1F000] =	vst v63  }
0x5f: {  	_ =	swait.ge @!p0 [sflag:s26], $0x4000  }
0x60: {  	s24 =	sshll.u32 @!p0 s24, $0x7;
	s0 =	simm.s32 @!p0 $0x4;
	[sflag:s26] =	ssyncset.done @!p0 $0x0  }
0x61: {  	s23 =	simm.s32 @!p0 $0x7000;
	s25 =	simm.s32 @!p0 $0x80;
	[sflag:s26] =	ssyncadd.s32 @!p0 $0xFFFFC000  }
0x62: {  	[tilespmem:s23], [sflag:$0x2] =	stream.indirect.gather @!p0 [hbm4b:s4+s25], $0x80, s22, s25, $0xb8;
	[tilespmem:$0x1F000] =	vst v63  }
0x63: {  	s0 =	simm.s32 @p0 $0x3;
	s22 =	sor.u32 @!p0 $0x2800, s24;
	s23 =	simm.s32 @!p0 $0x3000  }
0x64: {  	[spmem:s2] =	stream.indirect.scatter.add.f32 @!p0 [tilespmem:s23], [sflag:$0x4], $0x80, s22, s25, $0xb8;
	[tilespmem:$0x1F000] =	vst v63  }
0x65: {  	_ =	swait.ge [sflag:s0], $0x4000  }
0x66: {  	[sflag:s0] =	ssyncset.done $0x0  }
0x67: {  	[sflag:s0] =	ssyncadd.s32 $0xFFFFC000  }
0x68: {  	_ =	swait.ge [sflag:s19], $0x4000  }
0x69: {  	[sflag:s19] =	ssyncset.done $0x0  }
0x6a: {  	[sflag:s19] =	ssyncadd.s32 $0xFFFFC000  }
0x6b: {  	[spmem:s2] =	stream.indirect.scatter.add.f32 [tilespmem:s17], [sflag:$0x3], $0x80, s20, s15, $0xb8;
	[tilespmem:$0x1F000] =	vst v63  }
0x6c: {  	_ =	swait.ge [sflag:s13], $0x4000  }
0x6d: {  	s21 =	sadd.s32 $0x1, s21;
	[sflag:s13] =	ssyncset.done $0x0  }
0x6e: {  	p0 =	sne.s32 s21, s10;
	[sflag:s13] =	ssyncadd.s32 $0xFFFFC000  }
.Ltmp1:
0x6f: {  	[bflag:$0x0] =	sbarrier.arrive $0xFFFF;
	(pc) =	sbr.rel @p0 .LBB2_1-.Ltmp1, $4  }
0x70: {  	[hbm:s9], [sflag:s6] =	dma.local [spmem:s12], $0x2800  }
0x71: {  	_ =	swait.ge [sflag:s13], $0x2800  }
0x72: {  	[sflag:s13] =	ssyncset.done $0x0  }
0x73: {  	[sflag:s13] =	ssyncadd.s32 $0xFFFFD800  }
0x74: {  	_ =	sfence.sel $0x180000  }
0x75: {  	[bflag:$0x0] =	sbarrier.arrive $0xFFFF  }
0x76: {  	_ =	strace $0x90000047  }
0x77: {  	[bflag:$0x2] =	sbarrier.arrive $0xFFFF  }
0x78: {  	p0 =	sne.s32 s1, $0x0;
	s0 =	rddreg [dreg:$0x3]  }
0x79: {  	s0 =	sadd.s32 @!p0 $0x100000, s0  }
0x7a: {  	[sflag:s0] =	ssyncadd.tile.s32 @!p0 $0x1;
	_ =	shalt  }
.Lfunc_end2:
_tile_overlayer_lowered:
.L_overlay_start_2:
0x7b: {  	(tag) =	ssettag $0x2  }
0x7c: {  	s0 =	rddreg [dreg:$0x0];
	s2 =	stileid.u32  }
0x7d: {  	s1 =	rddreg [dreg:$0x1];
	p0 =	sne.s32 s2, $0x0  }
0x7e: {  	s3 =	rddreg [dreg:$0x2];
	[bflag:$0x3] =	sbarrier.arrive $0xFFFF;
	s2 =	simm.s32 @!p0 $0x1C03  }
0x7f: {  	[timem:s3], [sflag:s2] =	dma.local @!p0 [hbm:s0], s1  }
0x80: {  	s0 =	simm.s32 @!p0 $0x3  }
0x81: {  	_ =	swait.ge @!p0 [sflag:s0], s1  }
0x82: {  	s1 =	ssub.s32 @!p0 $0x0, s1;
	[sflag:s0] =	ssyncset.done @!p0 $0x0  }
0x83: {  	[sflag:s0] =	ssyncadd.s32 @!p0 s1  }
0x84: {  	[bflag:$0x3] =	sbarrier.arrive $0xFFFF  }
0x85: {  	_ =	shalt  }

// kernel: kernel.15.cloned.1.call-start
scs
__scs_entry_jumppad:
0x0: {  	(pc) =	sbr.rel $0x88, $3  }
0x1: {  	(tag) =	ssettag $0x0;
	lr =	simm.s32 $0x1  }
0x2: {  	[smem:$0x3F9D] =	sst lr;
	_ =	strace $0xD0000000  }
0x3: {  	_ = 	snop  }
0x4: {  	_ = 	snop  }
0x5: {  	_ = 	snop  }
0x6: {  	_ = 	snop  }
0x7: {  	_ = 	snop  }
__scs_overlays_trampoline_lowered:
0x8: {  	[smem:$0x3FAC] =	sst s0  }
0x9: {  	[smem:$0x3FAD] =	sst s1  }
0xa: {  	[smem:$0x3FAE] =	sst s2  }
0xb: {  	[smem:$0x3FAF] =	sst s3  }
0xc: {  	[smem:$0x3FB0] =	sst s4  }
0xd: {  	[smem:$0x3FB1] =	sst s5  }
0xe: {  	[smem:$0x3FB2] =	sst s6  }
0xf: {  	[smem:$0x3FB3] =	sst s7  }
0x10: {  	[smem:$0x3FB4] =	sst s8  }
0x11: {  	[smem:$0x3FB5] =	sst s9;
	s0 =	simm.s32 @!p0 $0x0  }
0x12: {  	s1 =	sld [smem:$0x3F9B];
	s0 =	simm.s32 @p0 $0x1  }
0x13: {  	[smem:$0x3FB6] =	sst s0;
	s0 =	simm.s32 @!p1 $0x0  }
0x14: {  	s2 =	sld [smem:$0x3F9A];
	s0 =	simm.s32 @p1 $0x1  }
0x15: {  	[smem:$0x3FB7] =	sst s0;
	s0 =	simm.s32 @!p2 $0x0  }
0x16: {  	s3 =	sld [smem:$0x3FDB];
	s0 =	simm.s32 @p2 $0x1  }
0x17: {  	s4 =	simm.s32 $0x1BF5;
	[smem:$0x3FB9] =	sst s0  }
0x18: {  	s0 =	sld [smem:$0x3F9C];
	_ =	swait.ge [sflag:s4], $0x0  }
0x19: {  	s7 =	sld [smem:$0x3F9D]  }
0x1a: {  	s8 =	sadd.s32 $0xFFFFE003, lr  }
0x1b: {  	s9 =	sadd.s32 $0xFFFFFEF7, lr;
	s5 =	simm.s32 $0xFFFFFFFF;
	p2 =	slt.u32 s8, $0xFFFFF086  }
0x1c: {  	p1 =	slt.u32 s9, $0xF7A;
	s5 =	simm.s32 @!p2 $0x0  }
0x1d: {  	s5 =	simm.s32 @p1 $0x1;
	p0 =	seq.s32 s7, s2  }
0x1e: {  	s7 =	smul.u32 @!p0 $0xF7A, s2;
	p2 =	seq.s32 @!p0 s5, $0x0  }
0x1f: {  	s9 =	smul.u32 $0xF7A, s1;
	s8 =	simm.s32 @!p0 $0x1BF5;
	p2 =	por !p2, p0  }
0x20: {  	[sflag:s8] =	ssyncset.s32 @!p0 $0xFFFFF086;
	s6 =	sadd.s32 @!p0 s3, s7;
	s7 =	simm.s32 @!p0 $0x108  }
0x21: {  	s3 =	sadd.s32 s3, s9;
	s6 =	sadd.s32 @!p0 $0x88, s6;
	s7 =	simm.s32 @p2 $0x1082  }
0x22: {  	[simem:s7], [sflag:s8] =	dma.local @!p0 [hbm:s6], $0xF7A  }
0x23: {  	s9 =	sor.u32 $0xD0000000, s2;
	s6 =	simm.s32 $0x108;
	_ =	swait.ge @!p0 [sflag:s8], $0x0  }
0x24: {  	s3 =	sadd.s32 $0x88, s3;
	s6 =	simm.s32 @!p1 $0x1082;
	[sflag:s4] =	ssyncset.s32 $0xFFFFF086  }
0x25: {  	[simem:s6], [sflag:s4] =	dma.local [hbm:s3], $0xF7A  }
0x26: {  	[smem:$0x3F9D] =	sst s1;
	(tag) =	ssettag s2;
	_ =	strace s9  }
0x27: {  	s1 =	sld [smem:$0x3FAD]  }
0x28: {  	s2 =	sld [smem:$0x3FAE]  }
0x29: {  	s4 =	sld [smem:$0x3FB0]  }
0x2a: {  	p0 =	seq.s32 s5, $0x0;
	s5 =	sld [smem:$0x3FB1]  }
0x2b: {  	s6 =	sld [smem:$0x3FB2]  }
0x2c: {  	s7 =	sld [smem:$0x3FB3]  }
0x2d: {  	s3 =	simm.s32 $0x108;
	s8 =	sld [smem:$0x3FB4]  }
0x2e: {  	s3 =	simm.s32 @!p0 $0x1082;
	s9 =	sld [smem:$0x3FB5]  }
0x2f: {  	lr =	sadd.s32 s0, s3;
	s0 =	sld [smem:$0x3FAC]  }
0x30: {  	s3 =	sld [smem:$0x3FAF]  }
0x31: {  	[smem:$0x3FB8] =	sst s10  }
0x32: {  	s10 =	sld [smem:$0x3FB6];
	_ =	sdelay $0x3  }
0x33: {  	p0 =	seq.s32 s10, $0x1;
	s10 =	sld [smem:$0x3FB8];
	_ =	sdelay $0x3  }
0x34: {  	[smem:$0x3FB8] =	sst s10  }
0x35: {  	s10 =	sld [smem:$0x3FB7];
	_ =	sdelay $0x3  }
0x36: {  	p1 =	seq.s32 s10, $0x1;
	s10 =	sld [smem:$0x3FB8];
	_ =	sdelay $0x3  }
0x37: {  	[smem:$0x3FB8] =	sst s10  }
0x38: {  	s10 =	sld [smem:$0x3FB9]  }
0x39: {  	_ = 	snop;
	(pc) =	sbr.ind lr, $3  }
0x3a: {  	_ = 	snop  }
0x3b: {  	_ = 	snop  }
0x3c: {  	p2 =	seq.s32 s10, $0x1;
	s10 =	sld [smem:$0x3FB8]  }
0x3d: {  	_ =	shalt  }
0x3e: {  	_ =	shalt  }
0x3f: {  	_ =	shalt  }
0x40: {  	_ =	shalt  }
0x41: {  	_ =	shalt  }
0x42: {  	_ =	shalt  }
0x43: {  	_ =	shalt  }
0x44: {  	_ =	shalt  }
0x45: {  	_ =	shalt  }
0x46: {  	_ =	shalt  }
0x47: {  	_ =	shalt  }
0x48: {  	_ =	shalt  }
0x49: {  	_ =	shalt  }
0x4a: {  	_ =	shalt  }
0x4b: {  	_ =	shalt  }
0x4c: {  	_ =	shalt  }
0x4d: {  	_ =	shalt  }
0x4e: {  	_ =	shalt  }
0x4f: {  	_ =	shalt  }
0x50: {  	_ =	shalt  }
0x51: {  	_ =	shalt  }
0x52: {  	_ =	shalt  }
0x53: {  	_ =	shalt  }
0x54: {  	_ =	shalt  }
0x55: {  	_ =	shalt  }
0x56: {  	_ =	shalt  }
0x57: {  	_ =	shalt  }
0x58: {  	_ =	shalt  }
0x59: {  	_ =	shalt  }
0x5a: {  	_ =	shalt  }
0x5b: {  	_ =	shalt  }
0x5c: {  	_ =	shalt  }
0x5d: {  	_ =	shalt  }
0x5e: {  	_ =	shalt  }
0x5f: {  	_ =	shalt  }
0x60: {  	_ =	shalt  }
0x61: {  	_ =	shalt  }
0x62: {  	_ =	shalt  }
0x63: {  	_ =	shalt  }
0x64: {  	_ =	shalt  }
0x65: {  	_ =	shalt  }
0x66: {  	_ =	shalt  }
0x67: {  	_ =	shalt  }
0x68: {  	_ =	shalt  }
0x69: {  	_ =	shalt  }
0x6a: {  	_ =	shalt  }
0x6b: {  	_ =	shalt  }
0x6c: {  	_ =	shalt  }
0x6d: {  	_ =	shalt  }
0x6e: {  	_ =	shalt  }
0x6f: {  	_ =	shalt  }
0x70: {  	_ =	shalt  }
0x71: {  	_ =	shalt  }
0x72: {  	_ =	shalt  }
0x73: {  	_ =	shalt  }
0x74: {  	_ =	shalt  }
0x75: {  	_ =	shalt  }
0x76: {  	_ =	shalt  }
0x77: {  	_ =	shalt  }
0x78: {  	_ =	shalt  }
0x79: {  	_ =	shalt  }
0x7a: {  	_ =	shalt  }
0x7b: {  	_ =	shalt  }
0x7c: {  	_ =	shalt  }
0x7d: {  	_ =	shalt  }
0x7e: {  	_ =	shalt  }
0x7f: {  	_ =	shalt  }
0x80: {  	_ =	shalt  }
0x81: {  	_ =	shalt  }
0x82: {  	_ =	shalt  }
0x83: {  	_ =	shalt  }
0x84: {  	_ =	shalt  }
0x85: {  	_ =	shalt  }
0x86: {  	_ =	shalt  }
0x87: {  	_ =	shalt  }
.Lfunc_end0:
.L_simem_size_0:
called_computation.1_lowered:
.L_overlay_start_0:
0x88: {  	s2 =	sld [smem:$0x3FD9]  }
0x89: {  	s3 =	sld [smem:$0x3FFE];
	_ =	sdelay $0x1  }
0x8a: {  	s1 =	srdreg.scid  }
0x8b: {  	s0 =	sand.u32 $0x1, s1  }
0x8c: {  	s17 =	sshll.u32 s0, $0xA;
	s2 =	sadd.s32 s3, s2  }
0x8d: {  	s2 =	sadd.s32 s2, s17  }
0x8e: {  	[smem:$0x3FC4] =	sst s2  }
0x8f: {  	_ = 	snop  }
0x90: {  	s2 =	sld [smem:$0x3FD0];
	(tm) =	ssettm $0x1  }
0x91: {  	s18 =	sld [smem:$0x3FFB];
	_ =	sdelay $0x3  }
0x92: {  	_ =	strace s18  }
0x93: {  	s3 =	sld [smem:$0x3FFC];
	_ =	sdelay $0x3  }
0x94: {  	_ =	strace s3  }
0x95: {  	s3 =	sld [smem:$0x3FFD];
	_ =	sdelay $0x3  }
0x96: {  	_ =	strace s3  }
0x97: {  	_ =	strace $0x8FFFFFFF  }
0x98: {  	s19 =	sld [smem:$0x3FDB];
	_ =	sdelay $0x1  }
0x99: {  	s4 =	simm.s32 $_scs_section_size  }
0x9a: {  	s5 =	simm.s32 $_size__tile_overlayer_lowered;
	s6 =	simm.s32 $_tile_overlayer_lowered  }
0x9b: {  	s22 =	simm.s32 $0x1BFF;
	s21 =	sshll.u32 s6, $0x1;
	s3 =	sadd.s32 s4, s19  }
0x9c: {  	s7 =	simm.s32 $0x0;
	s20 =	sshll.u32 s5, $0x1;
	s5 =	sadd.s32 s21, s3  }
0x9d: {  	[timem:s7], [sflag:s22] =	dma.local [hbm:s5], s20  }
0x9e: {  	_ =	swait.ge [sflag:s22], s20  }
0x9f: {  	s4 =	ssub.s32 $0x0, s20;
	[sflag:s22] =	ssyncset.done $0x0  }
0xa0: {  	[sflag:s22] =	ssyncadd.s32 s4;
	_ =	sdelay $0x1  }
0xa1: {  	s23 =	simm.s32 $0x1B8B  }
0xa2: {  	_ =	swait.ge [sflag:s23], $0x1  }
0xa3: {  	[sflag:s23] =	ssyncset.done $0x0  }
0xa4: {  	s25 =	simm.s32 $0x1B8E;
	s24 =	sld [smem:$0x3FFE];
	[sflag:s23] =	ssyncadd.s32 $0xFFFFFFFF  }
0xa5: {  	s26 =	simm.s32 $execute0_lowered;
	[smem:$0x3FD2] =	sst s25  }
0xa6: {  	s5 =	sshll.u32 s26, $0x1;
	_ =	strace $0x80000049;
	[dreg:$0x1] =	wrdreg $0xFFFFFFFF  }
0xa7: {  	s28 =	simm.s32 $_size_execute0_lowered;
	s3 =	sadd.s32 s3, s5;
	[dreg:$0x0] =	wrdreg $0x0  }
0xa8: {  	s5 =	sshll.u32 s28, $0x1;
	[dreg:$0x2] =	wrdreg s3  }
0xa9: {  	[dreg:$0x3] =	wrdreg s5  }
0xaa: {  	[dreg:$0x4] =	wrdreg $0xC0  }
0xab: {  	_ =	task [dreg:s7], $0x5FFFF  }
0xac: {  	[dreg:$0x1] =	wrdreg $0xFFFFFFFF  }
0xad: {  	[dreg:$0x0] =	wrdreg $0x60  }
0xae: {  	[dreg:$0x2] =	wrdreg s24  }
0xaf: {  	[dreg:$0x3] =	wrdreg s2  }
0xb0: {  	[dreg:$0x4] =	wrdreg $0xB0000  }
0xb1: {  	[dreg:$0x5] =	wrdreg $0x9  }
0xb2: {  	_ =	task.clear_ibuf [dreg:s7], $0x6FFFF;
	_ =	strace $0x90000049  }
0xb3: {  	s29 =	simm.s32 $0x9;
	_ =	strace $0x8000004B  }
0xb4: {  	_ =	swait.ge [sflag:s29], $0x1  }
0xb5: {  	[sflag:s29] =	ssyncadd.s32 $0xFFFFFFFF  }
0xb6: {  	_ =	strace $0x9000004B  }
0xb7: {  	_ =	sfence  }
0xb8: {  	s30 =	sld [smem:$0x0];
	_ =	sdelay $0x2  }
0xb9: {  	s31 =	sshll.u32 s1, $0xD;
	s1 =	sshrl.u32 s1, $0x2  }
0xba: {  	s3 =	sand.u32 $0x4000, s31;
	s1 =	sadd.s32 s1, s30  }
0xbb: {  	s0 =	sor.u32 s3, s0;
	s1 =	sshll.u32 s1, $0x11  }
0xbc: {  	s0 =	sor.u32 s1, s0  }
0xbd: {  	s0 =	sadd.s32 $0x8F2B, s0  }
0xbe: {  	[sflag:s0] =	ssyncadd.remote.s32 $0x1  }
0xbf: {  	_ =	sfence.sel $0xFFFF  }
0xc0: {  	[dreg:$0x0] =	wrdreg $0xFFFFFFFF;
	(pc) =	sbr.abs _section_cstart, $3  }
0xc1: {  	[dreg:$0x1] =	wrdreg $0xFFFFFFFF  }
0xc2: {  	_ =	task.clear_ibuf [dreg:s7], $0x2FFFF;
	_ =	strace $0x9FFFFFFF  }
0xc3: {  	(tm) =	ssettm $0x7FFFFFFF  }
tec
execute0_lowered:
.L_overlay_start_1:
0x0: {  	(tag) =	ssettag $0x1  }
0x1: {  	s5 =	rddreg [dreg:$0x0]  }
0x2: {  	s7 =	rddreg [dreg:$0x1]  }
0x3: {  	s2 =	rddreg [dreg:$0x2]  }
0x4: {  	s3 =	simm.s32 $0x0;
	s1 =	stileid.u32;
	s4 =	srdreg.scid  }
0x5: {  	s16 =	simm.s32 $0x3000;
	s17 =	simm.s32 $0x7000;
	s18 =	simm.s32 $0x4  }
0x6: {  	s19 =	simm.s32 $0x2;
	s20 =	simm.s32 $0x2F80;
	s21 =	simm.s32 $0x0  }
0x7: {  	[smem:$0x7FF] =	sst s3;
	s6 =	smul.u32 $0x14000, s1;
	s8 =	sand.u32 $0x1, s4  }
0x8: {  	s4 =	sadd.s32 $0x34A00, s5;
	s11 =	sadd.s32 $0x2A00, s5;
	s25 =	smul.u32 $0x50000, s1  }
0x9: {  	s12 =	sshll.u32 s1, $0x1;
	s28 =	smul.u32 $0x5000, s1;
	s29 =	sshll.u32 s1, $0x6  }
0xa: {  	_ =	strace $0x8000004A;
	s9 =	smul.u32 $0x140000, s8;
	s12 =	sor.u32 s8, s12  }
0xb: {  	s26 =	ssub.s32 $0x2, s8;
	s8 =	smul.u32 $0x2800, s8;
	s10 =	sshrl.u32 s6, $0x3  }
0xc: {  	s12 =	smul.u32 $0x2800, s12;
	s14 =	sshrl.u32 s26, $0x1;
	s6 =	sadd.s32 s6, s9  }
0xd: {  	s10 =	sadd.s32 s10, s5;
	s9 =	sshrl.u32 s25, $0x2;
	s14 =	ssub.s32 s26, s14  }
0xe: {  	s8 =	sadd.s32 s8, s28;
	s6 =	sshrl.u32 s6, $0x3;
	s15 =	sadd.s32 s9, s2  }
0xf: {  	s30 =	sshrl.u32 s12, $0x3;
	s31 =	sor.u32 $0x80, s8;
	s13 =	sadd.s32 s6, s5  }
0x10: {  	s5 =	sadd.s32 $0xCA00, s10;
	s6 =	sor.u32 $0x1C03, s29;
	s7 =	sadd.s32 s7, s30  }
0x11: {  	s8 =	sadd.s32 s11, s30;
	s12 =	sshrl.u32 s31, $0x3;
	s10 =	smax.u32 s14, $0x1  }
0x12: {  	s14 =	simm.s32 $0x2800;
	s9 =	sadd.s32 $0x5CA00, s13;
	s11 =	sadd.s32 s12, s11  }
0x13: {  	s12 =	sshrl.u32 s15, $0x3;
	s13 =	simm.s32 $0x3;
	s15 =	simm.s32 $0x80  }
.LBB2_1:
0x14: {  	[spmem:s12], [sflag:s6] =	dma.local [hbm:s5], $0x2800  }
0x15: {  	_ =	swait.ge [sflag:s13], $0x2800  }
0x16: {  	[sflag:s13] =	ssyncset.done $0x0  }
0x17: {  	[sflag:s13] =	ssyncadd.s32 $0xFFFFD800  }
0x18: {  	[tilespmem:s3], [sflag:$0x3] =	stream.linear.gather [hbm4b:s7+s3], $0x2800, $0x38;
	[tilespmem:$0x1F000] =	vst v63  }
0x19: {  	_ =	swait.ge [sflag:s13], $0x2800  }
0x1a: {  	[sflag:s13] =	ssyncset.done $0x0  }
0x1b: {  	[sflag:s13] =	ssyncadd.s32 $0xFFFFD800  }
0x1c: {  	[tilespmem:s14], [sflag:$0x3] =	stream.linear.gather [hbm4b:s8+s3], $0x800, $0x38;
	[tilespmem:$0x1F000] =	vst v63  }
0x1d: {  	_ =	swait.ge [sflag:s13], $0x800  }
0x1e: {  	[sflag:s13] =	ssyncset.done $0x0  }
0x1f: {  	[sflag:s13] =	ssyncadd.s32 $0xFFFFF800  }
0x20: {  	s22 =	simm.s32 $0x1;
	[bflag:$0x0] =	sbarrier.arrive $0xFFFF  }
0x21: {  	[tilespmem:s16], [sflag:$0x1] =	stream.indirect.gather [hbm4b:s4+s15], $0x80, s3, s15, $0xb8;
	[tilespmem:$0x1F000] =	vst v63  }
0x22: {  	_ =	swait.ge [sflag:s22], $0x4000  }
0x23: {  	[sflag:s22] =	ssyncset.done $0x0  }
0x24: {  	[sflag:s22] =	ssyncadd.s32 $0xFFFFC000  }
0x25: {  	[tilespmem:s17], [sflag:$0x2] =	stream.indirect.gather [hbm4b:s4+s15], $0x80, s15, s15, $0xb8;
	[tilespmem:$0x1F000] =	vst v63  }
0x26: {  	s24 =	sand.u32 $0xF, s22  }
0x27: {  	[spmem:s2] =	stream.indirect.scatter.add.f32 [tilespmem:s16], [sflag:$0x4], $0x80, s14, s15, $0xb8;
	[tilespmem:$0x1F000] =	vst v63  }
0x28: {  	p1 =	sne.s32 s24, $0x0;
	_ =	swait.ge [sflag:s18], $0x4000  }
0x29: {  	s23 =	simm.s32 @!p1 $0x0;
	[sflag:s18] =	ssyncset.done $0x0  }
0x2a: {  	s25 =	simm.s32 @!p1 $0x2800;
	s26 =	simm.s32 @!p1 $0x4;
	[sflag:s18] =	ssyncadd.s32 $0xFFFFC000  }
0x2b: {  	[tilespmem:s25], [sflag:$0x4] =	stream.linear.gather @!p1 [hbm4b:s11+s23], $0x800, $0x38;
	[tilespmem:$0x1F000] =	vst v63  }
0x2c: {  	s22 =	sand.u32 $0x1, s22;
	_ =	swait.ge @!p1 [sflag:s26], $0x800  }
0x2d: {  	p0 =	seq.s32 s22, $0x1;
	[sflag:s26] =	ssyncset.done @!p1 $0x0  }
0x2e: {  	s22 =	simm.s32 @p0 $0x2;
	[sflag:s26] =	ssyncadd.s32 @!p1 $0xFFFFF800  }
0x2f: {  	_ =	swait.ge @p0 [sflag:s22], $0x4000  }
0x30: {  	s25 =	simm.s32 $0x100;
	s23 =	simm.s32 @p0 $0x3000;
	[sflag:s22] =	ssyncset.done @p0 $0x0  }
0x31: {  	s26 =	sshll.u32 @p0 s24, $0x7;
	[sflag:s22] =	ssyncadd.s32 @p0 $0xFFFFC000;
	s22 =	simm.s32 @p0 $0x80  }
0x32: {  	[tilespmem:s23], [sflag:$0x1] =	stream.indirect.gather @p0 [hbm4b:s4+s22], $0x80, s25, s22, $0xb8;
	[tilespmem:$0x1F000] =	vst v63  }
0x33: {  	s29 =	simm.s32 @!p0 $0x1;
	s23 =	sor.u32 @p0 $0x2800, s26;
	s26 =	simm.s32 @p0 $0x7000  }
0x34: {  	[spmem:s2] =	stream.indirect.scatter.add.f32 @p0 [tilespmem:s26], [sflag:$0x3], $0x80, s23, s22, $0xb8;
	[tilespmem:$0x1F000] =	vst v63  }
0x35: {  	s28 =	simm.s32 @!p0 $0x4;
	_ =	swait.ge @!p0 [sflag:s29], $0x4000  }
0x36: {  	s28 =	simm.s32 @p0 $0x3;
	s24 =	sshll.u32 @!p0 s24, $0x7;
	[sflag:s29] =	ssyncset.done @!p0 $0x0  }
0x37: {  	s22 =	simm.s32 @!p0 $0x7000;
	s26 =	simm.s32 @!p0 $0x80;
	[sflag:s29] =	ssyncadd.s32 @!p0 $0xFFFFC000  }
0x38: {  	[tilespmem:s22], [sflag:$0x2] =	stream.indirect.gather @!p0 [hbm4b:s4+s26], $0x80, s25, s26, $0xb8;
	[tilespmem:$0x1F000] =	vst v63  }
0x39: {  	s23 =	simm.s32 $0x2;
	s22 =	sor.u32 @!p0 $0x2800, s24;
	s24 =	simm.s32 @!p0 $0x3000  }
0x3a: {  	[spmem:s2] =	stream.indirect.scatter.add.f32 @!p0 [tilespmem:s24], [sflag:$0x4], $0x80, s22, s26, $0xb8;
	[tilespmem:$0x1F000] =	vst v63  }
0x3b: {  	s25 =	sadd.s32 $0x10, s11;
	s26 =	simm.s32 $0x3;
	_ =	swait.ge [sflag:s28], $0x4000  }
0x3c: {  	s24 =	sand.u32 $0xF, s23;
	s22 =	simm.s32 $0x180;
	[sflag:s28] =	ssyncset.done $0x0  }
.LBB2_2:
0x3d: {  	p2 =	sne.s32 s24, $0x0  }
0x3e: {  	[sflag:s28] =	ssyncadd.s32 $0xFFFFC000;
	s28 =	smov.u32 s26;
	s26 =	sadd.s32 $0x1, s26  }
0x3f: {  	s29 =	simm.s32 @!p2 $0x0;
	s30 =	simm.s32 @!p2 $0x2800;
	s31 =	simm.s32 @!p2 $0x4  }
0x40: {  	[tilespmem:s30], [sflag:$0x4] =	stream.linear.gather @!p2 [hbm4b:s25+s29], $0x800, $0x38;
	[tilespmem:$0x1F000] =	vst v63  }
0x41: {  	s23 =	sand.u32 $0x1, s23;
	p0 =	sne.s32 s26, $0x4F;
	_ =	swait.ge @!p2 [sflag:s31], $0x800  }
0x42: {  	p1 =	seq.s32 s23, $0x1;
	s23 =	smov.u32 s28;
	[sflag:s31] =	ssyncset.done @!p2 $0x0  }
0x43: {  	s29 =	simm.s32 @p1 $0x2;
	s28 =	simm.s32 @!p1 $0x4;
	[sflag:s31] =	ssyncadd.s32 @!p2 $0xFFFFF800  }
0x44: {  	_ =	swait.ge @p1 [sflag:s29], $0x4000  }
0x45: {  	s30 =	simm.s32 @p1 $0x3000;
	[sflag:s29] =	ssyncset.done @p1 $0x0  }
0x46: {  	s31 =	sshll.u32 @p1 s24, $0x7;
	[sflag:s29] =	ssyncadd.s32 @p1 $0xFFFFC000;
	s29 =	simm.s32 @p1 $0x80  }
0x47: {  	[tilespmem:s30], [sflag:$0x1] =	stream.indirect.gather @p1 [hbm4b:s4+s29], $0x80, s22, s29, $0xb8;
	[tilespmem:$0x1F000] =	vst v63  }
0x48: {  	s0 =	simm.s32 @!p1 $0x1;
	s30 =	sor.u32 @p1 $0x2800, s31;
	s31 =	simm.s32 @p1 $0x7000  }
0x49: {  	[spmem:s2] =	stream.indirect.scatter.add.f32 @p1 [tilespmem:s31], [sflag:$0x3], $0x80, s30, s29, $0xb8;
	[tilespmem:$0x1F000] =	vst v63  }
0x4a: {  	_ =	swait.ge @!p1 [sflag:s0], $0x4000  }
0x4b: {  	s29 =	simm.s32 @!p1 $0x7000;
	[sflag:s0] =	ssyncset.done @!p1 $0x0  }
0x4c: {  	s24 =	sshll.u32 @!p1 s24, $0x7;
	[sflag:s0] =	ssyncadd.s32 @!p1 $0xFFFFC000;
	s0 =	simm.s32 @!p1 $0x80  }
0x4d: {  	[tilespmem:s29], [sflag:$0x2] =	stream.indirect.gather @!p1 [hbm4b:s4+s0], $0x80, s22, s0, $0xb8;
	[tilespmem:$0x1F000] =	vst v63  }
.Ltmp0:
0x4e: {  	_ = 	snop;
	(pc) =	sbr.rel @p0 .LBB2_2-.Ltmp0, $4  }
0x4f: {  	s28 =	simm.s32 @p1 $0x3;
	s24 =	sor.u32 @!p1 $0x2800, s24;
	s29 =	simm.s32 @!p1 $0x3000  }
0x50: {  	[spmem:s2] =	stream.indirect.scatter.add.f32 @!p1 [tilespmem:s29], [sflag:$0x4], $0x80, s24, s0, $0xb8;
	[tilespmem:$0x1F000] =	vst v63  }
0x51: {  	s25 =	sadd.s32 $0x10, s25;
	_ =	swait.ge [sflag:s28], $0x4000  }
0x52: {  	s22 =	sadd.s32 $0x80, s22;
	s24 =	sand.u32 $0xF, s23;
	[sflag:s28] =	ssyncset.done $0x0  }
0x53: {  	p1 =	sne.s32 s24, $0x0;
	[sflag:s28] =	ssyncadd.s32 $0xFFFFC000  }
0x54: {  	s0 =	simm.s32 @!p1 $0x0;
	s26 =	simm.s32 @!p1 $0x2800;
	s28 =	simm.s32 @!p1 $0x4  }
0x55: {  	[tilespmem:s26], [sflag:$0x4] =	stream.linear.gather @!p1 [hbm4b:s25+s0], $0x800, $0x38;
	[tilespmem:$0x1F000] =	vst v63  }
0x56: {  	s31 =	sand.u32 $0x1, s23;
	_ =	swait.ge @!p1 [sflag:s28], $0x800  }
0x57: {  	p0 =	seq.s32 s31, $0x1;
	[sflag:s28] =	ssyncset.done @!p1 $0x0  }
0x58: {  	s0 =	simm.s32 @p0 $0x2;
	[sflag:s28] =	ssyncadd.s32 @!p1 $0xFFFFF800  }
0x59: {  	_ =	swait.ge @p0 [sflag:s0], $0x4000  }
0x5a: {  	s23 =	simm.s32 @p0 $0x3000;
	[sflag:s0] =	ssyncset.done @p0 $0x0  }
0x5b: {  	s25 =	sshll.u32 @p0 s24, $0x7;
	[sflag:s0] =	ssyncadd.s32 @p0 $0xFFFFC000;
	s0 =	simm.s32 @p0 $0x80  }
0x5c: {  	[tilespmem:s23], [sflag:$0x1] =	stream.indirect.gather @p0 [hbm4b:s4+s0], $0x80, s22, s0, $0xb8;
	[tilespmem:$0x1F000] =	vst v63  }
0x5d: {  	s26 =	simm.s32 @!p0 $0x1;
	s23 =	sor.u32 @p0 $0x2800, s25;
	s25 =	simm.s32 @p0 $0x7000  }
0x5e: {  	[spmem:s2] =	stream.indirect.scatter.add.f32 @p0 [tilespmem:s25], [sflag:$0x3], $0x80, s23, s0, $0xb8;
	[tilespmem:$0x1F000] =	vst v63  }
0x5f: {  	_ =	swait.ge @!p0 [sflag:s26], $0x4000  }
0x60: {  	s24 =	sshll.u32 @!p0 s24, $0x7;
	s0 =	simm.s32 @!p0 $0x4;
	[sflag:s26] =	ssyncset.done @!p0 $0x0  }
0x61: {  	s23 =	simm.s32 @!p0 $0x7000;
	s25 =	simm.s32 @!p0 $0x80;
	[sflag:s26] =	ssyncadd.s32 @!p0 $0xFFFFC000  }
0x62: {  	[tilespmem:s23], [sflag:$0x2] =	stream.indirect.gather @!p0 [hbm4b:s4+s25], $0x80, s22, s25, $0xb8;
	[tilespmem:$0x1F000] =	vst v63  }
0x63: {  	s0 =	simm.s32 @p0 $0x3;
	s22 =	sor.u32 @!p0 $0x2800, s24;
	s23 =	simm.s32 @!p0 $0x3000  }
0x64: {  	[spmem:s2] =	stream.indirect.scatter.add.f32 @!p0 [tilespmem:s23], [sflag:$0x4], $0x80, s22, s25, $0xb8;
	[tilespmem:$0x1F000] =	vst v63  }
0x65: {  	_ =	swait.ge [sflag:s0], $0x4000  }
0x66: {  	[sflag:s0] =	ssyncset.done $0x0  }
0x67: {  	[sflag:s0] =	ssyncadd.s32 $0xFFFFC000  }
0x68: {  	_ =	swait.ge [sflag:s19], $0x4000  }
0x69: {  	[sflag:s19] =	ssyncset.done $0x0  }
0x6a: {  	[sflag:s19] =	ssyncadd.s32 $0xFFFFC000  }
0x6b: {  	[spmem:s2] =	stream.indirect.scatter.add.f32 [tilespmem:s17], [sflag:$0x3], $0x80, s20, s15, $0xb8;
	[tilespmem:$0x1F000] =	vst v63  }
0x6c: {  	_ =	swait.ge [sflag:s13], $0x4000  }
0x6d: {  	s21 =	sadd.s32 $0x1, s21;
	[sflag:s13] =	ssyncset.done $0x0  }
0x6e: {  	p0 =	sne.s32 s21, s10;
	[sflag:s13] =	ssyncadd.s32 $0xFFFFC000  }
.Ltmp1:
0x6f: {  	[bflag:$0x0] =	sbarrier.arrive $0xFFFF;
	(pc) =	sbr.rel @p0 .LBB2_1-.Ltmp1, $4  }
0x70: {  	[hbm:s9], [sflag:s6] =	dma.local [spmem:s12], $0x2800  }
0x71: {  	_ =	swait.ge [sflag:s13], $0x2800  }
0x72: {  	[sflag:s13] =	ssyncset.done $0x0  }
0x73: {  	[sflag:s13] =	ssyncadd.s32 $0xFFFFD800  }
0x74: {  	_ =	sfence.sel $0x180000  }
0x75: {  	[bflag:$0x0] =	sbarrier.arrive $0xFFFF  }
0x76: {  	_ =	strace $0x9000004A  }
0x77: {  	[bflag:$0x2] =	sbarrier.arrive $0xFFFF  }
0x78: {  	p0 =	sne.s32 s1, $0x0;
	s0 =	rddreg [dreg:$0x3]  }
0x79: {  	s0 =	sadd.s32 @!p0 $0x100000, s0  }
0x7a: {  	[sflag:s0] =	ssyncadd.tile.s32 @!p0 $0x1;
	_ =	shalt  }
.Lfunc_end2:
_tile_overlayer_lowered:
.L_overlay_start_2:
0x7b: {  	(tag) =	ssettag $0x2  }
0x7c: {  	s0 =	rddreg [dreg:$0x0];
	s2 =	stileid.u32  }
0x7d: {  	s1 =	rddreg [dreg:$0x1];
	p0 =	sne.s32 s2, $0x0  }
0x7e: {  	s3 =	rddreg [dreg:$0x2];
	[bflag:$0x3] =	sbarrier.arrive $0xFFFF;
	s2 =	simm.s32 @!p0 $0x1C03  }
0x7f: {  	[timem:s3], [sflag:s2] =	dma.local @!p0 [hbm:s0], s1  }
0x80: {  	s0 =	simm.s32 @!p0 $0x3  }
0x81: {  	_ =	swait.ge @!p0 [sflag:s0], s1  }
0x82: {  	s1 =	ssub.s32 @!p0 $0x0, s1;
	[sflag:s0] =	ssyncset.done @!p0 $0x0  }
0x83: {  	[sflag:s0] =	ssyncadd.s32 @!p0 s1  }
0x84: {  	[bflag:$0x3] =	sbarrier.arrive $0xFFFF  }
0x85: {  	_ =	shalt  }

// kernel: kernel.18.cloned.1.call-start
scs
__scs_entry_jumppad:
0x0: {  	(pc) =	sbr.rel $0x88, $3  }
0x1: {  	(tag) =	ssettag $0x0;
	lr =	simm.s32 $0x1  }
0x2: {  	[smem:$0x3F9D] =	sst lr;
	_ =	strace $0xD0000000  }
0x3: {  	_ = 	snop  }
0x4: {  	_ = 	snop  }
0x5: {  	_ = 	snop  }
0x6: {  	_ = 	snop  }
0x7: {  	_ = 	snop  }
__scs_overlays_trampoline_lowered:
0x8: {  	[smem:$0x3FAC] =	sst s0  }
0x9: {  	[smem:$0x3FAD] =	sst s1  }
0xa: {  	[smem:$0x3FAE] =	sst s2  }
0xb: {  	[smem:$0x3FAF] =	sst s3  }
0xc: {  	[smem:$0x3FB0] =	sst s4  }
0xd: {  	[smem:$0x3FB1] =	sst s5  }
0xe: {  	[smem:$0x3FB2] =	sst s6  }
0xf: {  	[smem:$0x3FB3] =	sst s7  }
0x10: {  	[smem:$0x3FB4] =	sst s8  }
0x11: {  	[smem:$0x3FB5] =	sst s9;
	s0 =	simm.s32 @!p0 $0x0  }
0x12: {  	s1 =	sld [smem:$0x3F9B];
	s0 =	simm.s32 @p0 $0x1  }
0x13: {  	[smem:$0x3FB6] =	sst s0;
	s0 =	simm.s32 @!p1 $0x0  }
0x14: {  	s2 =	sld [smem:$0x3F9A];
	s0 =	simm.s32 @p1 $0x1  }
0x15: {  	[smem:$0x3FB7] =	sst s0;
	s0 =	simm.s32 @!p2 $0x0  }
0x16: {  	s3 =	sld [smem:$0x3FDB];
	s0 =	simm.s32 @p2 $0x1  }
0x17: {  	s4 =	simm.s32 $0x1BF5;
	[smem:$0x3FB9] =	sst s0  }
0x18: {  	s0 =	sld [smem:$0x3F9C];
	_ =	swait.ge [sflag:s4], $0x0  }
0x19: {  	s7 =	sld [smem:$0x3F9D]  }
0x1a: {  	s8 =	sadd.s32 $0xFFFFE003, lr  }
0x1b: {  	s9 =	sadd.s32 $0xFFFFFEF7, lr;
	s5 =	simm.s32 $0xFFFFFFFF;
	p2 =	slt.u32 s8, $0xFFFFF086  }
0x1c: {  	p1 =	slt.u32 s9, $0xF7A;
	s5 =	simm.s32 @!p2 $0x0  }
0x1d: {  	s5 =	simm.s32 @p1 $0x1;
	p0 =	seq.s32 s7, s2  }
0x1e: {  	s7 =	smul.u32 @!p0 $0xF7A, s2;
	p2 =	seq.s32 @!p0 s5, $0x0  }
0x1f: {  	s9 =	smul.u32 $0xF7A, s1;
	s8 =	simm.s32 @!p0 $0x1BF5;
	p2 =	por !p2, p0  }
0x20: {  	[sflag:s8] =	ssyncset.s32 @!p0 $0xFFFFF086;
	s6 =	sadd.s32 @!p0 s3, s7;
	s7 =	simm.s32 @!p0 $0x108  }
0x21: {  	s3 =	sadd.s32 s3, s9;
	s6 =	sadd.s32 @!p0 $0x88, s6;
	s7 =	simm.s32 @p2 $0x1082  }
0x22: {  	[simem:s7], [sflag:s8] =	dma.local @!p0 [hbm:s6], $0xF7A  }
0x23: {  	s9 =	sor.u32 $0xD0000000, s2;
	s6 =	simm.s32 $0x108;
	_ =	swait.ge @!p0 [sflag:s8], $0x0  }
0x24: {  	s3 =	sadd.s32 $0x88, s3;
	s6 =	simm.s32 @!p1 $0x1082;
	[sflag:s4] =	ssyncset.s32 $0xFFFFF086  }
0x25: {  	[simem:s6], [sflag:s4] =	dma.local [hbm:s3], $0xF7A  }
0x26: {  	[smem:$0x3F9D] =	sst s1;
	(tag) =	ssettag s2;
	_ =	strace s9  }
0x27: {  	s1 =	sld [smem:$0x3FAD]  }
0x28: {  	s2 =	sld [smem:$0x3FAE]  }
0x29: {  	s4 =	sld [smem:$0x3FB0]  }
0x2a: {  	p0 =	seq.s32 s5, $0x0;
	s5 =	sld [smem:$0x3FB1]  }
0x2b: {  	s6 =	sld [smem:$0x3FB2]  }
0x2c: {  	s7 =	sld [smem:$0x3FB3]  }
0x2d: {  	s3 =	simm.s32 $0x108;
	s8 =	sld [smem:$0x3FB4]  }
0x2e: {  	s3 =	simm.s32 @!p0 $0x1082;
	s9 =	sld [smem:$0x3FB5]  }
0x2f: {  	lr =	sadd.s32 s0, s3;
	s0 =	sld [smem:$0x3FAC]  }
0x30: {  	s3 =	sld [smem:$0x3FAF]  }
0x31: {  	[smem:$0x3FB8] =	sst s10  }
0x32: {  	s10 =	sld [smem:$0x3FB6];
	_ =	sdelay $0x3  }
0x33: {  	p0 =	seq.s32 s10, $0x1;
	s10 =	sld [smem:$0x3FB8];
	_ =	sdelay $0x3  }
0x34: {  	[smem:$0x3FB8] =	sst s10  }
0x35: {  	s10 =	sld [smem:$0x3FB7];
	_ =	sdelay $0x3  }
0x36: {  	p1 =	seq.s32 s10, $0x1;
	s10 =	sld [smem:$0x3FB8];
	_ =	sdelay $0x3  }
0x37: {  	[smem:$0x3FB8] =	sst s10  }
0x38: {  	s10 =	sld [smem:$0x3FB9]  }
0x39: {  	_ = 	snop;
	(pc) =	sbr.ind lr, $3  }
0x3a: {  	_ = 	snop  }
0x3b: {  	_ = 	snop  }
0x3c: {  	p2 =	seq.s32 s10, $0x1;
	s10 =	sld [smem:$0x3FB8]  }
0x3d: {  	_ =	shalt  }
0x3e: {  	_ =	shalt  }
0x3f: {  	_ =	shalt  }
0x40: {  	_ =	shalt  }
0x41: {  	_ =	shalt  }
0x42: {  	_ =	shalt  }
0x43: {  	_ =	shalt  }
0x44: {  	_ =	shalt  }
0x45: {  	_ =	shalt  }
0x46: {  	_ =	shalt  }
0x47: {  	_ =	shalt  }
0x48: {  	_ =	shalt  }
0x49: {  	_ =	shalt  }
0x4a: {  	_ =	shalt  }
0x4b: {  	_ =	shalt  }
0x4c: {  	_ =	shalt  }
0x4d: {  	_ =	shalt  }
0x4e: {  	_ =	shalt  }
0x4f: {  	_ =	shalt  }
0x50: {  	_ =	shalt  }
0x51: {  	_ =	shalt  }
0x52: {  	_ =	shalt  }
0x53: {  	_ =	shalt  }
0x54: {  	_ =	shalt  }
0x55: {  	_ =	shalt  }
0x56: {  	_ =	shalt  }
0x57: {  	_ =	shalt  }
0x58: {  	_ =	shalt  }
0x59: {  	_ =	shalt  }
0x5a: {  	_ =	shalt  }
0x5b: {  	_ =	shalt  }
0x5c: {  	_ =	shalt  }
0x5d: {  	_ =	shalt  }
0x5e: {  	_ =	shalt  }
0x5f: {  	_ =	shalt  }
0x60: {  	_ =	shalt  }
0x61: {  	_ =	shalt  }
0x62: {  	_ =	shalt  }
0x63: {  	_ =	shalt  }
0x64: {  	_ =	shalt  }
0x65: {  	_ =	shalt  }
0x66: {  	_ =	shalt  }
0x67: {  	_ =	shalt  }
0x68: {  	_ =	shalt  }
0x69: {  	_ =	shalt  }
0x6a: {  	_ =	shalt  }
0x6b: {  	_ =	shalt  }
0x6c: {  	_ =	shalt  }
0x6d: {  	_ =	shalt  }
0x6e: {  	_ =	shalt  }
0x6f: {  	_ =	shalt  }
0x70: {  	_ =	shalt  }
0x71: {  	_ =	shalt  }
0x72: {  	_ =	shalt  }
0x73: {  	_ =	shalt  }
0x74: {  	_ =	shalt  }
0x75: {  	_ =	shalt  }
0x76: {  	_ =	shalt  }
0x77: {  	_ =	shalt  }
0x78: {  	_ =	shalt  }
0x79: {  	_ =	shalt  }
0x7a: {  	_ =	shalt  }
0x7b: {  	_ =	shalt  }
0x7c: {  	_ =	shalt  }
0x7d: {  	_ =	shalt  }
0x7e: {  	_ =	shalt  }
0x7f: {  	_ =	shalt  }
0x80: {  	_ =	shalt  }
0x81: {  	_ =	shalt  }
0x82: {  	_ =	shalt  }
0x83: {  	_ =	shalt  }
0x84: {  	_ =	shalt  }
0x85: {  	_ =	shalt  }
0x86: {  	_ =	shalt  }
0x87: {  	_ =	shalt  }
.Lfunc_end0:
.L_simem_size_0:
called_computation.2_lowered:
.L_overlay_start_0:
0x88: {  	s2 =	sld [smem:$0x3FD9]  }
0x89: {  	s3 =	sld [smem:$0x3FFE];
	_ =	sdelay $0x1  }
0x8a: {  	s1 =	srdreg.scid  }
0x8b: {  	s0 =	sand.u32 $0x1, s1  }
0x8c: {  	s17 =	sshll.u32 s0, $0xA;
	s2 =	sadd.s32 s3, s2  }
0x8d: {  	s2 =	sadd.s32 s2, s17  }
0x8e: {  	[smem:$0x3FC4] =	sst s2  }
0x8f: {  	_ = 	snop  }
0x90: {  	s2 =	sld [smem:$0x3FD0];
	(tm) =	ssettm $0x1  }
0x91: {  	s18 =	sld [smem:$0x3FFB];
	_ =	sdelay $0x3  }
0x92: {  	_ =	strace s18  }
0x93: {  	s3 =	sld [smem:$0x3FFC];
	_ =	sdelay $0x3  }
0x94: {  	_ =	strace s3  }
0x95: {  	s3 =	sld [smem:$0x3FFD];
	_ =	sdelay $0x3  }
0x96: {  	_ =	strace s3  }
0x97: {  	_ =	strace $0x8FFFFFFF  }
0x98: {  	s19 =	sld [smem:$0x3FDB];
	_ =	sdelay $0x1  }
0x99: {  	s4 =	simm.s32 $_scs_section_size  }
0x9a: {  	s5 =	simm.s32 $_size__tile_overlayer_lowered;
	s6 =	simm.s32 $_tile_overlayer_lowered  }
0x9b: {  	s22 =	simm.s32 $0x1BFF;
	s21 =	sshll.u32 s6, $0x1;
	s3 =	sadd.s32 s4, s19  }
0x9c: {  	s7 =	simm.s32 $0x0;
	s20 =	sshll.u32 s5, $0x1;
	s5 =	sadd.s32 s21, s3  }
0x9d: {  	[timem:s7], [sflag:s22] =	dma.local [hbm:s5], s20  }
0x9e: {  	_ =	swait.ge [sflag:s22], s20  }
0x9f: {  	s4 =	ssub.s32 $0x0, s20;
	[sflag:s22] =	ssyncset.done $0x0  }
0xa0: {  	[sflag:s22] =	ssyncadd.s32 s4;
	_ =	sdelay $0x1  }
0xa1: {  	s23 =	simm.s32 $0x1B8B  }
0xa2: {  	_ =	swait.ge [sflag:s23], $0x1  }
0xa3: {  	[sflag:s23] =	ssyncset.done $0x0  }
0xa4: {  	s25 =	simm.s32 $0x1B8E;
	s24 =	sld [smem:$0x3FFE];
	[sflag:s23] =	ssyncadd.s32 $0xFFFFFFFF  }
0xa5: {  	s26 =	simm.s32 $execute0_lowered;
	[smem:$0x3FD2] =	sst s25  }
0xa6: {  	s5 =	sshll.u32 s26, $0x1;
	_ =	strace $0x8000004C;
	[dreg:$0x1] =	wrdreg $0xFFFFFFFF  }
0xa7: {  	s28 =	simm.s32 $_size_execute0_lowered;
	s3 =	sadd.s32 s3, s5;
	[dreg:$0x0] =	wrdreg $0x0  }
0xa8: {  	s5 =	sshll.u32 s28, $0x1;
	[dreg:$0x2] =	wrdreg s3  }
0xa9: {  	[dreg:$0x3] =	wrdreg s5  }
0xaa: {  	[dreg:$0x4] =	wrdreg $0xC0  }
0xab: {  	_ =	task [dreg:s7], $0x5FFFF  }
0xac: {  	[dreg:$0x1] =	wrdreg $0xFFFFFFFF  }
0xad: {  	[dreg:$0x0] =	wrdreg $0x60  }
0xae: {  	[dreg:$0x2] =	wrdreg s24  }
0xaf: {  	[dreg:$0x3] =	wrdreg s2  }
0xb0: {  	[dreg:$0x4] =	wrdreg $0xB0000  }
0xb1: {  	[dreg:$0x5] =	wrdreg $0x9  }
0xb2: {  	_ =	task.clear_ibuf [dreg:s7], $0x6FFFF;
	_ =	strace $0x9000004C  }
0xb3: {  	s29 =	simm.s32 $0x9;
	_ =	strace $0x8000004E  }
0xb4: {  	_ =	swait.ge [sflag:s29], $0x1  }
0xb5: {  	[sflag:s29] =	ssyncadd.s32 $0xFFFFFFFF  }
0xb6: {  	_ =	strace $0x9000004E  }
0xb7: {  	_ =	sfence  }
0xb8: {  	s30 =	sld [smem:$0x0];
	_ =	sdelay $0x2  }
0xb9: {  	s31 =	sshll.u32 s1, $0xD;
	s1 =	sshrl.u32 s1, $0x2  }
0xba: {  	s3 =	sand.u32 $0x4000, s31;
	s1 =	sadd.s32 s1, s30  }
0xbb: {  	s0 =	sor.u32 s3, s0;
	s1 =	sshll.u32 s1, $0x11  }
0xbc: {  	s0 =	sor.u32 s1, s0  }
0xbd: {  	s0 =	sadd.s32 $0x8F2B, s0  }
0xbe: {  	[sflag:s0] =	ssyncadd.remote.s32 $0x1  }
0xbf: {  	_ =	sfence.sel $0xFFFF  }
0xc0: {  	[dreg:$0x0] =	wrdreg $0xFFFFFFFF;
	(pc) =	sbr.abs _section_cstart, $3  }
0xc1: {  	[dreg:$0x1] =	wrdreg $0xFFFFFFFF  }
0xc2: {  	_ =	task.clear_ibuf [dreg:s7], $0x2FFFF;
	_ =	strace $0x9FFFFFFF  }
0xc3: {  	(tm) =	ssettm $0x7FFFFFFF  }
tec
execute0_lowered:
.L_overlay_start_1:
0x0: {  	(tag) =	ssettag $0x1  }
0x1: {  	s5 =	rddreg [dreg:$0x0]  }
0x2: {  	s7 =	rddreg [dreg:$0x1]  }
0x3: {  	s2 =	rddreg [dreg:$0x2]  }
0x4: {  	s3 =	simm.s32 $0x0;
	s1 =	stileid.u32;
	s4 =	srdreg.scid  }
0x5: {  	s16 =	simm.s32 $0x3000;
	s17 =	simm.s32 $0x7000;
	s18 =	simm.s32 $0x4  }
0x6: {  	s19 =	simm.s32 $0x2;
	s20 =	simm.s32 $0x2F80;
	s21 =	simm.s32 $0x0  }
0x7: {  	[smem:$0x7FF] =	sst s3;
	s6 =	smul.u32 $0x14000, s1;
	s8 =	sand.u32 $0x1, s4  }
0x8: {  	s4 =	sadd.s32 $0x34A00, s5;
	s11 =	sadd.s32 $0x2A00, s5;
	s25 =	smul.u32 $0x50000, s1  }
0x9: {  	s12 =	sshll.u32 s1, $0x1;
	s28 =	smul.u32 $0x5000, s1;
	s29 =	sshll.u32 s1, $0x6  }
0xa: {  	_ =	strace $0x8000004D;
	s9 =	smul.u32 $0x140000, s8;
	s12 =	sor.u32 s8, s12  }
0xb: {  	s26 =	ssub.s32 $0x2, s8;
	s8 =	smul.u32 $0x2800, s8;
	s10 =	sshrl.u32 s6, $0x3  }
0xc: {  	s12 =	smul.u32 $0x2800, s12;
	s14 =	sshrl.u32 s26, $0x1;
	s6 =	sadd.s32 s6, s9  }
0xd: {  	s10 =	sadd.s32 s10, s5;
	s9 =	sshrl.u32 s25, $0x2;
	s14 =	ssub.s32 s26, s14  }
0xe: {  	s8 =	sadd.s32 s8, s28;
	s6 =	sshrl.u32 s6, $0x3;
	s15 =	sadd.s32 s9, s2  }
0xf: {  	s30 =	sshrl.u32 s12, $0x3;
	s31 =	sor.u32 $0x80, s8;
	s13 =	sadd.s32 s6, s5  }
0x10: {  	s5 =	sadd.s32 $0xCA00, s10;
	s6 =	sor.u32 $0x1C03, s29;
	s7 =	sadd.s32 s7, s30  }
0x11: {  	s8 =	sadd.s32 s11, s30;
	s12 =	sshrl.u32 s31, $0x3;
	s10 =	smax.u32 s14, $0x1  }
0x12: {  	s14 =	simm.s32 $0x2800;
	s9 =	sadd.s32 $0x5CA00, s13;
	s11 =	sadd.s32 s12, s11  }
0x13: {  	s12 =	sshrl.u32 s15, $0x3;
	s13 =	simm.s32 $0x3;
	s15 =	simm.s32 $0x80  }
.LBB2_1:
0x14: {  	[spmem:s12], [sflag:s6] =	dma.local [hbm:s5], $0x2800  }
0x15: {  	_ =	swait.ge [sflag:s13], $0x2800  }
0x16: {  	[sflag:s13] =	ssyncset.done $0x0  }
0x17: {  	[sflag:s13] =	ssyncadd.s32 $0xFFFFD800  }
0x18: {  	[tilespmem:s3], [sflag:$0x3] =	stream.linear.gather [hbm4b:s7+s3], $0x2800, $0x38;
	[tilespmem:$0x1F000] =	vst v63  }
0x19: {  	_ =	swait.ge [sflag:s13], $0x2800  }
0x1a: {  	[sflag:s13] =	ssyncset.done $0x0  }
0x1b: {  	[sflag:s13] =	ssyncadd.s32 $0xFFFFD800  }
0x1c: {  	[tilespmem:s14], [sflag:$0x3] =	stream.linear.gather [hbm4b:s8+s3], $0x800, $0x38;
	[tilespmem:$0x1F000] =	vst v63  }
0x1d: {  	_ =	swait.ge [sflag:s13], $0x800  }
0x1e: {  	[sflag:s13] =	ssyncset.done $0x0  }
0x1f: {  	[sflag:s13] =	ssyncadd.s32 $0xFFFFF800  }
0x20: {  	s22 =	simm.s32 $0x1;
	[bflag:$0x0] =	sbarrier.arrive $0xFFFF  }
0x21: {  	[tilespmem:s16], [sflag:$0x1] =	stream.indirect.gather [hbm4b:s4+s15], $0x80, s3, s15, $0xb8;
	[tilespmem:$0x1F000] =	vst v63  }
0x22: {  	_ =	swait.ge [sflag:s22], $0x4000  }
0x23: {  	[sflag:s22] =	ssyncset.done $0x0  }
0x24: {  	[sflag:s22] =	ssyncadd.s32 $0xFFFFC000  }
0x25: {  	[tilespmem:s17], [sflag:$0x2] =	stream.indirect.gather [hbm4b:s4+s15], $0x80, s15, s15, $0xb8;
	[tilespmem:$0x1F000] =	vst v63  }
0x26: {  	s24 =	sand.u32 $0xF, s22  }
0x27: {  	[spmem:s2] =	stream.indirect.scatter.add.f32 [tilespmem:s16], [sflag:$0x4], $0x80, s14, s15, $0xb8;
	[tilespmem:$0x1F000] =	vst v63  }
0x28: {  	p1 =	sne.s32 s24, $0x0;
	_ =	swait.ge [sflag:s18], $0x4000  }
0x29: {  	s23 =	simm.s32 @!p1 $0x0;
	[sflag:s18] =	ssyncset.done $0x0  }
0x2a: {  	s25 =	simm.s32 @!p1 $0x2800;
	s26 =	simm.s32 @!p1 $0x4;
	[sflag:s18] =	ssyncadd.s32 $0xFFFFC000  }
0x2b: {  	[tilespmem:s25], [sflag:$0x4] =	stream.linear.gather @!p1 [hbm4b:s11+s23], $0x800, $0x38;
	[tilespmem:$0x1F000] =	vst v63  }
0x2c: {  	s22 =	sand.u32 $0x1, s22;
	_ =	swait.ge @!p1 [sflag:s26], $0x800  }
0x2d: {  	p0 =	seq.s32 s22, $0x1;
	[sflag:s26] =	ssyncset.done @!p1 $0x0  }
0x2e: {  	s22 =	simm.s32 @p0 $0x2;
	[sflag:s26] =	ssyncadd.s32 @!p1 $0xFFFFF800  }
0x2f: {  	_ =	swait.ge @p0 [sflag:s22], $0x4000  }
0x30: {  	s25 =	simm.s32 $0x100;
	s23 =	simm.s32 @p0 $0x3000;
	[sflag:s22] =	ssyncset.done @p0 $0x0  }
0x31: {  	s26 =	sshll.u32 @p0 s24, $0x7;
	[sflag:s22] =	ssyncadd.s32 @p0 $0xFFFFC000;
	s22 =	simm.s32 @p0 $0x80  }
0x32: {  	[tilespmem:s23], [sflag:$0x1] =	stream.indirect.gather @p0 [hbm4b:s4+s22], $0x80, s25, s22, $0xb8;
	[tilespmem:$0x1F000] =	vst v63  }
0x33: {  	s29 =	simm.s32 @!p0 $0x1;
	s23 =	sor.u32 @p0 $0x2800, s26;
	s26 =	simm.s32 @p0 $0x7000  }
0x34: {  	[spmem:s2] =	stream.indirect.scatter.add.f32 @p0 [tilespmem:s26], [sflag:$0x3], $0x80, s23, s22, $0xb8;
	[tilespmem:$0x1F000] =	vst v63  }
0x35: {  	s28 =	simm.s32 @!p0 $0x4;
	_ =	swait.ge @!p0 [sflag:s29], $0x4000  }
0x36: {  	s28 =	simm.s32 @p0 $0x3;
	s24 =	sshll.u32 @!p0 s24, $0x7;
	[sflag:s29] =	ssyncset.done @!p0 $0x0  }
0x37: {  	s22 =	simm.s32 @!p0 $0x7000;
	s26 =	simm.s32 @!p0 $0x80;
	[sflag:s29] =	ssyncadd.s32 @!p0 $0xFFFFC000  }
0x38: {  	[tilespmem:s22], [sflag:$0x2] =	stream.indirect.gather @!p0 [hbm4b:s4+s26], $0x80, s25, s26, $0xb8;
	[tilespmem:$0x1F000] =	vst v63  }
0x39: {  	s23 =	simm.s32 $0x2;
	s22 =	sor.u32 @!p0 $0x2800, s24;
	s24 =	simm.s32 @!p0 $0x3000  }
0x3a: {  	[spmem:s2] =	stream.indirect.scatter.add.f32 @!p0 [tilespmem:s24], [sflag:$0x4], $0x80, s22, s26, $0xb8;
	[tilespmem:$0x1F000] =	vst v63  }
0x3b: {  	s25 =	sadd.s32 $0x10, s11;
	s26 =	simm.s32 $0x3;
	_ =	swait.ge [sflag:s28], $0x4000  }
0x3c: {  	s24 =	sand.u32 $0xF, s23;
	s22 =	simm.s32 $0x180;
	[sflag:s28] =	ssyncset.done $0x0  }
.LBB2_2:
0x3d: {  	p2 =	sne.s32 s24, $0x0  }
0x3e: {  	[sflag:s28] =	ssyncadd.s32 $0xFFFFC000;
	s28 =	smov.u32 s26;
	s26 =	sadd.s32 $0x1, s26  }
0x3f: {  	s29 =	simm.s32 @!p2 $0x0;
	s30 =	simm.s32 @!p2 $0x2800;
	s31 =	simm.s32 @!p2 $0x4  }
0x40: {  	[tilespmem:s30], [sflag:$0x4] =	stream.linear.gather @!p2 [hbm4b:s25+s29], $0x800, $0x38;
	[tilespmem:$0x1F000] =	vst v63  }
0x41: {  	s23 =	sand.u32 $0x1, s23;
	p0 =	sne.s32 s26, $0x4F;
	_ =	swait.ge @!p2 [sflag:s31], $0x800  }
0x42: {  	p1 =	seq.s32 s23, $0x1;
	s23 =	smov.u32 s28;
	[sflag:s31] =	ssyncset.done @!p2 $0x0  }
0x43: {  	s29 =	simm.s32 @p1 $0x2;
	s28 =	simm.s32 @!p1 $0x4;
	[sflag:s31] =	ssyncadd.s32 @!p2 $0xFFFFF800  }
0x44: {  	_ =	swait.ge @p1 [sflag:s29], $0x4000  }
0x45: {  	s30 =	simm.s32 @p1 $0x3000;
	[sflag:s29] =	ssyncset.done @p1 $0x0  }
0x46: {  	s31 =	sshll.u32 @p1 s24, $0x7;
	[sflag:s29] =	ssyncadd.s32 @p1 $0xFFFFC000;
	s29 =	simm.s32 @p1 $0x80  }
0x47: {  	[tilespmem:s30], [sflag:$0x1] =	stream.indirect.gather @p1 [hbm4b:s4+s29], $0x80, s22, s29, $0xb8;
	[tilespmem:$0x1F000] =	vst v63  }
0x48: {  	s0 =	simm.s32 @!p1 $0x1;
	s30 =	sor.u32 @p1 $0x2800, s31;
	s31 =	simm.s32 @p1 $0x7000  }
0x49: {  	[spmem:s2] =	stream.indirect.scatter.add.f32 @p1 [tilespmem:s31], [sflag:$0x3], $0x80, s30, s29, $0xb8;
	[tilespmem:$0x1F000] =	vst v63  }
0x4a: {  	_ =	swait.ge @!p1 [sflag:s0], $0x4000  }
0x4b: {  	s29 =	simm.s32 @!p1 $0x7000;
	[sflag:s0] =	ssyncset.done @!p1 $0x0  }
0x4c: {  	s24 =	sshll.u32 @!p1 s24, $0x7;
	[sflag:s0] =	ssyncadd.s32 @!p1 $0xFFFFC000;
	s0 =	simm.s32 @!p1 $0x80  }
0x4d: {  	[tilespmem:s29], [sflag:$0x2] =	stream.indirect.gather @!p1 [hbm4b:s4+s0], $0x80, s22, s0, $0xb8;
	[tilespmem:$0x1F000] =	vst v63  }
.Ltmp0:
0x4e: {  	_ = 	snop;
	(pc) =	sbr.rel @p0 .LBB2_2-.Ltmp0, $4  }
0x4f: {  	s28 =	simm.s32 @p1 $0x3;
	s24 =	sor.u32 @!p1 $0x2800, s24;
	s29 =	simm.s32 @!p1 $0x3000  }
0x50: {  	[spmem:s2] =	stream.indirect.scatter.add.f32 @!p1 [tilespmem:s29], [sflag:$0x4], $0x80, s24, s0, $0xb8;
	[tilespmem:$0x1F000] =	vst v63  }
0x51: {  	s25 =	sadd.s32 $0x10, s25;
	_ =	swait.ge [sflag:s28], $0x4000  }
0x52: {  	s22 =	sadd.s32 $0x80, s22;
	s24 =	sand.u32 $0xF, s23;
	[sflag:s28] =	ssyncset.done $0x0  }
0x53: {  	p1 =	sne.s32 s24, $0x0;
	[sflag:s28] =	ssyncadd.s32 $0xFFFFC000  }
0x54: {  	s0 =	simm.s32 @!p1 $0x0;
	s26 =	simm.s32 @!p1 $0x2800;
	s28 =	simm.s32 @!p1 $0x4  }
0x55: {  	[tilespmem:s26], [sflag:$0x4] =	stream.linear.gather @!p1 [hbm4b:s25+s0], $0x800, $0x38;
	[tilespmem:$0x1F000] =	vst v63  }
0x56: {  	s31 =	sand.u32 $0x1, s23;
	_ =	swait.ge @!p1 [sflag:s28], $0x800  }
0x57: {  	p0 =	seq.s32 s31, $0x1;
	[sflag:s28] =	ssyncset.done @!p1 $0x0  }
0x58: {  	s0 =	simm.s32 @p0 $0x2;
	[sflag:s28] =	ssyncadd.s32 @!p1 $0xFFFFF800  }
0x59: {  	_ =	swait.ge @p0 [sflag:s0], $0x4000  }
0x5a: {  	s23 =	simm.s32 @p0 $0x3000;
	[sflag:s0] =	ssyncset.done @p0 $0x0  }
0x5b: {  	s25 =	sshll.u32 @p0 s24, $0x7;
	[sflag:s0] =	ssyncadd.s32 @p0 $0xFFFFC000;
	s0 =	simm.s32 @p0 $0x80  }
0x5c: {  	[tilespmem:s23], [sflag:$0x1] =	stream.indirect.gather @p0 [hbm4b:s4+s0], $0x80, s22, s0, $0xb8;
	[tilespmem:$0x1F000] =	vst v63  }
0x5d: {  	s26 =	simm.s32 @!p0 $0x1;
	s23 =	sor.u32 @p0 $0x2800, s25;
	s25 =	simm.s32 @p0 $0x7000  }
0x5e: {  	[spmem:s2] =	stream.indirect.scatter.add.f32 @p0 [tilespmem:s25], [sflag:$0x3], $0x80, s23, s0, $0xb8;
	[tilespmem:$0x1F000] =	vst v63  }
0x5f: {  	_ =	swait.ge @!p0 [sflag:s26], $0x4000  }
0x60: {  	s24 =	sshll.u32 @!p0 s24, $0x7;
	s0 =	simm.s32 @!p0 $0x4;
	[sflag:s26] =	ssyncset.done @!p0 $0x0  }
0x61: {  	s23 =	simm.s32 @!p0 $0x7000;
	s25 =	simm.s32 @!p0 $0x80;
	[sflag:s26] =	ssyncadd.s32 @!p0 $0xFFFFC000  }
0x62: {  	[tilespmem:s23], [sflag:$0x2] =	stream.indirect.gather @!p0 [hbm4b:s4+s25], $0x80, s22, s25, $0xb8;
	[tilespmem:$0x1F000] =	vst v63  }
0x63: {  	s0 =	simm.s32 @p0 $0x3;
	s22 =	sor.u32 @!p0 $0x2800, s24;
	s23 =	simm.s32 @!p0 $0x3000  }
0x64: {  	[spmem:s2] =	stream.indirect.scatter.add.f32 @!p0 [tilespmem:s23], [sflag:$0x4], $0x80, s22, s25, $0xb8;
	[tilespmem:$0x1F000] =	vst v63  }
0x65: {  	_ =	swait.ge [sflag:s0], $0x4000  }
0x66: {  	[sflag:s0] =	ssyncset.done $0x0  }
0x67: {  	[sflag:s0] =	ssyncadd.s32 $0xFFFFC000  }
0x68: {  	_ =	swait.ge [sflag:s19], $0x4000  }
0x69: {  	[sflag:s19] =	ssyncset.done $0x0  }
0x6a: {  	[sflag:s19] =	ssyncadd.s32 $0xFFFFC000  }
0x6b: {  	[spmem:s2] =	stream.indirect.scatter.add.f32 [tilespmem:s17], [sflag:$0x3], $0x80, s20, s15, $0xb8;
	[tilespmem:$0x1F000] =	vst v63  }
0x6c: {  	_ =	swait.ge [sflag:s13], $0x4000  }
0x6d: {  	s21 =	sadd.s32 $0x1, s21;
	[sflag:s13] =	ssyncset.done $0x0  }
0x6e: {  	p0 =	sne.s32 s21, s10;
	[sflag:s13] =	ssyncadd.s32 $0xFFFFC000  }
.Ltmp1:
0x6f: {  	[bflag:$0x0] =	sbarrier.arrive $0xFFFF;
	(pc) =	sbr.rel @p0 .LBB2_1-.Ltmp1, $4  }
0x70: {  	[hbm:s9], [sflag:s6] =	dma.local [spmem:s12], $0x2800  }
0x71: {  	_ =	swait.ge [sflag:s13], $0x2800  }
0x72: {  	[sflag:s13] =	ssyncset.done $0x0  }
0x73: {  	[sflag:s13] =	ssyncadd.s32 $0xFFFFD800  }
0x74: {  	_ =	sfence.sel $0x180000  }
0x75: {  	[bflag:$0x0] =	sbarrier.arrive $0xFFFF  }
0x76: {  	_ =	strace $0x9000004D  }
0x77: {  	[bflag:$0x2] =	sbarrier.arrive $0xFFFF  }
0x78: {  	p0 =	sne.s32 s1, $0x0;
	s0 =	rddreg [dreg:$0x3]  }
0x79: {  	s0 =	sadd.s32 @!p0 $0x100000, s0  }
0x7a: {  	[sflag:s0] =	ssyncadd.tile.s32 @!p0 $0x1;
	_ =	shalt  }
.Lfunc_end2:
_tile_overlayer_lowered:
.L_overlay_start_2:
0x7b: {  	(tag) =	ssettag $0x2  }
0x7c: {  	s0 =	rddreg [dreg:$0x0];
	s2 =	stileid.u32  }
0x7d: {  	s1 =	rddreg [dreg:$0x1];
	p0 =	sne.s32 s2, $0x0  }
0x7e: {  	s3 =	rddreg [dreg:$0x2];
	[bflag:$0x3] =	sbarrier.arrive $0xFFFF;
	s2 =	simm.s32 @!p0 $0x1C03  }
0x7f: {  	[timem:s3], [sflag:s2] =	dma.local @!p0 [hbm:s0], s1  }
0x80: {  	s0 =	simm.s32 @!p0 $0x3  }
0x81: {  	_ =	swait.ge @!p0 [sflag:s0], s1  }
0x82: {  	s1 =	ssub.s32 @!p0 $0x0, s1;
	[sflag:s0] =	ssyncset.done @!p0 $0x0  }
0x83: {  	[sflag:s0] =	ssyncadd.s32 @!p0 s1  }
0x84: {  	[bflag:$0x3] =	sbarrier.arrive $0xFFFF  }
0x85: {  	_ =	shalt  }

// kernel: kernel.21.cloned.1.call-start
scs
__scs_entry_jumppad:
0x0: {  	(pc) =	sbr.rel $0x88, $3  }
0x1: {  	(tag) =	ssettag $0x0;
	lr =	simm.s32 $0x1  }
0x2: {  	[smem:$0x3F9D] =	sst lr;
	_ =	strace $0xD0000000  }
0x3: {  	_ = 	snop  }
0x4: {  	_ = 	snop  }
0x5: {  	_ = 	snop  }
0x6: {  	_ = 	snop  }
0x7: {  	_ = 	snop  }
__scs_overlays_trampoline_lowered:
0x8: {  	[smem:$0x3FAC] =	sst s0  }
0x9: {  	[smem:$0x3FAD] =	sst s1  }
0xa: {  	[smem:$0x3FAE] =	sst s2  }
0xb: {  	[smem:$0x3FAF] =	sst s3  }
0xc: {  	[smem:$0x3FB0] =	sst s4  }
0xd: {  	[smem:$0x3FB1] =	sst s5  }
0xe: {  	[smem:$0x3FB2] =	sst s6  }
0xf: {  	[smem:$0x3FB3] =	sst s7  }
0x10: {  	[smem:$0x3FB4] =	sst s8  }
0x11: {  	[smem:$0x3FB5] =	sst s9;
	s0 =	simm.s32 @!p0 $0x0  }
0x12: {  	s1 =	sld [smem:$0x3F9B];
	s0 =	simm.s32 @p0 $0x1  }
0x13: {  	[smem:$0x3FB6] =	sst s0;
	s0 =	simm.s32 @!p1 $0x0  }
0x14: {  	s2 =	sld [smem:$0x3F9A];
	s0 =	simm.s32 @p1 $0x1  }
0x15: {  	[smem:$0x3FB7] =	sst s0;
	s0 =	simm.s32 @!p2 $0x0  }
0x16: {  	s3 =	sld [smem:$0x3FDB];
	s0 =	simm.s32 @p2 $0x1  }
0x17: {  	s4 =	simm.s32 $0x1BF5;
	[smem:$0x3FB9] =	sst s0  }
0x18: {  	s0 =	sld [smem:$0x3F9C];
	_ =	swait.ge [sflag:s4], $0x0  }
0x19: {  	s7 =	sld [smem:$0x3F9D]  }
0x1a: {  	s8 =	sadd.s32 $0xFFFFE003, lr  }
0x1b: {  	s9 =	sadd.s32 $0xFFFFFEF7, lr;
	s5 =	simm.s32 $0xFFFFFFFF;
	p2 =	slt.u32 s8, $0xFFFFF086  }
0x1c: {  	p1 =	slt.u32 s9, $0xF7A;
	s5 =	simm.s32 @!p2 $0x0  }
0x1d: {  	s5 =	simm.s32 @p1 $0x1;
	p0 =	seq.s32 s7, s2  }
0x1e: {  	s7 =	smul.u32 @!p0 $0xF7A, s2;
	p2 =	seq.s32 @!p0 s5, $0x0  }
0x1f: {  	s9 =	smul.u32 $0xF7A, s1;
	s8 =	simm.s32 @!p0 $0x1BF5;
	p2 =	por !p2, p0  }
0x20: {  	[sflag:s8] =	ssyncset.s32 @!p0 $0xFFFFF086;
	s6 =	sadd.s32 @!p0 s3, s7;
	s7 =	simm.s32 @!p0 $0x108  }
0x21: {  	s3 =	sadd.s32 s3, s9;
	s6 =	sadd.s32 @!p0 $0x88, s6;
	s7 =	simm.s32 @p2 $0x1082  }
0x22: {  	[simem:s7], [sflag:s8] =	dma.local @!p0 [hbm:s6], $0xF7A  }
0x23: {  	s9 =	sor.u32 $0xD0000000, s2;
	s6 =	simm.s32 $0x108;
	_ =	swait.ge @!p0 [sflag:s8], $0x0  }
0x24: {  	s3 =	sadd.s32 $0x88, s3;
	s6 =	simm.s32 @!p1 $0x1082;
	[sflag:s4] =	ssyncset.s32 $0xFFFFF086  }
0x25: {  	[simem:s6], [sflag:s4] =	dma.local [hbm:s3], $0xF7A  }
0x26: {  	[smem:$0x3F9D] =	sst s1;
	(tag) =	ssettag s2;
	_ =	strace s9  }
0x27: {  	s1 =	sld [smem:$0x3FAD]  }
0x28: {  	s2 =	sld [smem:$0x3FAE]  }
0x29: {  	s4 =	sld [smem:$0x3FB0]  }
0x2a: {  	p0 =	seq.s32 s5, $0x0;
	s5 =	sld [smem:$0x3FB1]  }
0x2b: {  	s6 =	sld [smem:$0x3FB2]  }
0x2c: {  	s7 =	sld [smem:$0x3FB3]  }
0x2d: {  	s3 =	simm.s32 $0x108;
	s8 =	sld [smem:$0x3FB4]  }
0x2e: {  	s3 =	simm.s32 @!p0 $0x1082;
	s9 =	sld [smem:$0x3FB5]  }
0x2f: {  	lr =	sadd.s32 s0, s3;
	s0 =	sld [smem:$0x3FAC]  }
0x30: {  	s3 =	sld [smem:$0x3FAF]  }
0x31: {  	[smem:$0x3FB8] =	sst s10  }
0x32: {  	s10 =	sld [smem:$0x3FB6];
	_ =	sdelay $0x3  }
0x33: {  	p0 =	seq.s32 s10, $0x1;
	s10 =	sld [smem:$0x3FB8];
	_ =	sdelay $0x3  }
0x34: {  	[smem:$0x3FB8] =	sst s10  }
0x35: {  	s10 =	sld [smem:$0x3FB7];
	_ =	sdelay $0x3  }
0x36: {  	p1 =	seq.s32 s10, $0x1;
	s10 =	sld [smem:$0x3FB8];
	_ =	sdelay $0x3  }
0x37: {  	[smem:$0x3FB8] =	sst s10  }
0x38: {  	s10 =	sld [smem:$0x3FB9]  }
0x39: {  	_ = 	snop;
	(pc) =	sbr.ind lr, $3  }
0x3a: {  	_ = 	snop  }
0x3b: {  	_ = 	snop  }
0x3c: {  	p2 =	seq.s32 s10, $0x1;
	s10 =	sld [smem:$0x3FB8]  }
0x3d: {  	_ =	shalt  }
0x3e: {  	_ =	shalt  }
0x3f: {  	_ =	shalt  }
0x40: {  	_ =	shalt  }
0x41: {  	_ =	shalt  }
0x42: {  	_ =	shalt  }
0x43: {  	_ =	shalt  }
0x44: {  	_ =	shalt  }
0x45: {  	_ =	shalt  }
0x46: {  	_ =	shalt  }
0x47: {  	_ =	shalt  }
0x48: {  	_ =	shalt  }
0x49: {  	_ =	shalt  }
0x4a: {  	_ =	shalt  }
0x4b: {  	_ =	shalt  }
0x4c: {  	_ =	shalt  }
0x4d: {  	_ =	shalt  }
0x4e: {  	_ =	shalt  }
0x4f: {  	_ =	shalt  }
0x50: {  	_ =	shalt  }
0x51: {  	_ =	shalt  }
0x52: {  	_ =	shalt  }
0x53: {  	_ =	shalt  }
0x54: {  	_ =	shalt  }
0x55: {  	_ =	shalt  }
0x56: {  	_ =	shalt  }
0x57: {  	_ =	shalt  }
0x58: {  	_ =	shalt  }
0x59: {  	_ =	shalt  }
0x5a: {  	_ =	shalt  }
0x5b: {  	_ =	shalt  }
0x5c: {  	_ =	shalt  }
0x5d: {  	_ =	shalt  }
0x5e: {  	_ =	shalt  }
0x5f: {  	_ =	shalt  }
0x60: {  	_ =	shalt  }
0x61: {  	_ =	shalt  }
0x62: {  	_ =	shalt  }
0x63: {  	_ =	shalt  }
0x64: {  	_ =	shalt  }
0x65: {  	_ =	shalt  }
0x66: {  	_ =	shalt  }
0x67: {  	_ =	shalt  }
0x68: {  	_ =	shalt  }
0x69: {  	_ =	shalt  }
0x6a: {  	_ =	shalt  }
0x6b: {  	_ =	shalt  }
0x6c: {  	_ =	shalt  }
0x6d: {  	_ =	shalt  }
0x6e: {  	_ =	shalt  }
0x6f: {  	_ =	shalt  }
0x70: {  	_ =	shalt  }
0x71: {  	_ =	shalt  }
0x72: {  	_ =	shalt  }
0x73: {  	_ =	shalt  }
0x74: {  	_ =	shalt  }
0x75: {  	_ =	shalt  }
0x76: {  	_ =	shalt  }
0x77: {  	_ =	shalt  }
0x78: {  	_ =	shalt  }
0x79: {  	_ =	shalt  }
0x7a: {  	_ =	shalt  }
0x7b: {  	_ =	shalt  }
0x7c: {  	_ =	shalt  }
0x7d: {  	_ =	shalt  }
0x7e: {  	_ =	shalt  }
0x7f: {  	_ =	shalt  }
0x80: {  	_ =	shalt  }
0x81: {  	_ =	shalt  }
0x82: {  	_ =	shalt  }
0x83: {  	_ =	shalt  }
0x84: {  	_ =	shalt  }
0x85: {  	_ =	shalt  }
0x86: {  	_ =	shalt  }
0x87: {  	_ =	shalt  }
.Lfunc_end0:
.L_simem_size_0:
called_computation.3_lowered:
.L_overlay_start_0:
0x88: {  	s2 =	sld [smem:$0x3FD9]  }
0x89: {  	s3 =	sld [smem:$0x3FFE];
	_ =	sdelay $0x1  }
0x8a: {  	s1 =	srdreg.scid  }
0x8b: {  	s0 =	sand.u32 $0x1, s1  }
0x8c: {  	s17 =	sshll.u32 s0, $0xA;
	s2 =	sadd.s32 s3, s2  }
0x8d: {  	s2 =	sadd.s32 s2, s17  }
0x8e: {  	[smem:$0x3FC4] =	sst s2  }
0x8f: {  	_ = 	snop  }
0x90: {  	s2 =	sld [smem:$0x3FD0];
	(tm) =	ssettm $0x1  }
0x91: {  	s18 =	sld [smem:$0x3FFB];
	_ =	sdelay $0x3  }
0x92: {  	_ =	strace s18  }
0x93: {  	s3 =	sld [smem:$0x3FFC];
	_ =	sdelay $0x3  }
0x94: {  	_ =	strace s3  }
0x95: {  	s3 =	sld [smem:$0x3FFD];
	_ =	sdelay $0x3  }
0x96: {  	_ =	strace s3  }
0x97: {  	_ =	strace $0x8FFFFFFF  }
0x98: {  	s19 =	sld [smem:$0x3FDB];
	_ =	sdelay $0x1  }
0x99: {  	s4 =	simm.s32 $_scs_section_size  }
0x9a: {  	s5 =	simm.s32 $_size__tile_overlayer_lowered;
	s6 =	simm.s32 $_tile_overlayer_lowered  }
0x9b: {  	s22 =	simm.s32 $0x1BFF;
	s21 =	sshll.u32 s6, $0x1;
	s3 =	sadd.s32 s4, s19  }
0x9c: {  	s7 =	simm.s32 $0x0;
	s20 =	sshll.u32 s5, $0x1;
	s5 =	sadd.s32 s21, s3  }
0x9d: {  	[timem:s7], [sflag:s22] =	dma.local [hbm:s5], s20  }
0x9e: {  	_ =	swait.ge [sflag:s22], s20  }
0x9f: {  	s4 =	ssub.s32 $0x0, s20;
	[sflag:s22] =	ssyncset.done $0x0  }
0xa0: {  	[sflag:s22] =	ssyncadd.s32 s4;
	_ =	sdelay $0x1  }
0xa1: {  	s23 =	simm.s32 $0x1B8B  }
0xa2: {  	_ =	swait.ge [sflag:s23], $0x1  }
0xa3: {  	[sflag:s23] =	ssyncset.done $0x0  }
0xa4: {  	s25 =	simm.s32 $0x1B8E;
	s24 =	sld [smem:$0x3FFE];
	[sflag:s23] =	ssyncadd.s32 $0xFFFFFFFF  }
0xa5: {  	s26 =	simm.s32 $execute0_lowered;
	[smem:$0x3FD2] =	sst s25  }
0xa6: {  	s5 =	sshll.u32 s26, $0x1;
	_ =	strace $0x8000004F;
	[dreg:$0x1] =	wrdreg $0xFFFFFFFF  }
0xa7: {  	s28 =	simm.s32 $_size_execute0_lowered;
	s3 =	sadd.s32 s3, s5;
	[dreg:$0x0] =	wrdreg $0x0  }
0xa8: {  	s5 =	sshll.u32 s28, $0x1;
	[dreg:$0x2] =	wrdreg s3  }
0xa9: {  	[dreg:$0x3] =	wrdreg s5  }
0xaa: {  	[dreg:$0x4] =	wrdreg $0xC0  }
0xab: {  	_ =	task [dreg:s7], $0x5FFFF  }
0xac: {  	[dreg:$0x1] =	wrdreg $0xFFFFFFFF  }
0xad: {  	[dreg:$0x0] =	wrdreg $0x60  }
0xae: {  	[dreg:$0x2] =	wrdreg s24  }
0xaf: {  	[dreg:$0x3] =	wrdreg s2  }
0xb0: {  	[dreg:$0x4] =	wrdreg $0xB0000  }
0xb1: {  	[dreg:$0x5] =	wrdreg $0x9  }
0xb2: {  	_ =	task.clear_ibuf [dreg:s7], $0x6FFFF;
	_ =	strace $0x9000004F  }
0xb3: {  	s29 =	simm.s32 $0x9;
	_ =	strace $0x80000051  }
0xb4: {  	_ =	swait.ge [sflag:s29], $0x1  }
0xb5: {  	[sflag:s29] =	ssyncadd.s32 $0xFFFFFFFF  }
0xb6: {  	_ =	strace $0x90000051  }
0xb7: {  	_ =	sfence  }
0xb8: {  	s30 =	sld [smem:$0x0];
	_ =	sdelay $0x2  }
0xb9: {  	s31 =	sshll.u32 s1, $0xD;
	s1 =	sshrl.u32 s1, $0x2  }
0xba: {  	s3 =	sand.u32 $0x4000, s31;
	s1 =	sadd.s32 s1, s30  }
0xbb: {  	s0 =	sor.u32 s3, s0;
	s1 =	sshll.u32 s1, $0x11  }
0xbc: {  	s0 =	sor.u32 s1, s0  }
0xbd: {  	s0 =	sadd.s32 $0x8F2B, s0  }
0xbe: {  	[sflag:s0] =	ssyncadd.remote.s32 $0x1  }
0xbf: {  	_ =	sfence.sel $0xFFFF  }
0xc0: {  	[dreg:$0x0] =	wrdreg $0xFFFFFFFF;
	(pc) =	sbr.abs _section_cstart, $3  }
0xc1: {  	[dreg:$0x1] =	wrdreg $0xFFFFFFFF  }
0xc2: {  	_ =	task.clear_ibuf [dreg:s7], $0x2FFFF;
	_ =	strace $0x9FFFFFFF  }
0xc3: {  	(tm) =	ssettm $0x7FFFFFFF  }
tec
execute0_lowered:
.L_overlay_start_1:
0x0: {  	(tag) =	ssettag $0x1  }
0x1: {  	s5 =	rddreg [dreg:$0x0]  }
0x2: {  	s7 =	rddreg [dreg:$0x1]  }
0x3: {  	s2 =	rddreg [dreg:$0x2]  }
0x4: {  	s3 =	simm.s32 $0x0;
	s1 =	stileid.u32;
	s4 =	srdreg.scid  }
0x5: {  	s16 =	simm.s32 $0x3000;
	s17 =	simm.s32 $0x7000;
	s18 =	simm.s32 $0x4  }
0x6: {  	s19 =	simm.s32 $0x2;
	s20 =	simm.s32 $0x2F80;
	s21 =	simm.s32 $0x0  }
0x7: {  	[smem:$0x7FF] =	sst s3;
	s6 =	smul.u32 $0x14000, s1;
	s8 =	sand.u32 $0x1, s4  }
0x8: {  	s4 =	sadd.s32 $0x34A00, s5;
	s11 =	sadd.s32 $0x2A00, s5;
	s25 =	smul.u32 $0x50000, s1  }
0x9: {  	s12 =	sshll.u32 s1, $0x1;
	s28 =	smul.u32 $0x5000, s1;
	s29 =	sshll.u32 s1, $0x6  }
0xa: {  	_ =	strace $0x80000050;
	s9 =	smul.u32 $0x140000, s8;
	s12 =	sor.u32 s8, s12  }
0xb: {  	s26 =	ssub.s32 $0x2, s8;
	s8 =	smul.u32 $0x2800, s8;
	s10 =	sshrl.u32 s6, $0x3  }
0xc: {  	s12 =	smul.u32 $0x2800, s12;
	s14 =	sshrl.u32 s26, $0x1;
	s6 =	sadd.s32 s6, s9  }
0xd: {  	s10 =	sadd.s32 s10, s5;
	s9 =	sshrl.u32 s25, $0x2;
	s14 =	ssub.s32 s26, s14  }
0xe: {  	s8 =	sadd.s32 s8, s28;
	s6 =	sshrl.u32 s6, $0x3;
	s15 =	sadd.s32 s9, s2  }
0xf: {  	s30 =	sshrl.u32 s12, $0x3;
	s31 =	sor.u32 $0x80, s8;
	s13 =	sadd.s32 s6, s5  }
0x10: {  	s5 =	sadd.s32 $0xCA00, s10;
	s6 =	sor.u32 $0x1C03, s29;
	s7 =	sadd.s32 s7, s30  }
0x11: {  	s8 =	sadd.s32 s11, s30;
	s12 =	sshrl.u32 s31, $0x3;
	s10 =	smax.u32 s14, $0x1  }
0x12: {  	s14 =	simm.s32 $0x2800;
	s9 =	sadd.s32 $0x5CA00, s13;
	s11 =	sadd.s32 s12, s11  }
0x13: {  	s12 =	sshrl.u32 s15, $0x3;
	s13 =	simm.s32 $0x3;
	s15 =	simm.s32 $0x80  }
.LBB2_1:
0x14: {  	[spmem:s12], [sflag:s6] =	dma.local [hbm:s5], $0x2800  }
0x15: {  	_ =	swait.ge [sflag:s13], $0x2800  }
0x16: {  	[sflag:s13] =	ssyncset.done $0x0  }
0x17: {  	[sflag:s13] =	ssyncadd.s32 $0xFFFFD800  }
0x18: {  	[tilespmem:s3], [sflag:$0x3] =	stream.linear.gather [hbm4b:s7+s3], $0x2800, $0x38;
	[tilespmem:$0x1F000] =	vst v63  }
0x19: {  	_ =	swait.ge [sflag:s13], $0x2800  }
0x1a: {  	[sflag:s13] =	ssyncset.done $0x0  }
0x1b: {  	[sflag:s13] =	ssyncadd.s32 $0xFFFFD800  }
0x1c: {  	[tilespmem:s14], [sflag:$0x3] =	stream.linear.gather [hbm4b:s8+s3], $0x800, $0x38;
	[tilespmem:$0x1F000] =	vst v63  }
0x1d: {  	_ =	swait.ge [sflag:s13], $0x800  }
0x1e: {  	[sflag:s13] =	ssyncset.done $0x0  }
0x1f: {  	[sflag:s13] =	ssyncadd.s32 $0xFFFFF800  }
0x20: {  	s22 =	simm.s32 $0x1;
	[bflag:$0x0] =	sbarrier.arrive $0xFFFF  }
0x21: {  	[tilespmem:s16], [sflag:$0x1] =	stream.indirect.gather [hbm4b:s4+s15], $0x80, s3, s15, $0xb8;
	[tilespmem:$0x1F000] =	vst v63  }
0x22: {  	_ =	swait.ge [sflag:s22], $0x4000  }
0x23: {  	[sflag:s22] =	ssyncset.done $0x0  }
0x24: {  	[sflag:s22] =	ssyncadd.s32 $0xFFFFC000  }
0x25: {  	[tilespmem:s17], [sflag:$0x2] =	stream.indirect.gather [hbm4b:s4+s15], $0x80, s15, s15, $0xb8;
	[tilespmem:$0x1F000] =	vst v63  }
0x26: {  	s24 =	sand.u32 $0xF, s22  }
0x27: {  	[spmem:s2] =	stream.indirect.scatter.add.f32 [tilespmem:s16], [sflag:$0x4], $0x80, s14, s15, $0xb8;
	[tilespmem:$0x1F000] =	vst v63  }
0x28: {  	p1 =	sne.s32 s24, $0x0;
	_ =	swait.ge [sflag:s18], $0x4000  }
0x29: {  	s23 =	simm.s32 @!p1 $0x0;
	[sflag:s18] =	ssyncset.done $0x0  }
0x2a: {  	s25 =	simm.s32 @!p1 $0x2800;
	s26 =	simm.s32 @!p1 $0x4;
	[sflag:s18] =	ssyncadd.s32 $0xFFFFC000  }
0x2b: {  	[tilespmem:s25], [sflag:$0x4] =	stream.linear.gather @!p1 [hbm4b:s11+s23], $0x800, $0x38;
	[tilespmem:$0x1F000] =	vst v63  }
0x2c: {  	s22 =	sand.u32 $0x1, s22;
	_ =	swait.ge @!p1 [sflag:s26], $0x800  }
0x2d: {  	p0 =	seq.s32 s22, $0x1;
	[sflag:s26] =	ssyncset.done @!p1 $0x0  }
0x2e: {  	s22 =	simm.s32 @p0 $0x2;
	[sflag:s26] =	ssyncadd.s32 @!p1 $0xFFFFF800  }
0x2f: {  	_ =	swait.ge @p0 [sflag:s22], $0x4000  }
0x30: {  	s25 =	simm.s32 $0x100;
	s23 =	simm.s32 @p0 $0x3000;
	[sflag:s22] =	ssyncset.done @p0 $0x0  }
0x31: {  	s26 =	sshll.u32 @p0 s24, $0x7;
	[sflag:s22] =	ssyncadd.s32 @p0 $0xFFFFC000;
	s22 =	simm.s32 @p0 $0x80  }
0x32: {  	[tilespmem:s23], [sflag:$0x1] =	stream.indirect.gather @p0 [hbm4b:s4+s22], $0x80, s25, s22, $0xb8;
	[tilespmem:$0x1F000] =	vst v63  }
0x33: {  	s29 =	simm.s32 @!p0 $0x1;
	s23 =	sor.u32 @p0 $0x2800, s26;
	s26 =	simm.s32 @p0 $0x7000  }
0x34: {  	[spmem:s2] =	stream.indirect.scatter.add.f32 @p0 [tilespmem:s26], [sflag:$0x3], $0x80, s23, s22, $0xb8;
	[tilespmem:$0x1F000] =	vst v63  }
0x35: {  	s28 =	simm.s32 @!p0 $0x4;
	_ =	swait.ge @!p0 [sflag:s29], $0x4000  }
0x36: {  	s28 =	simm.s32 @p0 $0x3;
	s24 =	sshll.u32 @!p0 s24, $0x7;
	[sflag:s29] =	ssyncset.done @!p0 $0x0  }
0x37: {  	s22 =	simm.s32 @!p0 $0x7000;
	s26 =	simm.s32 @!p0 $0x80;
	[sflag:s29] =	ssyncadd.s32 @!p0 $0xFFFFC000  }
0x38: {  	[tilespmem:s22], [sflag:$0x2] =	stream.indirect.gather @!p0 [hbm4b:s4+s26], $0x80, s25, s26, $0xb8;
	[tilespmem:$0x1F000] =	vst v63  }
0x39: {  	s23 =	simm.s32 $0x2;
	s22 =	sor.u32 @!p0 $0x2800, s24;
	s24 =	simm.s32 @!p0 $0x3000  }
0x3a: {  	[spmem:s2] =	stream.indirect.scatter.add.f32 @!p0 [tilespmem:s24], [sflag:$0x4], $0x80, s22, s26, $0xb8;
	[tilespmem:$0x1F000] =	vst v63  }
0x3b: {  	s25 =	sadd.s32 $0x10, s11;
	s26 =	simm.s32 $0x3;
	_ =	swait.ge [sflag:s28], $0x4000  }
0x3c: {  	s24 =	sand.u32 $0xF, s23;
	s22 =	simm.s32 $0x180;
	[sflag:s28] =	ssyncset.done $0x0  }
.LBB2_2:
0x3d: {  	p2 =	sne.s32 s24, $0x0  }
0x3e: {  	[sflag:s28] =	ssyncadd.s32 $0xFFFFC000;
	s28 =	smov.u32 s26;
	s26 =	sadd.s32 $0x1, s26  }
0x3f: {  	s29 =	simm.s32 @!p2 $0x0;
	s30 =	simm.s32 @!p2 $0x2800;
	s31 =	simm.s32 @!p2 $0x4  }
0x40: {  	[tilespmem:s30], [sflag:$0x4] =	stream.linear.gather @!p2 [hbm4b:s25+s29], $0x800, $0x38;
	[tilespmem:$0x1F000] =	vst v63  }
0x41: {  	s23 =	sand.u32 $0x1, s23;
	p0 =	sne.s32 s26, $0x4F;
	_ =	swait.ge @!p2 [sflag:s31], $0x800  }
0x42: {  	p1 =	seq.s32 s23, $0x1;
	s23 =	smov.u32 s28;
	[sflag:s31] =	ssyncset.done @!p2 $0x0  }
0x43: {  	s29 =	simm.s32 @p1 $0x2;
	s28 =	simm.s32 @!p1 $0x4;
	[sflag:s31] =	ssyncadd.s32 @!p2 $0xFFFFF800  }
0x44: {  	_ =	swait.ge @p1 [sflag:s29], $0x4000  }
0x45: {  	s30 =	simm.s32 @p1 $0x3000;
	[sflag:s29] =	ssyncset.done @p1 $0x0  }
0x46: {  	s31 =	sshll.u32 @p1 s24, $0x7;
	[sflag:s29] =	ssyncadd.s32 @p1 $0xFFFFC000;
	s29 =	simm.s32 @p1 $0x80  }
0x47: {  	[tilespmem:s30], [sflag:$0x1] =	stream.indirect.gather @p1 [hbm4b:s4+s29], $0x80, s22, s29, $0xb8;
	[tilespmem:$0x1F000] =	vst v63  }
0x48: {  	s0 =	simm.s32 @!p1 $0x1;
	s30 =	sor.u32 @p1 $0x2800, s31;
	s31 =	simm.s32 @p1 $0x7000  }
0x49: {  	[spmem:s2] =	stream.indirect.scatter.add.f32 @p1 [tilespmem:s31], [sflag:$0x3], $0x80, s30, s29, $0xb8;
	[tilespmem:$0x1F000] =	vst v63  }
0x4a: {  	_ =	swait.ge @!p1 [sflag:s0], $0x4000  }
0x4b: {  	s29 =	simm.s32 @!p1 $0x7000;
	[sflag:s0] =	ssyncset.done @!p1 $0x0  }
0x4c: {  	s24 =	sshll.u32 @!p1 s24, $0x7;
	[sflag:s0] =	ssyncadd.s32 @!p1 $0xFFFFC000;
	s0 =	simm.s32 @!p1 $0x80  }
0x4d: {  	[tilespmem:s29], [sflag:$0x2] =	stream.indirect.gather @!p1 [hbm4b:s4+s0], $0x80, s22, s0, $0xb8;
	[tilespmem:$0x1F000] =	vst v63  }
.Ltmp0:
0x4e: {  	_ = 	snop;
	(pc) =	sbr.rel @p0 .LBB2_2-.Ltmp0, $4  }
0x4f: {  	s28 =	simm.s32 @p1 $0x3;
	s24 =	sor.u32 @!p1 $0x2800, s24;
	s29 =	simm.s32 @!p1 $0x3000  }
0x50: {  	[spmem:s2] =	stream.indirect.scatter.add.f32 @!p1 [tilespmem:s29], [sflag:$0x4], $0x80, s24, s0, $0xb8;
	[tilespmem:$0x1F000] =	vst v63  }
0x51: {  	s25 =	sadd.s32 $0x10, s25;
	_ =	swait.ge [sflag:s28], $0x4000  }
0x52: {  	s22 =	sadd.s32 $0x80, s22;
	s24 =	sand.u32 $0xF, s23;
	[sflag:s28] =	ssyncset.done $0x0  }
0x53: {  	p1 =	sne.s32 s24, $0x0;
	[sflag:s28] =	ssyncadd.s32 $0xFFFFC000  }
0x54: {  	s0 =	simm.s32 @!p1 $0x0;
	s26 =	simm.s32 @!p1 $0x2800;
	s28 =	simm.s32 @!p1 $0x4  }
0x55: {  	[tilespmem:s26], [sflag:$0x4] =	stream.linear.gather @!p1 [hbm4b:s25+s0], $0x800, $0x38;
	[tilespmem:$0x1F000] =	vst v63  }
0x56: {  	s31 =	sand.u32 $0x1, s23;
	_ =	swait.ge @!p1 [sflag:s28], $0x800  }
0x57: {  	p0 =	seq.s32 s31, $0x1;
	[sflag:s28] =	ssyncset.done @!p1 $0x0  }
0x58: {  	s0 =	simm.s32 @p0 $0x2;
	[sflag:s28] =	ssyncadd.s32 @!p1 $0xFFFFF800  }
0x59: {  	_ =	swait.ge @p0 [sflag:s0], $0x4000  }
0x5a: {  	s23 =	simm.s32 @p0 $0x3000;
	[sflag:s0] =	ssyncset.done @p0 $0x0  }
0x5b: {  	s25 =	sshll.u32 @p0 s24, $0x7;
	[sflag:s0] =	ssyncadd.s32 @p0 $0xFFFFC000;
	s0 =	simm.s32 @p0 $0x80  }
0x5c: {  	[tilespmem:s23], [sflag:$0x1] =	stream.indirect.gather @p0 [hbm4b:s4+s0], $0x80, s22, s0, $0xb8;
	[tilespmem:$0x1F000] =	vst v63  }
0x5d: {  	s26 =	simm.s32 @!p0 $0x1;
	s23 =	sor.u32 @p0 $0x2800, s25;
	s25 =	simm.s32 @p0 $0x7000  }
0x5e: {  	[spmem:s2] =	stream.indirect.scatter.add.f32 @p0 [tilespmem:s25], [sflag:$0x3], $0x80, s23, s0, $0xb8;
	[tilespmem:$0x1F000] =	vst v63  }
0x5f: {  	_ =	swait.ge @!p0 [sflag:s26], $0x4000  }
0x60: {  	s24 =	sshll.u32 @!p0 s24, $0x7;
	s0 =	simm.s32 @!p0 $0x4;
	[sflag:s26] =	ssyncset.done @!p0 $0x0  }
0x61: {  	s23 =	simm.s32 @!p0 $0x7000;
	s25 =	simm.s32 @!p0 $0x80;
	[sflag:s26] =	ssyncadd.s32 @!p0 $0xFFFFC000  }
0x62: {  	[tilespmem:s23], [sflag:$0x2] =	stream.indirect.gather @!p0 [hbm4b:s4+s25], $0x80, s22, s25, $0xb8;
	[tilespmem:$0x1F000] =	vst v63  }
0x63: {  	s0 =	simm.s32 @p0 $0x3;
	s22 =	sor.u32 @!p0 $0x2800, s24;
	s23 =	simm.s32 @!p0 $0x3000  }
0x64: {  	[spmem:s2] =	stream.indirect.scatter.add.f32 @!p0 [tilespmem:s23], [sflag:$0x4], $0x80, s22, s25, $0xb8;
	[tilespmem:$0x1F000] =	vst v63  }
0x65: {  	_ =	swait.ge [sflag:s0], $0x4000  }
0x66: {  	[sflag:s0] =	ssyncset.done $0x0  }
0x67: {  	[sflag:s0] =	ssyncadd.s32 $0xFFFFC000  }
0x68: {  	_ =	swait.ge [sflag:s19], $0x4000  }
0x69: {  	[sflag:s19] =	ssyncset.done $0x0  }
0x6a: {  	[sflag:s19] =	ssyncadd.s32 $0xFFFFC000  }
0x6b: {  	[spmem:s2] =	stream.indirect.scatter.add.f32 [tilespmem:s17], [sflag:$0x3], $0x80, s20, s15, $0xb8;
	[tilespmem:$0x1F000] =	vst v63  }
0x6c: {  	_ =	swait.ge [sflag:s13], $0x4000  }
0x6d: {  	s21 =	sadd.s32 $0x1, s21;
	[sflag:s13] =	ssyncset.done $0x0  }
0x6e: {  	p0 =	sne.s32 s21, s10;
	[sflag:s13] =	ssyncadd.s32 $0xFFFFC000  }
.Ltmp1:
0x6f: {  	[bflag:$0x0] =	sbarrier.arrive $0xFFFF;
	(pc) =	sbr.rel @p0 .LBB2_1-.Ltmp1, $4  }
0x70: {  	[hbm:s9], [sflag:s6] =	dma.local [spmem:s12], $0x2800  }
0x71: {  	_ =	swait.ge [sflag:s13], $0x2800  }
0x72: {  	[sflag:s13] =	ssyncset.done $0x0  }
0x73: {  	[sflag:s13] =	ssyncadd.s32 $0xFFFFD800  }
0x74: {  	_ =	sfence.sel $0x180000  }
0x75: {  	[bflag:$0x0] =	sbarrier.arrive $0xFFFF  }
0x76: {  	_ =	strace $0x90000050  }
0x77: {  	[bflag:$0x2] =	sbarrier.arrive $0xFFFF  }
0x78: {  	p0 =	sne.s32 s1, $0x0;
	s0 =	rddreg [dreg:$0x3]  }
0x79: {  	s0 =	sadd.s32 @!p0 $0x100000, s0  }
0x7a: {  	[sflag:s0] =	ssyncadd.tile.s32 @!p0 $0x1;
	_ =	shalt  }
.Lfunc_end2:
_tile_overlayer_lowered:
.L_overlay_start_2:
0x7b: {  	(tag) =	ssettag $0x2  }
0x7c: {  	s0 =	rddreg [dreg:$0x0];
	s2 =	stileid.u32  }
0x7d: {  	s1 =	rddreg [dreg:$0x1];
	p0 =	sne.s32 s2, $0x0  }
0x7e: {  	s3 =	rddreg [dreg:$0x2];
	[bflag:$0x3] =	sbarrier.arrive $0xFFFF;
	s2 =	simm.s32 @!p0 $0x1C03  }
0x7f: {  	[timem:s3], [sflag:s2] =	dma.local @!p0 [hbm:s0], s1  }
0x80: {  	s0 =	simm.s32 @!p0 $0x3  }
0x81: {  	_ =	swait.ge @!p0 [sflag:s0], s1  }
0x82: {  	s1 =	ssub.s32 @!p0 $0x0, s1;
	[sflag:s0] =	ssyncset.done @!p0 $0x0  }
0x83: {  	[sflag:s0] =	ssyncadd.s32 @!p0 s1  }
0x84: {  	[bflag:$0x3] =	sbarrier.arrive $0xFFFF  }
0x85: {  	_ =	shalt  }

// kernel: kernel.24.cloned.1.call-start
scs
__scs_entry_jumppad:
0x0: {  	(pc) =	sbr.rel $0x88, $3  }
0x1: {  	(tag) =	ssettag $0x0;
	lr =	simm.s32 $0x1  }
0x2: {  	[smem:$0x3F9D] =	sst lr;
	_ =	strace $0xD0000000  }
0x3: {  	_ = 	snop  }
0x4: {  	_ = 	snop  }
0x5: {  	_ = 	snop  }
0x6: {  	_ = 	snop  }
0x7: {  	_ = 	snop  }
__scs_overlays_trampoline_lowered:
0x8: {  	[smem:$0x3FAC] =	sst s0  }
0x9: {  	[smem:$0x3FAD] =	sst s1  }
0xa: {  	[smem:$0x3FAE] =	sst s2  }
0xb: {  	[smem:$0x3FAF] =	sst s3  }
0xc: {  	[smem:$0x3FB0] =	sst s4  }
0xd: {  	[smem:$0x3FB1] =	sst s5  }
0xe: {  	[smem:$0x3FB2] =	sst s6  }
0xf: {  	[smem:$0x3FB3] =	sst s7  }
0x10: {  	[smem:$0x3FB4] =	sst s8  }
0x11: {  	[smem:$0x3FB5] =	sst s9;
	s0 =	simm.s32 @!p0 $0x0  }
0x12: {  	s1 =	sld [smem:$0x3F9B];
	s0 =	simm.s32 @p0 $0x1  }
0x13: {  	[smem:$0x3FB6] =	sst s0;
	s0 =	simm.s32 @!p1 $0x0  }
0x14: {  	s2 =	sld [smem:$0x3F9A];
	s0 =	simm.s32 @p1 $0x1  }
0x15: {  	[smem:$0x3FB7] =	sst s0;
	s0 =	simm.s32 @!p2 $0x0  }
0x16: {  	s3 =	sld [smem:$0x3FDB];
	s0 =	simm.s32 @p2 $0x1  }
0x17: {  	s4 =	simm.s32 $0x1BF5;
	[smem:$0x3FB9] =	sst s0  }
0x18: {  	s0 =	sld [smem:$0x3F9C];
	_ =	swait.ge [sflag:s4], $0x0  }
0x19: {  	s7 =	sld [smem:$0x3F9D]  }
0x1a: {  	s8 =	sadd.s32 $0xFFFFE003, lr  }
0x1b: {  	s9 =	sadd.s32 $0xFFFFFEF7, lr;
	s5 =	simm.s32 $0xFFFFFFFF;
	p2 =	slt.u32 s8, $0xFFFFF086  }
0x1c: {  	p1 =	slt.u32 s9, $0xF7A;
	s5 =	simm.s32 @!p2 $0x0  }
0x1d: {  	s5 =	simm.s32 @p1 $0x1;
	p0 =	seq.s32 s7, s2  }
0x1e: {  	s7 =	smul.u32 @!p0 $0xF7A, s2;
	p2 =	seq.s32 @!p0 s5, $0x0  }
0x1f: {  	s9 =	smul.u32 $0xF7A, s1;
	s8 =	simm.s32 @!p0 $0x1BF5;
	p2 =	por !p2, p0  }
0x20: {  	[sflag:s8] =	ssyncset.s32 @!p0 $0xFFFFF086;
	s6 =	sadd.s32 @!p0 s3, s7;
	s7 =	simm.s32 @!p0 $0x108  }
0x21: {  	s3 =	sadd.s32 s3, s9;
	s6 =	sadd.s32 @!p0 $0x88, s6;
	s7 =	simm.s32 @p2 $0x1082  }
0x22: {  	[simem:s7], [sflag:s8] =	dma.local @!p0 [hbm:s6], $0xF7A  }
0x23: {  	s9 =	sor.u32 $0xD0000000, s2;
	s6 =	simm.s32 $0x108;
	_ =	swait.ge @!p0 [sflag:s8], $0x0  }
0x24: {  	s3 =	sadd.s32 $0x88, s3;
	s6 =	simm.s32 @!p1 $0x1082;
	[sflag:s4] =	ssyncset.s32 $0xFFFFF086  }
0x25: {  	[simem:s6], [sflag:s4] =	dma.local [hbm:s3], $0xF7A  }
0x26: {  	[smem:$0x3F9D] =	sst s1;
	(tag) =	ssettag s2;
	_ =	strace s9  }
0x27: {  	s1 =	sld [smem:$0x3FAD]  }
0x28: {  	s2 =	sld [smem:$0x3FAE]  }
0x29: {  	s4 =	sld [smem:$0x3FB0]  }
0x2a: {  	p0 =	seq.s32 s5, $0x0;
	s5 =	sld [smem:$0x3FB1]  }
0x2b: {  	s6 =	sld [smem:$0x3FB2]  }
0x2c: {  	s7 =	sld [smem:$0x3FB3]  }
0x2d: {  	s3 =	simm.s32 $0x108;
	s8 =	sld [smem:$0x3FB4]  }
0x2e: {  	s3 =	simm.s32 @!p0 $0x1082;
	s9 =	sld [smem:$0x3FB5]  }
0x2f: {  	lr =	sadd.s32 s0, s3;
	s0 =	sld [smem:$0x3FAC]  }
0x30: {  	s3 =	sld [smem:$0x3FAF]  }
0x31: {  	[smem:$0x3FB8] =	sst s10  }
0x32: {  	s10 =	sld [smem:$0x3FB6];
	_ =	sdelay $0x3  }
0x33: {  	p0 =	seq.s32 s10, $0x1;
	s10 =	sld [smem:$0x3FB8];
	_ =	sdelay $0x3  }
0x34: {  	[smem:$0x3FB8] =	sst s10  }
0x35: {  	s10 =	sld [smem:$0x3FB7];
	_ =	sdelay $0x3  }
0x36: {  	p1 =	seq.s32 s10, $0x1;
	s10 =	sld [smem:$0x3FB8];
	_ =	sdelay $0x3  }
0x37: {  	[smem:$0x3FB8] =	sst s10  }
0x38: {  	s10 =	sld [smem:$0x3FB9]  }
0x39: {  	_ = 	snop;
	(pc) =	sbr.ind lr, $3  }
0x3a: {  	_ = 	snop  }
0x3b: {  	_ = 	snop  }
0x3c: {  	p2 =	seq.s32 s10, $0x1;
	s10 =	sld [smem:$0x3FB8]  }
0x3d: {  	_ =	shalt  }
0x3e: {  	_ =	shalt  }
0x3f: {  	_ =	shalt  }
0x40: {  	_ =	shalt  }
0x41: {  	_ =	shalt  }
0x42: {  	_ =	shalt  }
0x43: {  	_ =	shalt  }
0x44: {  	_ =	shalt  }
0x45: {  	_ =	shalt  }
0x46: {  	_ =	shalt  }
0x47: {  	_ =	shalt  }
0x48: {  	_ =	shalt  }
0x49: {  	_ =	shalt  }
0x4a: {  	_ =	shalt  }
0x4b: {  	_ =	shalt  }
0x4c: {  	_ =	shalt  }
0x4d: {  	_ =	shalt  }
0x4e: {  	_ =	shalt  }
0x4f: {  	_ =	shalt  }
0x50: {  	_ =	shalt  }
0x51: {  	_ =	shalt  }
0x52: {  	_ =	shalt  }
0x53: {  	_ =	shalt  }
0x54: {  	_ =	shalt  }
0x55: {  	_ =	shalt  }
0x56: {  	_ =	shalt  }
0x57: {  	_ =	shalt  }
0x58: {  	_ =	shalt  }
0x59: {  	_ =	shalt  }
0x5a: {  	_ =	shalt  }
0x5b: {  	_ =	shalt  }
0x5c: {  	_ =	shalt  }
0x5d: {  	_ =	shalt  }
0x5e: {  	_ =	shalt  }
0x5f: {  	_ =	shalt  }
0x60: {  	_ =	shalt  }
0x61: {  	_ =	shalt  }
0x62: {  	_ =	shalt  }
0x63: {  	_ =	shalt  }
0x64: {  	_ =	shalt  }
0x65: {  	_ =	shalt  }
0x66: {  	_ =	shalt  }
0x67: {  	_ =	shalt  }
0x68: {  	_ =	shalt  }
0x69: {  	_ =	shalt  }
0x6a: {  	_ =	shalt  }
0x6b: {  	_ =	shalt  }
0x6c: {  	_ =	shalt  }
0x6d: {  	_ =	shalt  }
0x6e: {  	_ =	shalt  }
0x6f: {  	_ =	shalt  }
0x70: {  	_ =	shalt  }
0x71: {  	_ =	shalt  }
0x72: {  	_ =	shalt  }
0x73: {  	_ =	shalt  }
0x74: {  	_ =	shalt  }
0x75: {  	_ =	shalt  }
0x76: {  	_ =	shalt  }
0x77: {  	_ =	shalt  }
0x78: {  	_ =	shalt  }
0x79: {  	_ =	shalt  }
0x7a: {  	_ =	shalt  }
0x7b: {  	_ =	shalt  }
0x7c: {  	_ =	shalt  }
0x7d: {  	_ =	shalt  }
0x7e: {  	_ =	shalt  }
0x7f: {  	_ =	shalt  }
0x80: {  	_ =	shalt  }
0x81: {  	_ =	shalt  }
0x82: {  	_ =	shalt  }
0x83: {  	_ =	shalt  }
0x84: {  	_ =	shalt  }
0x85: {  	_ =	shalt  }
0x86: {  	_ =	shalt  }
0x87: {  	_ =	shalt  }
.Lfunc_end0:
.L_simem_size_0:
called_computation.4_lowered:
.L_overlay_start_0:
0x88: {  	s2 =	sld [smem:$0x3FD9]  }
0x89: {  	s3 =	sld [smem:$0x3FFE];
	_ =	sdelay $0x1  }
0x8a: {  	s1 =	srdreg.scid  }
0x8b: {  	s0 =	sand.u32 $0x1, s1  }
0x8c: {  	s17 =	sshll.u32 s0, $0xA;
	s2 =	sadd.s32 s3, s2  }
0x8d: {  	s2 =	sadd.s32 s2, s17  }
0x8e: {  	[smem:$0x3FC4] =	sst s2  }
0x8f: {  	_ = 	snop  }
0x90: {  	s2 =	sld [smem:$0x3FD0];
	(tm) =	ssettm $0x1  }
0x91: {  	s18 =	sld [smem:$0x3FFB];
	_ =	sdelay $0x3  }
0x92: {  	_ =	strace s18  }
0x93: {  	s3 =	sld [smem:$0x3FFC];
	_ =	sdelay $0x3  }
0x94: {  	_ =	strace s3  }
0x95: {  	s3 =	sld [smem:$0x3FFD];
	_ =	sdelay $0x3  }
0x96: {  	_ =	strace s3  }
0x97: {  	_ =	strace $0x8FFFFFFF  }
0x98: {  	s19 =	sld [smem:$0x3FDB];
	_ =	sdelay $0x1  }
0x99: {  	s4 =	simm.s32 $_scs_section_size  }
0x9a: {  	s5 =	simm.s32 $_size__tile_overlayer_lowered;
	s6 =	simm.s32 $_tile_overlayer_lowered  }
0x9b: {  	s22 =	simm.s32 $0x1BFF;
	s21 =	sshll.u32 s6, $0x1;
	s3 =	sadd.s32 s4, s19  }
0x9c: {  	s7 =	simm.s32 $0x0;
	s20 =	sshll.u32 s5, $0x1;
	s5 =	sadd.s32 s21, s3  }
0x9d: {  	[timem:s7], [sflag:s22] =	dma.local [hbm:s5], s20  }
0x9e: {  	_ =	swait.ge [sflag:s22], s20  }
0x9f: {  	s4 =	ssub.s32 $0x0, s20;
	[sflag:s22] =	ssyncset.done $0x0  }
0xa0: {  	[sflag:s22] =	ssyncadd.s32 s4;
	_ =	sdelay $0x1  }
0xa1: {  	s23 =	simm.s32 $0x1B8B  }
0xa2: {  	_ =	swait.ge [sflag:s23], $0x1  }
0xa3: {  	[sflag:s23] =	ssyncset.done $0x0  }
0xa4: {  	s25 =	simm.s32 $0x1B8E;
	s24 =	sld [smem:$0x3FFE];
	[sflag:s23] =	ssyncadd.s32 $0xFFFFFFFF  }
0xa5: {  	s26 =	simm.s32 $execute0_lowered;
	[smem:$0x3FD2] =	sst s25  }
0xa6: {  	s5 =	sshll.u32 s26, $0x1;
	_ =	strace $0x80000052;
	[dreg:$0x1] =	wrdreg $0xFFFFFFFF  }
0xa7: {  	s28 =	simm.s32 $_size_execute0_lowered;
	s3 =	sadd.s32 s3, s5;
	[dreg:$0x0] =	wrdreg $0x0  }
0xa8: {  	s5 =	sshll.u32 s28, $0x1;
	[dreg:$0x2] =	wrdreg s3  }
0xa9: {  	[dreg:$0x3] =	wrdreg s5  }
0xaa: {  	[dreg:$0x4] =	wrdreg $0xC0  }
0xab: {  	_ =	task [dreg:s7], $0x5FFFF  }
0xac: {  	[dreg:$0x1] =	wrdreg $0xFFFFFFFF  }
0xad: {  	[dreg:$0x0] =	wrdreg $0x60  }
0xae: {  	[dreg:$0x2] =	wrdreg s24  }
0xaf: {  	[dreg:$0x3] =	wrdreg s2  }
0xb0: {  	[dreg:$0x4] =	wrdreg $0xB0000  }
0xb1: {  	[dreg:$0x5] =	wrdreg $0x9  }
0xb2: {  	_ =	task.clear_ibuf [dreg:s7], $0x6FFFF;
	_ =	strace $0x90000052  }
0xb3: {  	s29 =	simm.s32 $0x9;
	_ =	strace $0x80000054  }
0xb4: {  	_ =	swait.ge [sflag:s29], $0x1  }
0xb5: {  	[sflag:s29] =	ssyncadd.s32 $0xFFFFFFFF  }
0xb6: {  	_ =	strace $0x90000054  }
0xb7: {  	_ =	sfence  }
0xb8: {  	s30 =	sld [smem:$0x0];
	_ =	sdelay $0x2  }
0xb9: {  	s31 =	sshll.u32 s1, $0xD;
	s1 =	sshrl.u32 s1, $0x2  }
0xba: {  	s3 =	sand.u32 $0x4000, s31;
	s1 =	sadd.s32 s1, s30  }
0xbb: {  	s0 =	sor.u32 s3, s0;
	s1 =	sshll.u32 s1, $0x11  }
0xbc: {  	s0 =	sor.u32 s1, s0  }
0xbd: {  	s0 =	sadd.s32 $0x8F2B, s0  }
0xbe: {  	[sflag:s0] =	ssyncadd.remote.s32 $0x1  }
0xbf: {  	_ =	sfence.sel $0xFFFF  }
0xc0: {  	[dreg:$0x0] =	wrdreg $0xFFFFFFFF;
	(pc) =	sbr.abs _section_cstart, $3  }
0xc1: {  	[dreg:$0x1] =	wrdreg $0xFFFFFFFF  }
0xc2: {  	_ =	task.clear_ibuf [dreg:s7], $0x2FFFF;
	_ =	strace $0x9FFFFFFF  }
0xc3: {  	(tm) =	ssettm $0x7FFFFFFF  }
tec
execute0_lowered:
.L_overlay_start_1:
0x0: {  	(tag) =	ssettag $0x1  }
0x1: {  	s5 =	rddreg [dreg:$0x0]  }
0x2: {  	s7 =	rddreg [dreg:$0x1]  }
0x3: {  	s2 =	rddreg [dreg:$0x2]  }
0x4: {  	s3 =	simm.s32 $0x0;
	s1 =	stileid.u32;
	s4 =	srdreg.scid  }
0x5: {  	s16 =	simm.s32 $0x3000;
	s17 =	simm.s32 $0x7000;
	s18 =	simm.s32 $0x4  }
0x6: {  	s19 =	simm.s32 $0x2;
	s20 =	simm.s32 $0x2F80;
	s21 =	simm.s32 $0x0  }
0x7: {  	[smem:$0x7FF] =	sst s3;
	s6 =	smul.u32 $0x14000, s1;
	s8 =	sand.u32 $0x1, s4  }
0x8: {  	s4 =	sadd.s32 $0x34A00, s5;
	s11 =	sadd.s32 $0x2A00, s5;
	s25 =	smul.u32 $0x50000, s1  }
0x9: {  	s12 =	sshll.u32 s1, $0x1;
	s28 =	smul.u32 $0x5000, s1;
	s29 =	sshll.u32 s1, $0x6  }
0xa: {  	_ =	strace $0x80000053;
	s9 =	smul.u32 $0x140000, s8;
	s12 =	sor.u32 s8, s12  }
0xb: {  	s26 =	ssub.s32 $0x2, s8;
	s8 =	smul.u32 $0x2800, s8;
	s10 =	sshrl.u32 s6, $0x3  }
0xc: {  	s12 =	smul.u32 $0x2800, s12;
	s14 =	sshrl.u32 s26, $0x1;
	s6 =	sadd.s32 s6, s9  }
0xd: {  	s10 =	sadd.s32 s10, s5;
	s9 =	sshrl.u32 s25, $0x2;
	s14 =	ssub.s32 s26, s14  }
0xe: {  	s8 =	sadd.s32 s8, s28;
	s6 =	sshrl.u32 s6, $0x3;
	s15 =	sadd.s32 s9, s2  }
0xf: {  	s30 =	sshrl.u32 s12, $0x3;
	s31 =	sor.u32 $0x80, s8;
	s13 =	sadd.s32 s6, s5  }
0x10: {  	s5 =	sadd.s32 $0xCA00, s10;
	s6 =	sor.u32 $0x1C03, s29;
	s7 =	sadd.s32 s7, s30  }
0x11: {  	s8 =	sadd.s32 s11, s30;
	s12 =	sshrl.u32 s31, $0x3;
	s10 =	smax.u32 s14, $0x1  }
0x12: {  	s14 =	simm.s32 $0x2800;
	s9 =	sadd.s32 $0x5CA00, s13;
	s11 =	sadd.s32 s12, s11  }
0x13: {  	s12 =	sshrl.u32 s15, $0x3;
	s13 =	simm.s32 $0x3;
	s15 =	simm.s32 $0x80  }
.LBB2_1:
0x14: {  	[spmem:s12], [sflag:s6] =	dma.local [hbm:s5], $0x2800  }
0x15: {  	_ =	swait.ge [sflag:s13], $0x2800  }
0x16: {  	[sflag:s13] =	ssyncset.done $0x0  }
0x17: {  	[sflag:s13] =	ssyncadd.s32 $0xFFFFD800  }
0x18: {  	[tilespmem:s3], [sflag:$0x3] =	stream.linear.gather [hbm4b:s7+s3], $0x2800, $0x38;
	[tilespmem:$0x1F000] =	vst v63  }
0x19: {  	_ =	swait.ge [sflag:s13], $0x2800  }
0x1a: {  	[sflag:s13] =	ssyncset.done $0x0  }
0x1b: {  	[sflag:s13] =	ssyncadd.s32 $0xFFFFD800  }
0x1c: {  	[tilespmem:s14], [sflag:$0x3] =	stream.linear.gather [hbm4b:s8+s3], $0x800, $0x38;
	[tilespmem:$0x1F000] =	vst v63  }
0x1d: {  	_ =	swait.ge [sflag:s13], $0x800  }
0x1e: {  	[sflag:s13] =	ssyncset.done $0x0  }
0x1f: {  	[sflag:s13] =	ssyncadd.s32 $0xFFFFF800  }
0x20: {  	s22 =	simm.s32 $0x1;
	[bflag:$0x0] =	sbarrier.arrive $0xFFFF  }
0x21: {  	[tilespmem:s16], [sflag:$0x1] =	stream.indirect.gather [hbm4b:s4+s15], $0x80, s3, s15, $0xb8;
	[tilespmem:$0x1F000] =	vst v63  }
0x22: {  	_ =	swait.ge [sflag:s22], $0x4000  }
0x23: {  	[sflag:s22] =	ssyncset.done $0x0  }
0x24: {  	[sflag:s22] =	ssyncadd.s32 $0xFFFFC000  }
0x25: {  	[tilespmem:s17], [sflag:$0x2] =	stream.indirect.gather [hbm4b:s4+s15], $0x80, s15, s15, $0xb8;
	[tilespmem:$0x1F000] =	vst v63  }
0x26: {  	s24 =	sand.u32 $0xF, s22  }
0x27: {  	[spmem:s2] =	stream.indirect.scatter.add.f32 [tilespmem:s16], [sflag:$0x4], $0x80, s14, s15, $0xb8;
	[tilespmem:$0x1F000] =	vst v63  }
0x28: {  	p1 =	sne.s32 s24, $0x0;
	_ =	swait.ge [sflag:s18], $0x4000  }
0x29: {  	s23 =	simm.s32 @!p1 $0x0;
	[sflag:s18] =	ssyncset.done $0x0  }
0x2a: {  	s25 =	simm.s32 @!p1 $0x2800;
	s26 =	simm.s32 @!p1 $0x4;
	[sflag:s18] =	ssyncadd.s32 $0xFFFFC000  }
0x2b: {  	[tilespmem:s25], [sflag:$0x4] =	stream.linear.gather @!p1 [hbm4b:s11+s23], $0x800, $0x38;
	[tilespmem:$0x1F000] =	vst v63  }
0x2c: {  	s22 =	sand.u32 $0x1, s22;
	_ =	swait.ge @!p1 [sflag:s26], $0x800  }
0x2d: {  	p0 =	seq.s32 s22, $0x1;
	[sflag:s26] =	ssyncset.done @!p1 $0x0  }
0x2e: {  	s22 =	simm.s32 @p0 $0x2;
	[sflag:s26] =	ssyncadd.s32 @!p1 $0xFFFFF800  }
0x2f: {  	_ =	swait.ge @p0 [sflag:s22], $0x4000  }
0x30: {  	s25 =	simm.s32 $0x100;
	s23 =	simm.s32 @p0 $0x3000;
	[sflag:s22] =	ssyncset.done @p0 $0x0  }
0x31: {  	s26 =	sshll.u32 @p0 s24, $0x7;
	[sflag:s22] =	ssyncadd.s32 @p0 $0xFFFFC000;
	s22 =	simm.s32 @p0 $0x80  }
0x32: {  	[tilespmem:s23], [sflag:$0x1] =	stream.indirect.gather @p0 [hbm4b:s4+s22], $0x80, s25, s22, $0xb8;
	[tilespmem:$0x1F000] =	vst v63  }
0x33: {  	s29 =	simm.s32 @!p0 $0x1;
	s23 =	sor.u32 @p0 $0x2800, s26;
	s26 =	simm.s32 @p0 $0x7000  }
0x34: {  	[spmem:s2] =	stream.indirect.scatter.add.f32 @p0 [tilespmem:s26], [sflag:$0x3], $0x80, s23, s22, $0xb8;
	[tilespmem:$0x1F000] =	vst v63  }
0x35: {  	s28 =	simm.s32 @!p0 $0x4;
	_ =	swait.ge @!p0 [sflag:s29], $0x4000  }
0x36: {  	s28 =	simm.s32 @p0 $0x3;
	s24 =	sshll.u32 @!p0 s24, $0x7;
	[sflag:s29] =	ssyncset.done @!p0 $0x0  }
0x37: {  	s22 =	simm.s32 @!p0 $0x7000;
	s26 =	simm.s32 @!p0 $0x80;
	[sflag:s29] =	ssyncadd.s32 @!p0 $0xFFFFC000  }
0x38: {  	[tilespmem:s22], [sflag:$0x2] =	stream.indirect.gather @!p0 [hbm4b:s4+s26], $0x80, s25, s26, $0xb8;
	[tilespmem:$0x1F000] =	vst v63  }
0x39: {  	s23 =	simm.s32 $0x2;
	s22 =	sor.u32 @!p0 $0x2800, s24;
	s24 =	simm.s32 @!p0 $0x3000  }
0x3a: {  	[spmem:s2] =	stream.indirect.scatter.add.f32 @!p0 [tilespmem:s24], [sflag:$0x4], $0x80, s22, s26, $0xb8;
	[tilespmem:$0x1F000] =	vst v63  }
0x3b: {  	s25 =	sadd.s32 $0x10, s11;
	s26 =	simm.s32 $0x3;
	_ =	swait.ge [sflag:s28], $0x4000  }
0x3c: {  	s24 =	sand.u32 $0xF, s23;
	s22 =	simm.s32 $0x180;
	[sflag:s28] =	ssyncset.done $0x0  }
.LBB2_2:
0x3d: {  	p2 =	sne.s32 s24, $0x0  }
0x3e: {  	[sflag:s28] =	ssyncadd.s32 $0xFFFFC000;
	s28 =	smov.u32 s26;
	s26 =	sadd.s32 $0x1, s26  }
0x3f: {  	s29 =	simm.s32 @!p2 $0x0;
	s30 =	simm.s32 @!p2 $0x2800;
	s31 =	simm.s32 @!p2 $0x4  }
0x40: {  	[tilespmem:s30], [sflag:$0x4] =	stream.linear.gather @!p2 [hbm4b:s25+s29], $0x800, $0x38;
	[tilespmem:$0x1F000] =	vst v63  }
0x41: {  	s23 =	sand.u32 $0x1, s23;
	p0 =	sne.s32 s26, $0x4F;
	_ =	swait.ge @!p2 [sflag:s31], $0x800  }
0x42: {  	p1 =	seq.s32 s23, $0x1;
	s23 =	smov.u32 s28;
	[sflag:s31] =	ssyncset.done @!p2 $0x0  }
0x43: {  	s29 =	simm.s32 @p1 $0x2;
	s28 =	simm.s32 @!p1 $0x4;
	[sflag:s31] =	ssyncadd.s32 @!p2 $0xFFFFF800  }
0x44: {  	_ =	swait.ge @p1 [sflag:s29], $0x4000  }
0x45: {  	s30 =	simm.s32 @p1 $0x3000;
	[sflag:s29] =	ssyncset.done @p1 $0x0  }
0x46: {  	s31 =	sshll.u32 @p1 s24, $0x7;
	[sflag:s29] =	ssyncadd.s32 @p1 $0xFFFFC000;
	s29 =	simm.s32 @p1 $0x80  }
0x47: {  	[tilespmem:s30], [sflag:$0x1] =	stream.indirect.gather @p1 [hbm4b:s4+s29], $0x80, s22, s29, $0xb8;
	[tilespmem:$0x1F000] =	vst v63  }
0x48: {  	s0 =	simm.s32 @!p1 $0x1;
	s30 =	sor.u32 @p1 $0x2800, s31;
	s31 =	simm.s32 @p1 $0x7000  }
0x49: {  	[spmem:s2] =	stream.indirect.scatter.add.f32 @p1 [tilespmem:s31], [sflag:$0x3], $0x80, s30, s29, $0xb8;
	[tilespmem:$0x1F000] =	vst v63  }
0x4a: {  	_ =	swait.ge @!p1 [sflag:s0], $0x4000  }
0x4b: {  	s29 =	simm.s32 @!p1 $0x7000;
	[sflag:s0] =	ssyncset.done @!p1 $0x0  }
0x4c: {  	s24 =	sshll.u32 @!p1 s24, $0x7;
	[sflag:s0] =	ssyncadd.s32 @!p1 $0xFFFFC000;
	s0 =	simm.s32 @!p1 $0x80  }
0x4d: {  	[tilespmem:s29], [sflag:$0x2] =	stream.indirect.gather @!p1 [hbm4b:s4+s0], $0x80, s22, s0, $0xb8;
	[tilespmem:$0x1F000] =	vst v63  }
.Ltmp0:
0x4e: {  	_ = 	snop;
	(pc) =	sbr.rel @p0 .LBB2_2-.Ltmp0, $4  }
0x4f: {  	s28 =	simm.s32 @p1 $0x3;
	s24 =	sor.u32 @!p1 $0x2800, s24;
	s29 =	simm.s32 @!p1 $0x3000  }
0x50: {  	[spmem:s2] =	stream.indirect.scatter.add.f32 @!p1 [tilespmem:s29], [sflag:$0x4], $0x80, s24, s0, $0xb8;
	[tilespmem:$0x1F000] =	vst v63  }
0x51: {  	s25 =	sadd.s32 $0x10, s25;
	_ =	swait.ge [sflag:s28], $0x4000  }
0x52: {  	s22 =	sadd.s32 $0x80, s22;
	s24 =	sand.u32 $0xF, s23;
	[sflag:s28] =	ssyncset.done $0x0  }
0x53: {  	p1 =	sne.s32 s24, $0x0;
	[sflag:s28] =	ssyncadd.s32 $0xFFFFC000  }
0x54: {  	s0 =	simm.s32 @!p1 $0x0;
	s26 =	simm.s32 @!p1 $0x2800;
	s28 =	simm.s32 @!p1 $0x4  }
0x55: {  	[tilespmem:s26], [sflag:$0x4] =	stream.linear.gather @!p1 [hbm4b:s25+s0], $0x800, $0x38;
	[tilespmem:$0x1F000] =	vst v63  }
0x56: {  	s31 =	sand.u32 $0x1, s23;
	_ =	swait.ge @!p1 [sflag:s28], $0x800  }
0x57: {  	p0 =	seq.s32 s31, $0x1;
	[sflag:s28] =	ssyncset.done @!p1 $0x0  }
0x58: {  	s0 =	simm.s32 @p0 $0x2;
	[sflag:s28] =	ssyncadd.s32 @!p1 $0xFFFFF800  }
0x59: {  	_ =	swait.ge @p0 [sflag:s0], $0x4000  }
0x5a: {  	s23 =	simm.s32 @p0 $0x3000;
	[sflag:s0] =	ssyncset.done @p0 $0x0  }
0x5b: {  	s25 =	sshll.u32 @p0 s24, $0x7;
	[sflag:s0] =	ssyncadd.s32 @p0 $0xFFFFC000;
	s0 =	simm.s32 @p0 $0x80  }
0x5c: {  	[tilespmem:s23], [sflag:$0x1] =	stream.indirect.gather @p0 [hbm4b:s4+s0], $0x80, s22, s0, $0xb8;
	[tilespmem:$0x1F000] =	vst v63  }
0x5d: {  	s26 =	simm.s32 @!p0 $0x1;
	s23 =	sor.u32 @p0 $0x2800, s25;
	s25 =	simm.s32 @p0 $0x7000  }
0x5e: {  	[spmem:s2] =	stream.indirect.scatter.add.f32 @p0 [tilespmem:s25], [sflag:$0x3], $0x80, s23, s0, $0xb8;
	[tilespmem:$0x1F000] =	vst v63  }
0x5f: {  	_ =	swait.ge @!p0 [sflag:s26], $0x4000  }
0x60: {  	s24 =	sshll.u32 @!p0 s24, $0x7;
	s0 =	simm.s32 @!p0 $0x4;
	[sflag:s26] =	ssyncset.done @!p0 $0x0  }
0x61: {  	s23 =	simm.s32 @!p0 $0x7000;
	s25 =	simm.s32 @!p0 $0x80;
	[sflag:s26] =	ssyncadd.s32 @!p0 $0xFFFFC000  }
0x62: {  	[tilespmem:s23], [sflag:$0x2] =	stream.indirect.gather @!p0 [hbm4b:s4+s25], $0x80, s22, s25, $0xb8;
	[tilespmem:$0x1F000] =	vst v63  }
0x63: {  	s0 =	simm.s32 @p0 $0x3;
	s22 =	sor.u32 @!p0 $0x2800, s24;
	s23 =	simm.s32 @!p0 $0x3000  }
0x64: {  	[spmem:s2] =	stream.indirect.scatter.add.f32 @!p0 [tilespmem:s23], [sflag:$0x4], $0x80, s22, s25, $0xb8;
	[tilespmem:$0x1F000] =	vst v63  }
0x65: {  	_ =	swait.ge [sflag:s0], $0x4000  }
0x66: {  	[sflag:s0] =	ssyncset.done $0x0  }
0x67: {  	[sflag:s0] =	ssyncadd.s32 $0xFFFFC000  }
0x68: {  	_ =	swait.ge [sflag:s19], $0x4000  }
0x69: {  	[sflag:s19] =	ssyncset.done $0x0  }
0x6a: {  	[sflag:s19] =	ssyncadd.s32 $0xFFFFC000  }
0x6b: {  	[spmem:s2] =	stream.indirect.scatter.add.f32 [tilespmem:s17], [sflag:$0x3], $0x80, s20, s15, $0xb8;
	[tilespmem:$0x1F000] =	vst v63  }
0x6c: {  	_ =	swait.ge [sflag:s13], $0x4000  }
0x6d: {  	s21 =	sadd.s32 $0x1, s21;
	[sflag:s13] =	ssyncset.done $0x0  }
0x6e: {  	p0 =	sne.s32 s21, s10;
	[sflag:s13] =	ssyncadd.s32 $0xFFFFC000  }
.Ltmp1:
0x6f: {  	[bflag:$0x0] =	sbarrier.arrive $0xFFFF;
	(pc) =	sbr.rel @p0 .LBB2_1-.Ltmp1, $4  }
0x70: {  	[hbm:s9], [sflag:s6] =	dma.local [spmem:s12], $0x2800  }
0x71: {  	_ =	swait.ge [sflag:s13], $0x2800  }
0x72: {  	[sflag:s13] =	ssyncset.done $0x0  }
0x73: {  	[sflag:s13] =	ssyncadd.s32 $0xFFFFD800  }
0x74: {  	_ =	sfence.sel $0x180000  }
0x75: {  	[bflag:$0x0] =	sbarrier.arrive $0xFFFF  }
0x76: {  	_ =	strace $0x90000053  }
0x77: {  	[bflag:$0x2] =	sbarrier.arrive $0xFFFF  }
0x78: {  	p0 =	sne.s32 s1, $0x0;
	s0 =	rddreg [dreg:$0x3]  }
0x79: {  	s0 =	sadd.s32 @!p0 $0x100000, s0  }
0x7a: {  	[sflag:s0] =	ssyncadd.tile.s32 @!p0 $0x1;
	_ =	shalt  }
.Lfunc_end2:
_tile_overlayer_lowered:
.L_overlay_start_2:
0x7b: {  	(tag) =	ssettag $0x2  }
0x7c: {  	s0 =	rddreg [dreg:$0x0];
	s2 =	stileid.u32  }
0x7d: {  	s1 =	rddreg [dreg:$0x1];
	p0 =	sne.s32 s2, $0x0  }
0x7e: {  	s3 =	rddreg [dreg:$0x2];
	[bflag:$0x3] =	sbarrier.arrive $0xFFFF;
	s2 =	simm.s32 @!p0 $0x1C03  }
0x7f: {  	[timem:s3], [sflag:s2] =	dma.local @!p0 [hbm:s0], s1  }
0x80: {  	s0 =	simm.s32 @!p0 $0x3  }
0x81: {  	_ =	swait.ge @!p0 [sflag:s0], s1  }
0x82: {  	s1 =	ssub.s32 @!p0 $0x0, s1;
	[sflag:s0] =	ssyncset.done @!p0 $0x0  }
0x83: {  	[sflag:s0] =	ssyncadd.s32 @!p0 s1  }
0x84: {  	[bflag:$0x3] =	sbarrier.arrive $0xFFFF  }
0x85: {  	_ =	shalt  }

</sc_bundles>
